<compile_context>
chip_gen: v7x
topology: tpu7x:2x2x1
jax: 0.10.2.dev20260603
libtpu: 0.0.44.dev20260713+nightly
codegen_flags: <defaults>
</compile_context>

<pallas_src>
import functools

import jax
import jax.numpy as jnp
from jax import lax
from jax.experimental import pallas as pl
from jax.experimental.pallas import tpu as pltpu
from jax.experimental.pallas import tpu_sc as plsc

N = 10000
NP = 10240
D = 128
E = 320000
NC = 2
NS = 16
NW = NC * NS
EPW = 10240
CHUNKS = 80
CL = 128
EP = NW * EPW
RPT = NP // NS
ROW_BLK = 2000



def _matmul_body(h_ref, wt_ref, b_ref, wa_ref, ba_ref, z_ref, a_ref):
    z = jnp.dot(h_ref[...], wt_ref[...], preferred_element_type=jnp.float32)
    z = z + b_ref[...]
    z_ref[...] = z.astype(jnp.bfloat16)
    a_ref[...] = (
        jnp.dot(z, wa_ref[...], preferred_element_type=jnp.float32) + ba_ref[...]
    )


def _fused_matmul(h, W_fc, b_fc, W_a, b_a):
    idx = jnp.arange(D)
    inv = 32 * (idx // 32) + (idx % 32) // 2 + 16 * (idx % 2)
    wt = W_fc.T[:, inv]
    bp = b_fc[inv]
    wa = W_a.reshape(2, D).T[inv, :]
    ba2 = jnp.concatenate([jnp.zeros((1,), jnp.float32), b_a])
    grid = N // ROW_BLK
    z, a = pl.pallas_call(
        _matmul_body,
        grid=(grid,),
        in_specs=[
            pl.BlockSpec((ROW_BLK, D), lambda i: (i, 0)),
            pl.BlockSpec((D, D), lambda i: (0, 0)),
            pl.BlockSpec((D,), lambda i: (0,)),
            pl.BlockSpec((D, 2), lambda i: (0, 0)),
            pl.BlockSpec((2,), lambda i: (0,)),
        ],
        out_specs=[
            pl.BlockSpec((ROW_BLK, D), lambda i: (i, 0)),
            pl.BlockSpec((ROW_BLK, 2), lambda i: (i, 0)),
        ],
        out_shape=[
            jax.ShapeDtypeStruct((NP, D), jnp.bfloat16),
            jax.ShapeDtypeStruct((NP, 2), jnp.float32),
        ],
    )(h, wt, bp, wa, ba2)
    return z, a


def _combine_body(p0_ref, p1_ref, o_ref):
    o_ref[...] = p0_ref[...] + p1_ref[...]


def _den_add_body(d_ref, o_ref):
    o_ref[...] = d_ref[0] + d_ref[1]


def _den_add(den):
    out = pl.pallas_call(
        _den_add_body,
        out_shape=jax.ShapeDtypeStruct((NP // D, D), jnp.float32),
    )(den.reshape(NC, NP // D, D))
    return out.reshape(NP)


def _combine(p0, p1):
    return pl.pallas_call(
        _combine_body,
        grid=(N // ROW_BLK,),
        in_specs=[
            pl.BlockSpec((ROW_BLK, D), lambda i: (i, 0)),
            pl.BlockSpec((ROW_BLK, D), lambda i: (i, 0)),
        ],
        out_specs=pl.BlockSpec((ROW_BLK, D), lambda i: (i, 0)),
        out_shape=jax.ShapeDtypeStruct((N, D), jnp.float32),
    )(p0, p1)



_MESH = plsc.VectorSubcoreMesh(core_axis_name="c", subcore_axis_name="s")
_SC_PARAMS = pltpu.CompilerParams(
    needs_layout_passes=False, use_tc_tiling_on_sc=False
)


@functools.partial(
    pl.kernel,
    out_type=[
        jax.ShapeDtypeStruct((NW, EPW), jnp.float32),
        jax.ShapeDtypeStruct((NC, NP), jnp.float32),
    ],
    mesh=_MESH,
    compiler_params=_SC_PARAMS,
    scratch_types=[
        pltpu.VMEM((NP,), jnp.float32),
        pltpu.VMEM((NP,), jnp.float32),
        pltpu.VMEM((CHUNKS, CL), jnp.int32),
        pltpu.VMEM((CHUNKS, CL), jnp.int32),
        pltpu.VMEM((EPW,), jnp.float32),
        pltpu.VMEM((RPT,), jnp.float32),
        pltpu.VMEM_SHARED((NP,), jnp.float32),
    ],
)
def _edge_pass_a(src_hbm, dst_hbm, a12_hbm, ex_hbm, den_hbm,
                 a1_v, a2_v, src_v, dst_v, ex_v, zero_v, den_sh):
    c = lax.axis_index("c")
    s = lax.axis_index("s")
    w = s * NC + c
    pltpu.sync_copy(a12_hbm.at[0], a1_v)
    pltpu.sync_copy(a12_hbm.at[1], a2_v)
    pltpu.sync_copy(src_hbm.at[w], src_v)
    pltpu.sync_copy(dst_hbm.at[w], dst_v)

    def zb(i, carry):
        zero_v[pl.ds(i * 16, 16)] = jnp.zeros((16,), jnp.float32)
        return carry

    lax.fori_loop(0, RPT // 16, zb, 0)
    pltpu.sync_copy(zero_v, den_sh.at[pl.ds(s * RPT, RPT)])
    plsc.subcore_barrier()

    iota16 = lax.iota(jnp.int32, 16)
    wbase = w * EPW

    def chunk_body(j, carry):
        for k in range(CL // 16):
            srcv = src_v[j, pl.ds(k * 16, 16)]
            dstv = dst_v[j, pl.ds(k * 16, 16)]
            a1 = plsc.load_gather(a1_v, [srcv])
            a2 = plsc.load_gather(a2_v, [dstv])
            e = a1 + a2
            e = jnp.where(e >= 0.0, e, 0.01 * e)
            flat = wbase + j * CL + k * 16 + iota16
            ex = jnp.where(flat < E, jnp.exp(e), 0.0)
            ex_v[pl.ds(j * CL + k * 16, 16)] = ex
        pltpu.sync_copy(ex_v.at[pl.ds(j * CL, CL)],
                        den_sh.at[dst_v.at[j]], add=True)
        return carry

    lax.fori_loop(0, CHUNKS, chunk_body, 0)
    plsc.subcore_barrier()
    pltpu.sync_copy(ex_v, ex_hbm.at[w])
    pltpu.sync_copy(den_sh.at[pl.ds(s * RPT, RPT)],
                    den_hbm.at[c, pl.ds(s * RPT, RPT)])


CLB = 64
NCHB = EPW // CLB
HALF = NCHB // 2


@functools.partial(
    pl.kernel,
    out_type=jax.ShapeDtypeStruct((NC, NP, D), jnp.float32),
    mesh=_MESH,
    compiler_params=_SC_PARAMS,
    scratch_types=[
        pltpu.VMEM((2, CLB), jnp.int32),
        pltpu.VMEM((2, CLB), jnp.int32),
        pltpu.VMEM((CLB,), jnp.float32),
        pltpu.VMEM((CLB,), jnp.float32),
        pltpu.VMEM((CLB,), jnp.float32),
        pltpu.VMEM((CLB,), jnp.float32),
        pltpu.VMEM((CLB,), jnp.int32),
        pltpu.VMEM((CLB,), jnp.int32),
        pltpu.VMEM((NP,), jnp.float32),
        pltpu.VMEM((CLB, D // 2), jnp.int32),
        pltpu.VMEM((CLB, D // 2), jnp.int32),
        pltpu.VMEM((CLB, D), jnp.float32),
        pltpu.VMEM((CLB, D), jnp.float32),
        pltpu.VMEM_SHARED((NP, D), jnp.float32),
        pltpu.SemaphoreType.DMA,
        pltpu.SemaphoreType.DMA,
        pltpu.SemaphoreType.DMA,
        pltpu.SemaphoreType.DMA,
        pltpu.SemaphoreType.DMA,
        pltpu.SemaphoreType.DMA,
        pltpu.SemaphoreType.DMA,
        pltpu.SemaphoreType.DMA,
    ],
)
def _edge_pass_b(pack_hbm, ex_hbm, den_hbm, z_hbm, part_hbm,
                 packA, packB, exA, exB, alA, alB, dstA, dstB, den_v,
                 rowsA, rowsB, frowsA, frowsB, accum_sh,
                 spA, spB, seA, seB, sgA, sgB, ssA, ssB):
    c = lax.axis_index("c")
    s = lax.axis_index("s")
    w = s * NC + c
    pltpu.sync_copy(den_hbm, den_v)

    def zb(i, carry):
        r = i // 8
        kk = i % 8
        frowsA[r, pl.ds(kk * 16, 16)] = jnp.zeros((16,), jnp.float32)
        return carry

    lax.fori_loop(0, CLB * 8, zb, 0)
    for t in range(RPT // CLB):
        pltpu.sync_copy(frowsA, accum_sh.at[pl.ds(s * RPT + t * CLB, CLB)])
    plsc.subcore_barrier()

    pltpu.async_copy(pack_hbm.at[w, 0], packA, spA)
    pltpu.async_copy(ex_hbm.at[w, 0], exA, seA)
    pltpu.async_copy(pack_hbm.at[w, 1], packB, spB)
    pltpu.async_copy(ex_hbm.at[w, 1], exB, seB)

    def _alpha(pack, ex, al, dst):
        for k in range(CLB // 16):
            sl = pl.ds(k * 16, 16)
            dv = pack[1, sl]
            dst[sl] = dv
            den = plsc.load_gather(den_v, [dv])
            al[sl] = ex[sl] / jnp.maximum(den, 1e-38)

    _HI = jnp.full((16,), -65536, jnp.int32)

    def _scale(rows, frows, al):
        @plsc.parallel_loop(0, CLB, 1, unroll=2)
        def _(e):
            alv = plsc.load_gather(al, [jnp.full((16,), e, jnp.int32)])
            for kk in range(D // 32):
                v = rows[e, pl.ds(kk * 16, 16)]
                lo = plsc.bitcast(v << 16, jnp.float32)
                hi = plsc.bitcast(v & _HI, jnp.float32)
                frows[e, pl.ds(kk * 32, 16)] = lo * alv
                frows[e, pl.ds(kk * 32 + 16, 16)] = hi * alv

    def body(i, carry):
        jA = 2 * i
        jB = 2 * i + 1
        pltpu.make_async_copy(pack_hbm.at[w, jA], packA, spA).wait()
        pltpu.make_async_copy(ex_hbm.at[w, jA], exA, seA).wait()

        @pl.when(i > 0)
        def _():
            pltpu.make_async_copy(frowsA, accum_sh.at[dstA], ssA).wait()

        pltpu.async_copy(z_hbm.at[packA.at[0]], rowsA, sgA)
        _alpha(packA, exA, alA, dstA)

        pltpu.make_async_copy(pack_hbm.at[w, jB], packB, spB).wait()
        pltpu.make_async_copy(ex_hbm.at[w, jB], exB, seB).wait()

        @pl.when(i > 0)
        def _():
            pltpu.make_async_copy(frowsB, accum_sh.at[dstB], ssB).wait()

        pltpu.async_copy(z_hbm.at[packB.at[0]], rowsB, sgB)
        _alpha(packB, exB, alB, dstB)

        pltpu.make_async_copy(z_hbm.at[packA.at[0]], rowsA, sgA).wait()

        @pl.when(i < HALF - 1)
        def _():
            pltpu.async_copy(pack_hbm.at[w, jA + 2], packA, spA)
            pltpu.async_copy(ex_hbm.at[w, jA + 2], exA, seA)

        _scale(rowsA, frowsA, alA)
        pltpu.async_copy(frowsA, accum_sh.at[dstA], ssA, add=True)

        pltpu.make_async_copy(z_hbm.at[packB.at[0]], rowsB, sgB).wait()

        @pl.when(i < HALF - 1)
        def _():
            pltpu.async_copy(pack_hbm.at[w, jB + 2], packB, spB)
            pltpu.async_copy(ex_hbm.at[w, jB + 2], exB, seB)

        _scale(rowsB, frowsB, alB)
        pltpu.async_copy(frowsB, accum_sh.at[dstB], ssB, add=True)
        return carry

    lax.fori_loop(0, HALF, body, 0)
    pltpu.make_async_copy(frowsA, accum_sh.at[dstA], ssA).wait()
    pltpu.make_async_copy(frowsB, accum_sh.at[dstB], ssB).wait()
    plsc.subcore_barrier()
    for t in range(RPT // 128):
        r0 = s * RPT + t * 128
        pltpu.sync_copy(accum_sh.at[pl.ds(r0, 128)],
                        part_hbm.at[c, pl.ds(r0, 128)])



def kernel(h, edge_index, W_fc, b_fc, W_a, b_a):
    z, a = _fused_matmul(h, W_fc, b_fc, W_a, b_a)
    a12 = a.T
    pad = EP - E
    src_p = jnp.concatenate(
        [edge_index[0].astype(jnp.int32), jnp.zeros((pad,), jnp.int32)]
    ).reshape(NW, CHUNKS, CL)
    dst_p = jnp.concatenate(
        [edge_index[1].astype(jnp.int32), jnp.zeros((pad,), jnp.int32)]
    ).reshape(NW, CHUNKS, CL)
    ex, den = _edge_pass_a(src_p, dst_p, a12)
    pack = jnp.stack(
        [src_p.reshape(NW, NCHB, CLB), dst_p.reshape(NW, NCHB, CLB)], axis=2
    )
    z_pack = jax.lax.bitcast_convert_type(
        z.reshape(NP, D // 2, 2), jnp.int32
    )
    part = _edge_pass_b(pack, ex.reshape(NW, NCHB, CLB), _den_add(den), z_pack)
    return _combine(part[0], part[1])

# --- scband reference (transcript-rebuilt; emitter-appended) ---
"""Pipeline reference for scband-gatlayer-807453852008 (READ-ONLY COPY).

The authoritative reference and input builder live on the scoring server;
editing this copy changes nothing except your own understanding.
"""

import jax, jax.numpy as jnp
import numpy as np

N_NODES = 10000
N_EDGES = 320000
IN_DIM = 128
OUT_DIM = 128


def setup_inputs(seed: int = 0) -> dict:
    key = jax.random.key(seed)
    k1, k2, k3, k4, k5, k6 = jax.random.split(key, 6)
    h = jax.random.normal(k1, (N_NODES, IN_DIM), dtype=jnp.float32)
    edge_index = jax.random.randint(k2, (2, N_EDGES), 0, N_NODES, dtype=jnp.int64)
    # fc: Linear(in_dim, out_dim), xavier_normal with relu gain
    gain = float(np.sqrt(2.0))
    std_fc = gain * float(np.sqrt(2.0 / (IN_DIM + OUT_DIM)))
    W_fc = std_fc * jax.random.normal(k3, (OUT_DIM, IN_DIM), dtype=jnp.float32)
    b_fc = jnp.zeros((OUT_DIM,), dtype=jnp.float32)
    # attn_fc: Linear(2*out_dim, 1)
    std_a = gain * float(np.sqrt(2.0 / (2 * OUT_DIM + 1)))
    W_a = std_a * jax.random.normal(k4, (1, 2 * OUT_DIM), dtype=jnp.float32)
    b_a = jnp.zeros((1,), dtype=jnp.float32)
    return {"h": h, "edge_index": edge_index, "W_fc": W_fc, "b_fc": b_fc, "W_a": W_a, "b_a": b_a}


def reference(h, edge_index, W_fc, b_fc, W_a, b_a):
    # z = fc(h)
    z = h @ W_fc.T + b_fc  # [N, out_dim]
    src = edge_index[0]
    dst = edge_index[1]
    z_src = jnp.take(z, src, axis=0)  # [E, out_dim]
    z_dst = jnp.take(z, dst, axis=0)  # [E, out_dim]
    # edge attention: leaky_relu(attn_fc(cat([z_src, z_dst])))
    z2 = jnp.concatenate([z_src, z_dst], axis=1)  # [E, 2*out_dim]
    e = z2 @ W_a.T + b_a  # [E, 1]
    e = jax.nn.leaky_relu(e, negative_slope=0.01)[:, 0]  # [E]
    n = z.shape[0]
    # softmax over incoming edges per destination node
    m = jax.ops.segment_max(e, dst, num_segments=n)  # [N]
    m = jnp.where(jnp.isfinite(m), m, 0.0)
    ex = jnp.exp(e - jnp.take(m, dst))  # [E]
    denom = jax.ops.segment_sum(ex, dst, num_segments=n)  # [N]
    alpha = ex / jnp.take(denom, dst)  # [E]
    # weighted sum of source features per destination node
    h_out = jax.ops.segment_sum(alpha[:, None] * z_src, dst, num_segments=n)  # [N, out_dim]
    return h_out

if __name__ == "__main__":
    import jax
    _d = setup_inputs()
    print(jax.jit(kernel)(*tuple(_d.values())))

</pallas_src>

<mosaic_0001>
#map = affine_map<(d0, d1) -> (0, 0, 0, 0)>
#map1 = affine_map<(d0, d1) -> (0, 0, 0)>
#map2 = affine_map<(d0, d1) -> (0)>
#map3 = affine_map<(d0, d1) -> (0, 0)>
module attributes {stable_mosaic.version = 14 : i64} {
  func.func @_edge_pass_b(%arg0: i32, %arg1: i32, %arg2: memref<32x160x2x64xi32, #tpu.memory_space<hbm>>, %arg3: memref<32x160x64xf32, #tpu.memory_space<hbm>>, %arg4: memref<10240xf32, #tpu.memory_space<hbm>>, %arg5: memref<10240x64xi32, #tpu.memory_space<hbm>>, %arg6: memref<2x10240x128xf32, #tpu.memory_space<hbm>>, %arg7: memref<2x64xi32, #tpu.memory_space<vmem>>, %arg8: memref<2x64xi32, #tpu.memory_space<vmem>>, %arg9: memref<64xf32, #tpu.memory_space<vmem>>, %arg10: memref<64xf32, #tpu.memory_space<vmem>>, %arg11: memref<64xf32, #tpu.memory_space<vmem>>, %arg12: memref<64xf32, #tpu.memory_space<vmem>>, %arg13: memref<64xi32, #tpu.memory_space<vmem>>, %arg14: memref<64xi32, #tpu.memory_space<vmem>>, %arg15: memref<10240xf32, #tpu.memory_space<vmem>>, %arg16: memref<64x64xi32, #tpu.memory_space<vmem>>, %arg17: memref<64x64xi32, #tpu.memory_space<vmem>>, %arg18: memref<64x128xf32, #tpu.memory_space<vmem>>, %arg19: memref<64x128xf32, #tpu.memory_space<vmem>>, %arg20: memref<10240x128xf32, #tpu.memory_space<vmem_shared>>, %arg21: memref<!tpu.dma_semaphore, #tpu.memory_space<semaphore_mem>>, %arg22: memref<!tpu.dma_semaphore, #tpu.memory_space<semaphore_mem>>, %arg23: memref<!tpu.dma_semaphore, #tpu.memory_space<semaphore_mem>>, %arg24: memref<!tpu.dma_semaphore, #tpu.memory_space<semaphore_mem>>, %arg25: memref<!tpu.dma_semaphore, #tpu.memory_space<semaphore_mem>>, %arg26: memref<!tpu.dma_semaphore, #tpu.memory_space<semaphore_mem>>, %arg27: memref<!tpu.dma_semaphore, #tpu.memory_space<semaphore_mem>>, %arg28: memref<!tpu.dma_semaphore, #tpu.memory_space<semaphore_mem>>) attributes {dimension_semantics = [#tpu.dimension_semantics<core_parallel>, #tpu.dimension_semantics<subcore_parallel>], iteration_bounds = array<i64: 2, 16>, scalar_prefetch = 0 : i64, scratch_operands = 22 : i64, tpu.core_type = #tpu.core_type<sc_vector_subcore>, window_params = [{transform_indices = #map}, {transform_indices = #map1}, {transform_indices = #map2}, {transform_indices = #map3}, {transform_indices = #map1}]} {
    %mul3A = arith.constant 2 : i32
    %mul3A_0 = arith.muli %arg1, %mul3A : i32
    %add3A = arith.addi %mul3A_0, %arg0 : i32
    "tpu.region"() ({
      %run_scoped3A = tpu.sem_alloc : memref<!tpu.dma_semaphore, #tpu.memory_space<semaphore_mem>>
      tpu.enqueue_dma source(%arg4 : memref<10240xf32, #tpu.memory_space<hbm>>) target(%arg15 : memref<10240xf32, #tpu.memory_space<vmem>>) target_semaphore(%run_scoped3A : memref<!tpu.dma_semaphore, #tpu.memory_space<semaphore_mem>>)
      tpu.wait_dma2 semaphore(%run_scoped3A : memref<!tpu.dma_semaphore, #tpu.memory_space<semaphore_mem>>) src(%arg4 : memref<10240xf32, #tpu.memory_space<hbm>>) dst(%arg15 : memref<10240xf32, #tpu.memory_space<vmem>>)
      tpu.yield
    }) : () -> ()
    %scan3A = arith.constant 0 : i32
    %scan3A_1 = arith.constant 0 : i32
    %scan3A_2 = arith.constant 512 : i32
    %scan3A_3 = arith.addi %scan3A_1, %scan3A_2 : i32
    %scan3A_4 = arith.constant 1 : i32
    scf.for %scan3A_110 = %scan3A_1 to %scan3A_3 step %scan3A_4  : i32 {
      %jit3A = arith.constant 8 : i32
      %div3A = arith.divsi %scan3A_110, %jit3A : i32
      %sign3A = arith.constant 0 : i32
      %sign3A_111 = arith.cmpi sgt, %scan3A_110, %sign3A : i32
      %sign3A_112 = arith.extui %sign3A_111 : i1 to i32
      %sign3A_113 = arith.constant 0 : i32
      %sign3A_114 = arith.cmpi slt, %scan3A_110, %sign3A_113 : i32
      %sign3A_115 = arith.extui %sign3A_114 : i1 to i32
      %sign3A_116 = arith.subi %sign3A_112, %sign3A_115 : i32
      %sign3A_117 = arith.constant 0 : i32
      %sign3A_118 = arith.cmpi sgt, %jit3A, %sign3A_117 : i32
      %sign3A_119 = arith.extui %sign3A_118 : i1 to i32
      %sign3A_120 = arith.constant 0 : i32
      %sign3A_121 = arith.cmpi slt, %jit3A, %sign3A_120 : i32
      %sign3A_122 = arith.extui %sign3A_121 : i1 to i32
      %sign3A_123 = arith.subi %sign3A_119, %sign3A_122 : i32
      %ne3A = arith.cmpi ne, %sign3A_116, %sign3A_123 : i32
      %rem3A = arith.remsi %scan3A_110, %jit3A : i32
      %ne3A_124 = arith.constant 0 : i32
      %ne3A_125 = arith.cmpi ne, %rem3A, %ne3A_124 : i32
      %and3A = arith.andi %ne3A, %ne3A_125 : i1
      %sub3A = arith.constant 1 : i32
      %sub3A_126 = arith.subi %div3A, %sub3A : i32
      %select_n3A = arith.select %and3A, %sub3A_126, %div3A : i32
      %jit3A_127 = arith.constant 8 : i32
      %eq3A = arith.constant 0 : i32
      %eq3A_128 = arith.cmpi eq, %jit3A_127, %eq3A : i32
      %jit3A_129 = arith.constant 1 : i32
      %select_n3A_130 = arith.select %eq3A_128, %jit3A_129, %jit3A_127 : i32
      %rem3A_131 = arith.remsi %scan3A_110, %select_n3A_130 : i32
      %ne3A_132 = arith.constant 0 : i32
      %ne3A_133 = arith.cmpi ne, %rem3A_131, %ne3A_132 : i32
      %lt3A = arith.constant 0 : i32
      %lt3A_134 = arith.cmpi slt, %rem3A_131, %lt3A : i32
      %lt3A_135 = arith.constant 0 : i32
      %lt3A_136 = arith.cmpi slt, %select_n3A_130, %lt3A_135 : i32
      %ne3A_137 = arith.xori %lt3A_134, %lt3A_136 : i1
      %and3A_138 = arith.andi %ne3A_137, %ne3A_133 : i1
      %add3A_139 = arith.addi %rem3A_131, %select_n3A_130 : i32
      %select_n3A_140 = arith.select %and3A_138, %add3A_139, %rem3A_131 : i32
      %broadcast_in_dim3A_141 = arith.constant 0.000000e+00 : f32
      %broadcast_in_dim3A_142 = vector.broadcast %broadcast_in_dim3A_141 : f32 to vector<16xf32>
      %mul3A_143 = arith.constant 16 : i32
      %mul3A_144 = arith.muli %select_n3A_140, %mul3A_143 : i32
      %swap3A = arith.index_cast %select_n3A : i32 to index
      %swap3A_145 = arith.index_cast %mul3A_144 : i32 to index
      %swap3A_146 = tpu.vector_load %arg18[%swap3A, %swap3A_145] {strides = array<i32>} : memref<64x128xf32, #tpu.memory_space<vmem>>, vector<16xf32>,
      tpu.vector_store %arg18[%swap3A, %swap3A_145], %broadcast_in_dim3A_142 {strides = array<i32>} : memref<64x128xf32, #tpu.memory_space<vmem>>, vector<16xf32>,
    }
    %scan3A_5 = arith.constant 512 : i32
    %mul3A_6 = arith.constant 640 : i32
    %mul3A_7 = arith.muli %arg1, %mul3A_6 : i32
    %add3A_8 = arith.constant 0 : i32
    %add3A_9 = arith.addi %mul3A_7, %add3A_8 : i32
    "tpu.region"() ({
      %run_scoped3A = tpu.sem_alloc : memref<!tpu.dma_semaphore, #tpu.memory_space<semaphore_mem>>
      %dma_start3A_110 = arith.constant 0 : i32
      %dma_start3A_111 = tpu.memref_slice %arg20[%add3A_9, %dma_start3A_110] : memref<10240x128xf32, #tpu.memory_space<vmem_shared>> -> memref<64x128xf32, #tpu.memory_space<vmem_shared>>
      %dma_start3A_112 = arith.constant 0 : i32
      %dma_start3A_113 = tpu.memref_slice %arg20[%add3A_9, %dma_start3A_112] : memref<10240x128xf32, #tpu.memory_space<vmem_shared>> -> memref<64x128xf32, #tpu.memory_space<vmem_shared>>
      tpu.enqueue_dma source(%arg18 : memref<64x128xf32, #tpu.memory_space<vmem>>) target(%dma_start3A_113 : memref<64x128xf32, #tpu.memory_space<vmem_shared>>) target_semaphore(%run_scoped3A : memref<!tpu.dma_semaphore, #tpu.memory_space<semaphore_mem>>)
      %dma_wait3A_114 = arith.constant 0 : i32
      %dma_wait3A_115 = tpu.memref_slice %arg20[%add3A_9, %dma_wait3A_114] : memref<10240x128xf32, #tpu.memory_space<vmem_shared>> -> memref<64x128xf32, #tpu.memory_space<vmem_shared>>
      %dma_wait3A_116 = arith.constant 0 : i32
      %dma_wait3A_117 = tpu.memref_slice %arg20[%add3A_9, %dma_wait3A_116] : memref<10240x128xf32, #tpu.memory_space<vmem_shared>> -> memref<64x128xf32, #tpu.memory_space<vmem_shared>>
      tpu.wait_dma2 semaphore(%run_scoped3A : memref<!tpu.dma_semaphore, #tpu.memory_space<semaphore_mem>>) src(%arg18 : memref<64x128xf32, #tpu.memory_space<vmem>>) dst(%dma_wait3A_117 : memref<64x128xf32, #tpu.memory_space<vmem_shared>>)
      tpu.yield
    }) : () -> ()
    %mul3A_10 = arith.constant 640 : i32
    %mul3A_11 = arith.muli %arg1, %mul3A_10 : i32
    %add3A_12 = arith.constant 64 : i32
    %add3A_13 = arith.addi %mul3A_11, %add3A_12 : i32
    "tpu.region"() ({
      %run_scoped3A = tpu.sem_alloc : memref<!tpu.dma_semaphore, #tpu.memory_space<semaphore_mem>>
      %dma_start3A_110 = arith.constant 0 : i32
      %dma_start3A_111 = tpu.memref_slice %arg20[%add3A_13, %dma_start3A_110] : memref<10240x128xf32, #tpu.memory_space<vmem_shared>> -> memref<64x128xf32, #tpu.memory_space<vmem_shared>>
      %dma_start3A_112 = arith.constant 0 : i32
      %dma_start3A_113 = tpu.memref_slice %arg20[%add3A_13, %dma_start3A_112] : memref<10240x128xf32, #tpu.memory_space<vmem_shared>> -> memref<64x128xf32, #tpu.memory_space<vmem_shared>>
      tpu.enqueue_dma source(%arg18 : memref<64x128xf32, #tpu.memory_space<vmem>>) target(%dma_start3A_113 : memref<64x128xf32, #tpu.memory_space<vmem_shared>>) target_semaphore(%run_scoped3A : memref<!tpu.dma_semaphore, #tpu.memory_space<semaphore_mem>>)
      %dma_wait3A_114 = arith.constant 0 : i32
      %dma_wait3A_115 = tpu.memref_slice %arg20[%add3A_13, %dma_wait3A_114] : memref<10240x128xf32, #tpu.memory_space<vmem_shared>> -> memref<64x128xf32, #tpu.memory_space<vmem_shared>>
      %dma_wait3A_116 = arith.constant 0 : i32
      %dma_wait3A_117 = tpu.memref_slice %arg20[%add3A_13, %dma_wait3A_116] : memref<10240x128xf32, #tpu.memory_space<vmem_shared>> -> memref<64x128xf32, #tpu.memory_space<vmem_shared>>
      tpu.wait_dma2 semaphore(%run_scoped3A : memref<!tpu.dma_semaphore, #tpu.memory_space<semaphore_mem>>) src(%arg18 : memref<64x128xf32, #tpu.memory_space<vmem>>) dst(%dma_wait3A_117 : memref<64x128xf32, #tpu.memory_space<vmem_shared>>)
      tpu.yield
    }) : () -> ()
    %mul3A_14 = arith.constant 640 : i32
    %mul3A_15 = arith.muli %arg1, %mul3A_14 : i32
    %add3A_16 = arith.constant 128 : i32
    %add3A_17 = arith.addi %mul3A_15, %add3A_16 : i32
    "tpu.region"() ({
      %run_scoped3A = tpu.sem_alloc : memref<!tpu.dma_semaphore, #tpu.memory_space<semaphore_mem>>
      %dma_start3A_110 = arith.constant 0 : i32
      %dma_start3A_111 = tpu.memref_slice %arg20[%add3A_17, %dma_start3A_110] : memref<10240x128xf32, #tpu.memory_space<vmem_shared>> -> memref<64x128xf32, #tpu.memory_space<vmem_shared>>
      %dma_start3A_112 = arith.constant 0 : i32
      %dma_start3A_113 = tpu.memref_slice %arg20[%add3A_17, %dma_start3A_112] : memref<10240x128xf32, #tpu.memory_space<vmem_shared>> -> memref<64x128xf32, #tpu.memory_space<vmem_shared>>
      tpu.enqueue_dma source(%arg18 : memref<64x128xf32, #tpu.memory_space<vmem>>) target(%dma_start3A_113 : memref<64x128xf32, #tpu.memory_space<vmem_shared>>) target_semaphore(%run_scoped3A : memref<!tpu.dma_semaphore, #tpu.memory_space<semaphore_mem>>)
      %dma_wait3A_114 = arith.constant 0 : i32
      %dma_wait3A_115 = tpu.memref_slice %arg20[%add3A_17, %dma_wait3A_114] : memref<10240x128xf32, #tpu.memory_space<vmem_shared>> -> memref<64x128xf32, #tpu.memory_space<vmem_shared>>
      %dma_wait3A_116 = arith.constant 0 : i32
      %dma_wait3A_117 = tpu.memref_slice %arg20[%add3A_17, %dma_wait3A_116] : memref<10240x128xf32, #tpu.memory_space<vmem_shared>> -> memref<64x128xf32, #tpu.memory_space<vmem_shared>>
      tpu.wait_dma2 semaphore(%run_scoped3A : memref<!tpu.dma_semaphore, #tpu.memory_space<semaphore_mem>>) src(%arg18 : memref<64x128xf32, #tpu.memory_space<vmem>>) dst(%dma_wait3A_117 : memref<64x128xf32, #tpu.memory_space<vmem_shared>>)
      tpu.yield
    }) : () -> ()
    %mul3A_18 = arith.constant 640 : i32
    %mul3A_19 = arith.muli %arg1, %mul3A_18 : i32
    %add3A_20 = arith.constant 192 : i32
    %add3A_21 = arith.addi %mul3A_19, %add3A_20 : i32
    "tpu.region"() ({
      %run_scoped3A = tpu.sem_alloc : memref<!tpu.dma_semaphore, #tpu.memory_space<semaphore_mem>>
      %dma_start3A_110 = arith.constant 0 : i32
      %dma_start3A_111 = tpu.memref_slice %arg20[%add3A_21, %dma_start3A_110] : memref<10240x128xf32, #tpu.memory_space<vmem_shared>> -> memref<64x128xf32, #tpu.memory_space<vmem_shared>>
      %dma_start3A_112 = arith.constant 0 : i32
      %dma_start3A_113 = tpu.memref_slice %arg20[%add3A_21, %dma_start3A_112] : memref<10240x128xf32, #tpu.memory_space<vmem_shared>> -> memref<64x128xf32, #tpu.memory_space<vmem_shared>>
      tpu.enqueue_dma source(%arg18 : memref<64x128xf32, #tpu.memory_space<vmem>>) target(%dma_start3A_113 : memref<64x128xf32, #tpu.memory_space<vmem_shared>>) target_semaphore(%run_scoped3A : memref<!tpu.dma_semaphore, #tpu.memory_space<semaphore_mem>>)
      %dma_wait3A_114 = arith.constant 0 : i32
      %dma_wait3A_115 = tpu.memref_slice %arg20[%add3A_21, %dma_wait3A_114] : memref<10240x128xf32, #tpu.memory_space<vmem_shared>> -> memref<64x128xf32, #tpu.memory_space<vmem_shared>>
      %dma_wait3A_116 = arith.constant 0 : i32
      %dma_wait3A_117 = tpu.memref_slice %arg20[%add3A_21, %dma_wait3A_116] : memref<10240x128xf32, #tpu.memory_space<vmem_shared>> -> memref<64x128xf32, #tpu.memory_space<vmem_shared>>
      tpu.wait_dma2 semaphore(%run_scoped3A : memref<!tpu.dma_semaphore, #tpu.memory_space<semaphore_mem>>) src(%arg18 : memref<64x128xf32, #tpu.memory_space<vmem>>) dst(%dma_wait3A_117 : memref<64x128xf32, #tpu.memory_space<vmem_shared>>)
      tpu.yield
    }) : () -> ()
    %mul3A_22 = arith.constant 640 : i32
    %mul3A_23 = arith.muli %arg1, %mul3A_22 : i32
    %add3A_24 = arith.constant 256 : i32
    %add3A_25 = arith.addi %mul3A_23, %add3A_24 : i32
    "tpu.region"() ({
      %run_scoped3A = tpu.sem_alloc : memref<!tpu.dma_semaphore, #tpu.memory_space<semaphore_mem>>
      %dma_start3A_110 = arith.constant 0 : i32
      %dma_start3A_111 = tpu.memref_slice %arg20[%add3A_25, %dma_start3A_110] : memref<10240x128xf32, #tpu.memory_space<vmem_shared>> -> memref<64x128xf32, #tpu.memory_space<vmem_shared>>
      %dma_start3A_112 = arith.constant 0 : i32
      %dma_start3A_113 = tpu.memref_slice %arg20[%add3A_25, %dma_start3A_112] : memref<10240x128xf32, #tpu.memory_space<vmem_shared>> -> memref<64x128xf32, #tpu.memory_space<vmem_shared>>
      tpu.enqueue_dma source(%arg18 : memref<64x128xf32, #tpu.memory_space<vmem>>) target(%dma_start3A_113 : memref<64x128xf32, #tpu.memory_space<vmem_shared>>) target_semaphore(%run_scoped3A : memref<!tpu.dma_semaphore, #tpu.memory_space<semaphore_mem>>)
      %dma_wait3A_114 = arith.constant 0 : i32
      %dma_wait3A_115 = tpu.memref_slice %arg20[%add3A_25, %dma_wait3A_114] : memref<10240x128xf32, #tpu.memory_space<vmem_shared>> -> memref<64x128xf32, #tpu.memory_space<vmem_shared>>
      %dma_wait3A_116 = arith.constant 0 : i32
      %dma_wait3A_117 = tpu.memref_slice %arg20[%add3A_25, %dma_wait3A_116] : memref<10240x128xf32, #tpu.memory_space<vmem_shared>> -> memref<64x128xf32, #tpu.memory_space<vmem_shared>>
      tpu.wait_dma2 semaphore(%run_scoped3A : memref<!tpu.dma_semaphore, #tpu.memory_space<semaphore_mem>>) src(%arg18 : memref<64x128xf32, #tpu.memory_space<vmem>>) dst(%dma_wait3A_117 : memref<64x128xf32, #tpu.memory_space<vmem_shared>>)
      tpu.yield
    }) : () -> ()
    %mul3A_26 = arith.constant 640 : i32
    %mul3A_27 = arith.muli %arg1, %mul3A_26 : i32
    %add3A_28 = arith.constant 320 : i32
    %add3A_29 = arith.addi %mul3A_27, %add3A_28 : i32
    "tpu.region"() ({
      %run_scoped3A = tpu.sem_alloc : memref<!tpu.dma_semaphore, #tpu.memory_space<semaphore_mem>>
      %dma_start3A_110 = arith.constant 0 : i32
      %dma_start3A_111 = tpu.memref_slice %arg20[%add3A_29, %dma_start3A_110] : memref<10240x128xf32, #tpu.memory_space<vmem_shared>> -> memref<64x128xf32, #tpu.memory_space<vmem_shared>>
      %dma_start3A_112 = arith.constant 0 : i32
      %dma_start3A_113 = tpu.memref_slice %arg20[%add3A_29, %dma_start3A_112] : memref<10240x128xf32, #tpu.memory_space<vmem_shared>> -> memref<64x128xf32, #tpu.memory_space<vmem_shared>>
      tpu.enqueue_dma source(%arg18 : memref<64x128xf32, #tpu.memory_space<vmem>>) target(%dma_start3A_113 : memref<64x128xf32, #tpu.memory_space<vmem_shared>>) target_semaphore(%run_scoped3A : memref<!tpu.dma_semaphore, #tpu.memory_space<semaphore_mem>>)
      %dma_wait3A_114 = arith.constant 0 : i32
      %dma_wait3A_115 = tpu.memref_slice %arg20[%add3A_29, %dma_wait3A_114] : memref<10240x128xf32, #tpu.memory_space<vmem_shared>> -> memref<64x128xf32, #tpu.memory_space<vmem_shared>>
      %dma_wait3A_116 = arith.constant 0 : i32
      %dma_wait3A_117 = tpu.memref_slice %arg20[%add3A_29, %dma_wait3A_116] : memref<10240x128xf32, #tpu.memory_space<vmem_shared>> -> memref<64x128xf32, #tpu.memory_space<vmem_shared>>
      tpu.wait_dma2 semaphore(%run_scoped3A : memref<!tpu.dma_semaphore, #tpu.memory_space<semaphore_mem>>) src(%arg18 : memref<64x128xf32, #tpu.memory_space<vmem>>) dst(%dma_wait3A_117 : memref<64x128xf32, #tpu.memory_space<vmem_shared>>)
      tpu.yield
    }) : () -> ()
    %mul3A_30 = arith.constant 640 : i32
    %mul3A_31 = arith.muli %arg1, %mul3A_30 : i32
    %add3A_32 = arith.constant 384 : i32
    %add3A_33 = arith.addi %mul3A_31, %add3A_32 : i32
    "tpu.region"() ({
      %run_scoped3A = tpu.sem_alloc : memref<!tpu.dma_semaphore, #tpu.memory_space<semaphore_mem>>
      %dma_start3A_110 = arith.constant 0 : i32
      %dma_start3A_111 = tpu.memref_slice %arg20[%add3A_33, %dma_start3A_110] : memref<10240x128xf32, #tpu.memory_space<vmem_shared>> -> memref<64x128xf32, #tpu.memory_space<vmem_shared>>
      %dma_start3A_112 = arith.constant 0 : i32
      %dma_start3A_113 = tpu.memref_slice %arg20[%add3A_33, %dma_start3A_112] : memref<10240x128xf32, #tpu.memory_space<vmem_shared>> -> memref<64x128xf32, #tpu.memory_space<vmem_shared>>
      tpu.enqueue_dma source(%arg18 : memref<64x128xf32, #tpu.memory_space<vmem>>) target(%dma_start3A_113 : memref<64x128xf32, #tpu.memory_space<vmem_shared>>) target_semaphore(%run_scoped3A : memref<!tpu.dma_semaphore, #tpu.memory_space<semaphore_mem>>)
      %dma_wait3A_114 = arith.constant 0 : i32
      %dma_wait3A_115 = tpu.memref_slice %arg20[%add3A_33, %dma_wait3A_114] : memref<10240x128xf32, #tpu.memory_space<vmem_shared>> -> memref<64x128xf32, #tpu.memory_space<vmem_shared>>
      %dma_wait3A_116 = arith.constant 0 : i32
      %dma_wait3A_117 = tpu.memref_slice %arg20[%add3A_33, %dma_wait3A_116] : memref<10240x128xf32, #tpu.memory_space<vmem_shared>> -> memref<64x128xf32, #tpu.memory_space<vmem_shared>>
      tpu.wait_dma2 semaphore(%run_scoped3A : memref<!tpu.dma_semaphore, #tpu.memory_space<semaphore_mem>>) src(%arg18 : memref<64x128xf32, #tpu.memory_space<vmem>>) dst(%dma_wait3A_117 : memref<64x128xf32, #tpu.memory_space<vmem_shared>>)
      tpu.yield
    }) : () -> ()
    %mul3A_34 = arith.constant 640 : i32
    %mul3A_35 = arith.muli %arg1, %mul3A_34 : i32
    %add3A_36 = arith.constant 448 : i32
    %add3A_37 = arith.addi %mul3A_35, %add3A_36 : i32
    "tpu.region"() ({
      %run_scoped3A = tpu.sem_alloc : memref<!tpu.dma_semaphore, #tpu.memory_space<semaphore_mem>>
      %dma_start3A_110 = arith.constant 0 : i32
      %dma_start3A_111 = tpu.memref_slice %arg20[%add3A_37, %dma_start3A_110] : memref<10240x128xf32, #tpu.memory_space<vmem_shared>> -> memref<64x128xf32, #tpu.memory_space<vmem_shared>>
      %dma_start3A_112 = arith.constant 0 : i32
      %dma_start3A_113 = tpu.memref_slice %arg20[%add3A_37, %dma_start3A_112] : memref<10240x128xf32, #tpu.memory_space<vmem_shared>> -> memref<64x128xf32, #tpu.memory_space<vmem_shared>>
      tpu.enqueue_dma source(%arg18 : memref<64x128xf32, #tpu.memory_space<vmem>>) target(%dma_start3A_113 : memref<64x128xf32, #tpu.memory_space<vmem_shared>>) target_semaphore(%run_scoped3A : memref<!tpu.dma_semaphore, #tpu.memory_space<semaphore_mem>>)
      %dma_wait3A_114 = arith.constant 0 : i32
      %dma_wait3A_115 = tpu.memref_slice %arg20[%add3A_37, %dma_wait3A_114] : memref<10240x128xf32, #tpu.memory_space<vmem_shared>> -> memref<64x128xf32, #tpu.memory_space<vmem_shared>>
      %dma_wait3A_116 = arith.constant 0 : i32
      %dma_wait3A_117 = tpu.memref_slice %arg20[%add3A_37, %dma_wait3A_116] : memref<10240x128xf32, #tpu.memory_space<vmem_shared>> -> memref<64x128xf32, #tpu.memory_space<vmem_shared>>
      tpu.wait_dma2 semaphore(%run_scoped3A : memref<!tpu.dma_semaphore, #tpu.memory_space<semaphore_mem>>) src(%arg18 : memref<64x128xf32, #tpu.memory_space<vmem>>) dst(%dma_wait3A_117 : memref<64x128xf32, #tpu.memory_space<vmem_shared>>)
      tpu.yield
    }) : () -> ()
    %mul3A_38 = arith.constant 640 : i32
    %mul3A_39 = arith.muli %arg1, %mul3A_38 : i32
    %add3A_40 = arith.constant 512 : i32
    %add3A_41 = arith.addi %mul3A_39, %add3A_40 : i32
    "tpu.region"() ({
      %run_scoped3A = tpu.sem_alloc : memref<!tpu.dma_semaphore, #tpu.memory_space<semaphore_mem>>
      %dma_start3A_110 = arith.constant 0 : i32
      %dma_start3A_111 = tpu.memref_slice %arg20[%add3A_41, %dma_start3A_110] : memref<10240x128xf32, #tpu.memory_space<vmem_shared>> -> memref<64x128xf32, #tpu.memory_space<vmem_shared>>
      %dma_start3A_112 = arith.constant 0 : i32
      %dma_start3A_113 = tpu.memref_slice %arg20[%add3A_41, %dma_start3A_112] : memref<10240x128xf32, #tpu.memory_space<vmem_shared>> -> memref<64x128xf32, #tpu.memory_space<vmem_shared>>
      tpu.enqueue_dma source(%arg18 : memref<64x128xf32, #tpu.memory_space<vmem>>) target(%dma_start3A_113 : memref<64x128xf32, #tpu.memory_space<vmem_shared>>) target_semaphore(%run_scoped3A : memref<!tpu.dma_semaphore, #tpu.memory_space<semaphore_mem>>)
      %dma_wait3A_114 = arith.constant 0 : i32
      %dma_wait3A_115 = tpu.memref_slice %arg20[%add3A_41, %dma_wait3A_114] : memref<10240x128xf32, #tpu.memory_space<vmem_shared>> -> memref<64x128xf32, #tpu.memory_space<vmem_shared>>
      %dma_wait3A_116 = arith.constant 0 : i32
      %dma_wait3A_117 = tpu.memref_slice %arg20[%add3A_41, %dma_wait3A_116] : memref<10240x128xf32, #tpu.memory_space<vmem_shared>> -> memref<64x128xf32, #tpu.memory_space<vmem_shared>>
      tpu.wait_dma2 semaphore(%run_scoped3A : memref<!tpu.dma_semaphore, #tpu.memory_space<semaphore_mem>>) src(%arg18 : memref<64x128xf32, #tpu.memory_space<vmem>>) dst(%dma_wait3A_117 : memref<64x128xf32, #tpu.memory_space<vmem_shared>>)
      tpu.yield
    }) : () -> ()
    %mul3A_42 = arith.constant 640 : i32
    %mul3A_43 = arith.muli %arg1, %mul3A_42 : i32
    %add3A_44 = arith.constant 576 : i32
    %add3A_45 = arith.addi %mul3A_43, %add3A_44 : i32
    "tpu.region"() ({
      %run_scoped3A = tpu.sem_alloc : memref<!tpu.dma_semaphore, #tpu.memory_space<semaphore_mem>>
      %dma_start3A_110 = arith.constant 0 : i32
      %dma_start3A_111 = tpu.memref_slice %arg20[%add3A_45, %dma_start3A_110] : memref<10240x128xf32, #tpu.memory_space<vmem_shared>> -> memref<64x128xf32, #tpu.memory_space<vmem_shared>>
      %dma_start3A_112 = arith.constant 0 : i32
      %dma_start3A_113 = tpu.memref_slice %arg20[%add3A_45, %dma_start3A_112] : memref<10240x128xf32, #tpu.memory_space<vmem_shared>> -> memref<64x128xf32, #tpu.memory_space<vmem_shared>>
      tpu.enqueue_dma source(%arg18 : memref<64x128xf32, #tpu.memory_space<vmem>>) target(%dma_start3A_113 : memref<64x128xf32, #tpu.memory_space<vmem_shared>>) target_semaphore(%run_scoped3A : memref<!tpu.dma_semaphore, #tpu.memory_space<semaphore_mem>>)
      %dma_wait3A_114 = arith.constant 0 : i32
      %dma_wait3A_115 = tpu.memref_slice %arg20[%add3A_45, %dma_wait3A_114] : memref<10240x128xf32, #tpu.memory_space<vmem_shared>> -> memref<64x128xf32, #tpu.memory_space<vmem_shared>>
      %dma_wait3A_116 = arith.constant 0 : i32
      %dma_wait3A_117 = tpu.memref_slice %arg20[%add3A_45, %dma_wait3A_116] : memref<10240x128xf32, #tpu.memory_space<vmem_shared>> -> memref<64x128xf32, #tpu.memory_space<vmem_shared>>
      tpu.wait_dma2 semaphore(%run_scoped3A : memref<!tpu.dma_semaphore, #tpu.memory_space<semaphore_mem>>) src(%arg18 : memref<64x128xf32, #tpu.memory_space<vmem>>) dst(%dma_wait3A_117 : memref<64x128xf32, #tpu.memory_space<vmem_shared>>)
      tpu.yield
    }) : () -> ()
    %barrier3A = arith.constant 0 : index
    tpu.barrier barrier_id(%barrier3A)
    %dma_start3A = arith.constant 0 : i32
    %dma_start3A_46 = arith.constant 0 : i32
    %dma_start3A_47 = arith.constant 0 : i32
    %dma_start3A_48 = tpu.memref_slice %arg2[%add3A, %dma_start3A, %dma_start3A_46, %dma_start3A_47] : memref<32x160x2x64xi32, #tpu.memory_space<hbm>> -> memref<1x1x2x64xi32, #tpu.memory_space<hbm>>
    %dma_start3A_49 = tpu.memref_squeeze %dma_start3A_48 : memref<1x1x2x64xi32, #tpu.memory_space<hbm>> -> memref<2x64xi32, #tpu.memory_space<hbm>>
    %dma_start3A_50 = arith.constant 0 : i32
    %dma_start3A_51 = arith.constant 0 : i32
    %dma_start3A_52 = tpu.memref_slice %arg2[%add3A, %dma_start3A, %dma_start3A_50, %dma_start3A_51] : memref<32x160x2x64xi32, #tpu.memory_space<hbm>> -> memref<1x1x2x64xi32, #tpu.memory_space<hbm>>
    %dma_start3A_53 = tpu.memref_squeeze %dma_start3A_52 : memref<1x1x2x64xi32, #tpu.memory_space<hbm>> -> memref<2x64xi32, #tpu.memory_space<hbm>>
    tpu.enqueue_dma source(%dma_start3A_53 : memref<2x64xi32, #tpu.memory_space<hbm>>) target(%arg7 : memref<2x64xi32, #tpu.memory_space<vmem>>) target_semaphore(%arg21 : memref<!tpu.dma_semaphore, #tpu.memory_space<semaphore_mem>>)
    %dma_start3A_54 = arith.constant 0 : i32
    %dma_start3A_55 = arith.constant 0 : i32
    %dma_start3A_56 = tpu.memref_slice %arg3[%add3A, %dma_start3A_54, %dma_start3A_55] : memref<32x160x64xf32, #tpu.memory_space<hbm>> -> memref<1x1x64xf32, #tpu.memory_space<hbm>>
    %dma_start3A_57 = tpu.memref_squeeze %dma_start3A_56 : memref<1x1x64xf32, #tpu.memory_space<hbm>> -> memref<64xf32, #tpu.memory_space<hbm>>
    %dma_start3A_58 = arith.constant 0 : i32
    %dma_start3A_59 = tpu.memref_slice %arg3[%add3A, %dma_start3A_54, %dma_start3A_58] : memref<32x160x64xf32, #tpu.memory_space<hbm>> -> memref<1x1x64xf32, #tpu.memory_space<hbm>>
    %dma_start3A_60 = tpu.memref_squeeze %dma_start3A_59 : memref<1x1x64xf32, #tpu.memory_space<hbm>> -> memref<64xf32, #tpu.memory_space<hbm>>
    tpu.enqueue_dma source(%dma_start3A_60 : memref<64xf32, #tpu.memory_space<hbm>>) target(%arg9 : memref<64xf32, #tpu.memory_space<vmem>>) target_semaphore(%arg23 : memref<!tpu.dma_semaphore, #tpu.memory_space<semaphore_mem>>)
    %dma_start3A_61 = arith.constant 1 : i32
    %dma_start3A_62 = arith.constant 0 : i32
    %dma_start3A_63 = arith.constant 0 : i32
    %dma_start3A_64 = tpu.memref_slice %arg2[%add3A, %dma_start3A_61, %dma_start3A_62, %dma_start3A_63] : memref<32x160x2x64xi32, #tpu.memory_space<hbm>> -> memref<1x1x2x64xi32, #tpu.memory_space<hbm>>
    %dma_start3A_65 = tpu.memref_squeeze %dma_start3A_64 : memref<1x1x2x64xi32, #tpu.memory_space<hbm>> -> memref<2x64xi32, #tpu.memory_space<hbm>>
    %dma_start3A_66 = arith.constant 0 : i32
    %dma_start3A_67 = arith.constant 0 : i32
    %dma_start3A_68 = tpu.memref_slice %arg2[%add3A, %dma_start3A_61, %dma_start3A_66, %dma_start3A_67] : memref<32x160x2x64xi32, #tpu.memory_space<hbm>> -> memref<1x1x2x64xi32, #tpu.memory_space<hbm>>
    %dma_start3A_69 = tpu.memref_squeeze %dma_start3A_68 : memref<1x1x2x64xi32, #tpu.memory_space<hbm>> -> memref<2x64xi32, #tpu.memory_space<hbm>>
    tpu.enqueue_dma source(%dma_start3A_69 : memref<2x64xi32, #tpu.memory_space<hbm>>) target(%arg8 : memref<2x64xi32, #tpu.memory_space<vmem>>) target_semaphore(%arg22 : memref<!tpu.dma_semaphore, #tpu.memory_space<semaphore_mem>>)
    %dma_start3A_70 = arith.constant 1 : i32
    %dma_start3A_71 = arith.constant 0 : i32
    %dma_start3A_72 = tpu.memref_slice %arg3[%add3A, %dma_start3A_70, %dma_start3A_71] : memref<32x160x64xf32, #tpu.memory_space<hbm>> -> memref<1x1x64xf32, #tpu.memory_space<hbm>>
    %dma_start3A_73 = tpu.memref_squeeze %dma_start3A_72 : memref<1x1x64xf32, #tpu.memory_space<hbm>> -> memref<64xf32, #tpu.memory_space<hbm>>
    %dma_start3A_74 = arith.constant 0 : i32
    %dma_start3A_75 = tpu.memref_slice %arg3[%add3A, %dma_start3A_70, %dma_start3A_74] : memref<32x160x64xf32, #tpu.memory_space<hbm>> -> memref<1x1x64xf32, #tpu.memory_space<hbm>>
    %dma_start3A_76 = tpu.memref_squeeze %dma_start3A_75 : memref<1x1x64xf32, #tpu.memory_space<hbm>> -> memref<64xf32, #tpu.memory_space<hbm>>
    tpu.enqueue_dma source(%dma_start3A_76 : memref<64xf32, #tpu.memory_space<hbm>>) target(%arg10 : memref<64xf32, #tpu.memory_space<vmem>>) target_semaphore(%arg24 : memref<!tpu.dma_semaphore, #tpu.memory_space<semaphore_mem>>)
    %broadcast_in_dim3A = arith.constant -65536 : i32
    %broadcast_in_dim3A_77 = vector.broadcast %broadcast_in_dim3A : i32 to vector<16xi32>
    %scan3A_78 = arith.constant 0 : i32
    %scan3A_79 = arith.constant 0 : i32
    %scan3A_80 = arith.constant 80 : i32
    %scan3A_81 = arith.addi %scan3A_79, %scan3A_80 : i32
    %scan3A_82 = arith.constant 1 : i32
    scf.for %scan3A_110 = %scan3A_79 to %scan3A_81 step %scan3A_82  : i32 {
      %mul3A_111 = arith.constant 2 : i32
      %mul3A_112 = arith.muli %mul3A_111, %scan3A_110 : i32
      %mul3A_113 = arith.constant 2 : i32
      %mul3A_114 = arith.muli %mul3A_113, %scan3A_110 : i32
      %add3A_115 = arith.constant 1 : i32
      %add3A_116 = arith.addi %mul3A_114, %add3A_115 : i32
      %dma_wait3A_117 = arith.constant 0 : i32
      %dma_wait3A_118 = arith.constant 0 : i32
      %dma_wait3A_119 = tpu.memref_slice %arg2[%add3A, %mul3A_112, %dma_wait3A_117, %dma_wait3A_118] : memref<32x160x2x64xi32, #tpu.memory_space<hbm>> -> memref<1x1x2x64xi32, #tpu.memory_space<hbm>>
      %dma_wait3A_120 = tpu.memref_squeeze %dma_wait3A_119 : memref<1x1x2x64xi32, #tpu.memory_space<hbm>> -> memref<2x64xi32, #tpu.memory_space<hbm>>
      %dma_wait3A_121 = arith.constant 0 : i32
      %dma_wait3A_122 = arith.constant 0 : i32
      %dma_wait3A_123 = tpu.memref_slice %arg2[%add3A, %mul3A_112, %dma_wait3A_121, %dma_wait3A_122] : memref<32x160x2x64xi32, #tpu.memory_space<hbm>> -> memref<1x1x2x64xi32, #tpu.memory_space<hbm>>
      %dma_wait3A_124 = tpu.memref_squeeze %dma_wait3A_123 : memref<1x1x2x64xi32, #tpu.memory_space<hbm>> -> memref<2x64xi32, #tpu.memory_space<hbm>>
      tpu.wait_dma2 semaphore(%arg21 : memref<!tpu.dma_semaphore, #tpu.memory_space<semaphore_mem>>) src(%dma_wait3A_124 : memref<2x64xi32, #tpu.memory_space<hbm>>) dst(%arg7 : memref<2x64xi32, #tpu.memory_space<vmem>>)
      %dma_wait3A_125 = arith.constant 0 : i32
      %dma_wait3A_126 = tpu.memref_slice %arg3[%add3A, %mul3A_112, %dma_wait3A_125] : memref<32x160x64xf32, #tpu.memory_space<hbm>> -> memref<1x1x64xf32, #tpu.memory_space<hbm>>
      %dma_wait3A_127 = tpu.memref_squeeze %dma_wait3A_126 : memref<1x1x64xf32, #tpu.memory_space<hbm>> -> memref<64xf32, #tpu.memory_space<hbm>>
      %dma_wait3A_128 = arith.constant 0 : i32
      %dma_wait3A_129 = tpu.memref_slice %arg3[%add3A, %mul3A_112, %dma_wait3A_128] : memref<32x160x64xf32, #tpu.memory_space<hbm>> -> memref<1x1x64xf32, #tpu.memory_space<hbm>>
      %dma_wait3A_130 = tpu.memref_squeeze %dma_wait3A_129 : memref<1x1x64xf32, #tpu.memory_space<hbm>> -> memref<64xf32, #tpu.memory_space<hbm>>
      tpu.wait_dma2 semaphore(%arg23 : memref<!tpu.dma_semaphore, #tpu.memory_space<semaphore_mem>>) src(%dma_wait3A_130 : memref<64xf32, #tpu.memory_space<hbm>>) dst(%arg9 : memref<64xf32, #tpu.memory_space<vmem>>)
      %gt3A = arith.constant 0 : i32
      %gt3A_131 = arith.cmpi sgt, %scan3A_110, %gt3A : i32
      %convert_element_type3A = arith.extui %gt3A_131 : i1 to i32
      %cond3A = arith.constant 0 : i32
      %cond3A_132 = arith.cmpi ne, %convert_element_type3A, %cond3A : i32
      scf.if %cond3A_132 {
        %dma_wait3A_315 = arith.constant 0 : i32
        %dma_wait3A_316 = arith.constant 0 : i32
        %dma_wait3A_317 = tpu.memref_slice %arg20[%dma_wait3A_315, %dma_wait3A_316] : memref<10240x128xf32, #tpu.memory_space<vmem_shared>> -> memref<10240x128xf32, #tpu.memory_space<vmem_shared>>
        tpu.wait_indirect_dma semaphore(%arg27 : memref<!tpu.dma_semaphore, #tpu.memory_space<semaphore_mem>>) src(%arg18 : memref<64x128xf32, #tpu.memory_space<vmem>>) dst(%dma_wait3A_317 : memref<10240x128xf32, #tpu.memory_space<vmem_shared>>)
      } else {
      }
      %dma_start3A_133 = arith.constant 0 : i32
      %dma_start3A_134 = arith.constant 0 : i32
      %dma_start3A_135 = tpu.memref_slice %arg7[%dma_start3A_133, %dma_start3A_134] : memref<2x64xi32, #tpu.memory_space<vmem>> -> memref<1x64xi32, #tpu.memory_space<vmem>>
      %dma_start3A_136 = tpu.memref_squeeze %dma_start3A_135 : memref<1x64xi32, #tpu.memory_space<vmem>> -> memref<64xi32, #tpu.memory_space<vmem>>
      %dma_start3A_137 = arith.constant 0 : i32
      %dma_start3A_138 = arith.constant 0 : i32
      %dma_start3A_139 = tpu.memref_slice %arg5[%dma_start3A_137, %dma_start3A_138] : memref<10240x64xi32, #tpu.memory_space<hbm>> -> memref<10240x64xi32, #tpu.memory_space<hbm>>
      tpu.enqueue_indirect_dma source(%dma_start3A_139 : memref<10240x64xi32, #tpu.memory_space<hbm>>) target(%arg16 : memref<64x64xi32, #tpu.memory_space<vmem>>) offsets(%dma_start3A_136 : memref<64xi32, #tpu.memory_space<vmem>>) semaphore(%arg25 : memref<!tpu.dma_semaphore, #tpu.memory_space<semaphore_mem>>)
      %get3A = arith.constant 1 : i32
      %get3A_140 = arith.index_cast %get3A : i32 to index
      %get3A_141 = arith.constant 0 : index
      %get3A_142 = tpu.vector_load %arg7[%get3A_140, %get3A_141] {strides = array<i32>} : memref<2x64xi32, #tpu.memory_space<vmem>>, vector<16xi32>,
      %swap3A = arith.constant 0 : index
      %swap3A_143 = tpu.vector_load %arg13[%swap3A] {strides = array<i32>} : memref<64xi32, #tpu.memory_space<vmem>>, vector<16xi32>,
      tpu.vector_store %arg13[%swap3A], %get3A_142 {strides = array<i32>} : memref<64xi32, #tpu.memory_space<vmem>>, vector<16xi32>,
      %gather3A = tpu.vector_load_idx %arg15[%get3A_142] : memref<10240xf32, #tpu.memory_space<vmem>>[vector<16xi32>], vector<16xf32>,
      %get3A_144 = arith.constant 0 : index
      %get3A_145 = tpu.vector_load %arg9[%get3A_144] {strides = array<i32>} : memref<64xf32, #tpu.memory_space<vmem>>, vector<16xf32>,
      %max3A = arith.constant 9.99999935E-39 : f32
      %max3A_146 = vector.broadcast %max3A : f32 to vector<16xf32>
      %max3A_147 = arith.maximumf %gather3A, %max3A_146 : vector<16xf32>
      %div3A = arith.divf %get3A_145, %max3A_147 : vector<16xf32>
      %swap3A_148 = arith.constant 0 : index
      %swap3A_149 = tpu.vector_load %arg11[%swap3A_148] {strides = array<i32>} : memref<64xf32, #tpu.memory_space<vmem>>, vector<16xf32>,
      tpu.vector_store %arg11[%swap3A_148], %div3A {strides = array<i32>} : memref<64xf32, #tpu.memory_space<vmem>>, vector<16xf32>,
      %get3A_150 = arith.constant 1 : i32
      %get3A_151 = arith.index_cast %get3A_150 : i32 to index
      %get3A_152 = arith.constant 16 : index
      %get3A_153 = tpu.vector_load %arg7[%get3A_151, %get3A_152] {strides = array<i32>} : memref<2x64xi32, #tpu.memory_space<vmem>>, vector<16xi32>,
      %swap3A_154 = arith.constant 16 : index
      %swap3A_155 = tpu.vector_load %arg13[%swap3A_154] {strides = array<i32>} : memref<64xi32, #tpu.memory_space<vmem>>, vector<16xi32>,
      tpu.vector_store %arg13[%swap3A_154], %get3A_153 {strides = array<i32>} : memref<64xi32, #tpu.memory_space<vmem>>, vector<16xi32>,
      %gather3A_156 = tpu.vector_load_idx %arg15[%get3A_153] : memref<10240xf32, #tpu.memory_space<vmem>>[vector<16xi32>], vector<16xf32>,
      %get3A_157 = arith.constant 16 : index
      %get3A_158 = tpu.vector_load %arg9[%get3A_157] {strides = array<i32>} : memref<64xf32, #tpu.memory_space<vmem>>, vector<16xf32>,
      %max3A_159 = arith.constant 9.99999935E-39 : f32
      %max3A_160 = vector.broadcast %max3A_159 : f32 to vector<16xf32>
      %max3A_161 = arith.maximumf %gather3A_156, %max3A_160 : vector<16xf32>
      %div3A_162 = arith.divf %get3A_158, %max3A_161 : vector<16xf32>
      %swap3A_163 = arith.constant 16 : index
      %swap3A_164 = tpu.vector_load %arg11[%swap3A_163] {strides = array<i32>} : memref<64xf32, #tpu.memory_space<vmem>>, vector<16xf32>,
      tpu.vector_store %arg11[%swap3A_163], %div3A_162 {strides = array<i32>} : memref<64xf32, #tpu.memory_space<vmem>>, vector<16xf32>,
      %get3A_165 = arith.constant 1 : i32
      %get3A_166 = arith.index_cast %get3A_165 : i32 to index
      %get3A_167 = arith.constant 32 : index
      %get3A_168 = tpu.vector_load %arg7[%get3A_166, %get3A_167] {strides = array<i32>} : memref<2x64xi32, #tpu.memory_space<vmem>>, vector<16xi32>,
      %swap3A_169 = arith.constant 32 : index
      %swap3A_170 = tpu.vector_load %arg13[%swap3A_169] {strides = array<i32>} : memref<64xi32, #tpu.memory_space<vmem>>, vector<16xi32>,
      tpu.vector_store %arg13[%swap3A_169], %get3A_168 {strides = array<i32>} : memref<64xi32, #tpu.memory_space<vmem>>, vector<16xi32>,
      %gather3A_171 = tpu.vector_load_idx %arg15[%get3A_168] : memref<10240xf32, #tpu.memory_space<vmem>>[vector<16xi32>], vector<16xf32>,
      %get3A_172 = arith.constant 32 : index
      %get3A_173 = tpu.vector_load %arg9[%get3A_172] {strides = array<i32>} : memref<64xf32, #tpu.memory_space<vmem>>, vector<16xf32>,
      %max3A_174 = arith.constant 9.99999935E-39 : f32
      %max3A_175 = vector.broadcast %max3A_174 : f32 to vector<16xf32>
      %max3A_176 = arith.maximumf %gather3A_171, %max3A_175 : vector<16xf32>
      %div3A_177 = arith.divf %get3A_173, %max3A_176 : vector<16xf32>
      %swap3A_178 = arith.constant 32 : index
      %swap3A_179 = tpu.vector_load %arg11[%swap3A_178] {strides = array<i32>} : memref<64xf32, #tpu.memory_space<vmem>>, vector<16xf32>,
      tpu.vector_store %arg11[%swap3A_178], %div3A_177 {strides = array<i32>} : memref<64xf32, #tpu.memory_space<vmem>>, vector<16xf32>,
      %get3A_180 = arith.constant 1 : i32
      %get3A_181 = arith.index_cast %get3A_180 : i32 to index
      %get3A_182 = arith.constant 48 : index
      %get3A_183 = tpu.vector_load %arg7[%get3A_181, %get3A_182] {strides = array<i32>} : memref<2x64xi32, #tpu.memory_space<vmem>>, vector<16xi32>,
      %swap3A_184 = arith.constant 48 : index
      %swap3A_185 = tpu.vector_load %arg13[%swap3A_184] {strides = array<i32>} : memref<64xi32, #tpu.memory_space<vmem>>, vector<16xi32>,
      tpu.vector_store %arg13[%swap3A_184], %get3A_183 {strides = array<i32>} : memref<64xi32, #tpu.memory_space<vmem>>, vector<16xi32>,
      %gather3A_186 = tpu.vector_load_idx %arg15[%get3A_183] : memref<10240xf32, #tpu.memory_space<vmem>>[vector<16xi32>], vector<16xf32>,
      %get3A_187 = arith.constant 48 : index
      %get3A_188 = tpu.vector_load %arg9[%get3A_187] {strides = array<i32>} : memref<64xf32, #tpu.memory_space<vmem>>, vector<16xf32>,
      %max3A_189 = arith.constant 9.99999935E-39 : f32
      %max3A_190 = vector.broadcast %max3A_189 : f32 to vector<16xf32>
      %max3A_191 = arith.maximumf %gather3A_186, %max3A_190 : vector<16xf32>
      %div3A_192 = arith.divf %get3A_188, %max3A_191 : vector<16xf32>
      %swap3A_193 = arith.constant 48 : index
      %swap3A_194 = tpu.vector_load %arg11[%swap3A_193] {strides = array<i32>} : memref<64xf32, #tpu.memory_space<vmem>>, vector<16xf32>,
      tpu.vector_store %arg11[%swap3A_193], %div3A_192 {strides = array<i32>} : memref<64xf32, #tpu.memory_space<vmem>>, vector<16xf32>,
      %dma_wait3A_195 = arith.constant 0 : i32
      %dma_wait3A_196 = arith.constant 0 : i32
      %dma_wait3A_197 = tpu.memref_slice %arg2[%add3A, %add3A_116, %dma_wait3A_195, %dma_wait3A_196] : memref<32x160x2x64xi32, #tpu.memory_space<hbm>> -> memref<1x1x2x64xi32, #tpu.memory_space<hbm>>
      %dma_wait3A_198 = tpu.memref_squeeze %dma_wait3A_197 : memref<1x1x2x64xi32, #tpu.memory_space<hbm>> -> memref<2x64xi32, #tpu.memory_space<hbm>>
      %dma_wait3A_199 = arith.constant 0 : i32
      %dma_wait3A_200 = arith.constant 0 : i32
      %dma_wait3A_201 = tpu.memref_slice %arg2[%add3A, %add3A_116, %dma_wait3A_199, %dma_wait3A_200] : memref<32x160x2x64xi32, #tpu.memory_space<hbm>> -> memref<1x1x2x64xi32, #tpu.memory_space<hbm>>
      %dma_wait3A_202 = tpu.memref_squeeze %dma_wait3A_201 : memref<1x1x2x64xi32, #tpu.memory_space<hbm>> -> memref<2x64xi32, #tpu.memory_space<hbm>>
      tpu.wait_dma2 semaphore(%arg22 : memref<!tpu.dma_semaphore, #tpu.memory_space<semaphore_mem>>) src(%dma_wait3A_202 : memref<2x64xi32, #tpu.memory_space<hbm>>) dst(%arg8 : memref<2x64xi32, #tpu.memory_space<vmem>>)
      %dma_wait3A_203 = arith.constant 0 : i32
      %dma_wait3A_204 = tpu.memref_slice %arg3[%add3A, %add3A_116, %dma_wait3A_203] : memref<32x160x64xf32, #tpu.memory_space<hbm>> -> memref<1x1x64xf32, #tpu.memory_space<hbm>>
      %dma_wait3A_205 = tpu.memref_squeeze %dma_wait3A_204 : memref<1x1x64xf32, #tpu.memory_space<hbm>> -> memref<64xf32, #tpu.memory_space<hbm>>
      %dma_wait3A_206 = arith.constant 0 : i32
      %dma_wait3A_207 = tpu.memref_slice %arg3[%add3A, %add3A_116, %dma_wait3A_206] : memref<32x160x64xf32, #tpu.memory_space<hbm>> -> memref<1x1x64xf32, #tpu.memory_space<hbm>>
      %dma_wait3A_208 = tpu.memref_squeeze %dma_wait3A_207 : memref<1x1x64xf32, #tpu.memory_space<hbm>> -> memref<64xf32, #tpu.memory_space<hbm>>
      tpu.wait_dma2 semaphore(%arg24 : memref<!tpu.dma_semaphore, #tpu.memory_space<semaphore_mem>>) src(%dma_wait3A_208 : memref<64xf32, #tpu.memory_space<hbm>>) dst(%arg10 : memref<64xf32, #tpu.memory_space<vmem>>)
      %gt3A_209 = arith.constant 0 : i32
      %gt3A_210 = arith.cmpi sgt, %scan3A_110, %gt3A_209 : i32
      %convert_element_type3A_211 = arith.extui %gt3A_210 : i1 to i32
      %cond3A_212 = arith.constant 0 : i32
      %cond3A_213 = arith.cmpi ne, %convert_element_type3A_211, %cond3A_212 : i32
      scf.if %cond3A_213 {
        %dma_wait3A_315 = arith.constant 0 : i32
        %dma_wait3A_316 = arith.constant 0 : i32
        %dma_wait3A_317 = tpu.memref_slice %arg20[%dma_wait3A_315, %dma_wait3A_316] : memref<10240x128xf32, #tpu.memory_space<vmem_shared>> -> memref<10240x128xf32, #tpu.memory_space<vmem_shared>>
        tpu.wait_indirect_dma semaphore(%arg28 : memref<!tpu.dma_semaphore, #tpu.memory_space<semaphore_mem>>) src(%arg19 : memref<64x128xf32, #tpu.memory_space<vmem>>) dst(%dma_wait3A_317 : memref<10240x128xf32, #tpu.memory_space<vmem_shared>>)
      } else {
      }
      %dma_start3A_214 = arith.constant 0 : i32
      %dma_start3A_215 = arith.constant 0 : i32
      %dma_start3A_216 = tpu.memref_slice %arg8[%dma_start3A_214, %dma_start3A_215] : memref<2x64xi32, #tpu.memory_space<vmem>> -> memref<1x64xi32, #tpu.memory_space<vmem>>
      %dma_start3A_217 = tpu.memref_squeeze %dma_start3A_216 : memref<1x64xi32, #tpu.memory_space<vmem>> -> memref<64xi32, #tpu.memory_space<vmem>>
      %dma_start3A_218 = arith.constant 0 : i32
      %dma_start3A_219 = arith.constant 0 : i32
      %dma_start3A_220 = tpu.memref_slice %arg5[%dma_start3A_218, %dma_start3A_219] : memref<10240x64xi32, #tpu.memory_space<hbm>> -> memref<10240x64xi32, #tpu.memory_space<hbm>>
      tpu.enqueue_indirect_dma source(%dma_start3A_220 : memref<10240x64xi32, #tpu.memory_space<hbm>>) target(%arg17 : memref<64x64xi32, #tpu.memory_space<vmem>>) offsets(%dma_start3A_217 : memref<64xi32, #tpu.memory_space<vmem>>) semaphore(%arg26 : memref<!tpu.dma_semaphore, #tpu.memory_space<semaphore_mem>>)
      %get3A_221 = arith.constant 1 : i32
      %get3A_222 = arith.index_cast %get3A_221 : i32 to index
      %get3A_223 = arith.constant 0 : index
      %get3A_224 = tpu.vector_load %arg8[%get3A_222, %get3A_223] {strides = array<i32>} : memref<2x64xi32, #tpu.memory_space<vmem>>, vector<16xi32>,
      %swap3A_225 = arith.constant 0 : index
      %swap3A_226 = tpu.vector_load %arg14[%swap3A_225] {strides = array<i32>} : memref<64xi32, #tpu.memory_space<vmem>>, vector<16xi32>,
      tpu.vector_store %arg14[%swap3A_225], %get3A_224 {strides = array<i32>} : memref<64xi32, #tpu.memory_space<vmem>>, vector<16xi32>,
      %gather3A_227 = tpu.vector_load_idx %arg15[%get3A_224] : memref<10240xf32, #tpu.memory_space<vmem>>[vector<16xi32>], vector<16xf32>,
      %get3A_228 = arith.constant 0 : index
      %get3A_229 = tpu.vector_load %arg10[%get3A_228] {strides = array<i32>} : memref<64xf32, #tpu.memory_space<vmem>>, vector<16xf32>,
      %max3A_230 = arith.constant 9.99999935E-39 : f32
      %max3A_231 = vector.broadcast %max3A_230 : f32 to vector<16xf32>
      %max3A_232 = arith.maximumf %gather3A_227, %max3A_231 : vector<16xf32>
      %div3A_233 = arith.divf %get3A_229, %max3A_232 : vector<16xf32>
      %swap3A_234 = arith.constant 0 : index
      %swap3A_235 = tpu.vector_load %arg12[%swap3A_234] {strides = array<i32>} : memref<64xf32, #tpu.memory_space<vmem>>, vector<16xf32>,
      tpu.vector_store %arg12[%swap3A_234], %div3A_233 {strides = array<i32>} : memref<64xf32, #tpu.memory_space<vmem>>, vector<16xf32>,
      %get3A_236 = arith.constant 1 : i32
      %get3A_237 = arith.index_cast %get3A_236 : i32 to index
      %get3A_238 = arith.constant 16 : index
      %get3A_239 = tpu.vector_load %arg8[%get3A_237, %get3A_238] {strides = array<i32>} : memref<2x64xi32, #tpu.memory_space<vmem>>, vector<16xi32>,
      %swap3A_240 = arith.constant 16 : index
      %swap3A_241 = tpu.vector_load %arg14[%swap3A_240] {strides = array<i32>} : memref<64xi32, #tpu.memory_space<vmem>>, vector<16xi32>,
      tpu.vector_store %arg14[%swap3A_240], %get3A_239 {strides = array<i32>} : memref<64xi32, #tpu.memory_space<vmem>>, vector<16xi32>,
      %gather3A_242 = tpu.vector_load_idx %arg15[%get3A_239] : memref<10240xf32, #tpu.memory_space<vmem>>[vector<16xi32>], vector<16xf32>,
      %get3A_243 = arith.constant 16 : index
      %get3A_244 = tpu.vector_load %arg10[%get3A_243] {strides = array<i32>} : memref<64xf32, #tpu.memory_space<vmem>>, vector<16xf32>,
      %max3A_245 = arith.constant 9.99999935E-39 : f32
      %max3A_246 = vector.broadcast %max3A_245 : f32 to vector<16xf32>
      %max3A_247 = arith.maximumf %gather3A_242, %max3A_246 : vector<16xf32>
      %div3A_248 = arith.divf %get3A_244, %max3A_247 : vector<16xf32>
      %swap3A_249 = arith.constant 16 : index
      %swap3A_250 = tpu.vector_load %arg12[%swap3A_249] {strides = array<i32>} : memref<64xf32, #tpu.memory_space<vmem>>, vector<16xf32>,
      tpu.vector_store %arg12[%swap3A_249], %div3A_248 {strides = array<i32>} : memref<64xf32, #tpu.memory_space<vmem>>, vector<16xf32>,
      %get3A_251 = arith.constant 1 : i32
      %get3A_252 = arith.index_cast %get3A_251 : i32 to index
      %get3A_253 = arith.constant 32 : index
      %get3A_254 = tpu.vector_load %arg8[%get3A_252, %get3A_253] {strides = array<i32>} : memref<2x64xi32, #tpu.memory_space<vmem>>, vector<16xi32>,
      %swap3A_255 = arith.constant 32 : index
      %swap3A_256 = tpu.vector_load %arg14[%swap3A_255] {strides = array<i32>} : memref<64xi32, #tpu.memory_space<vmem>>, vector<16xi32>,
      tpu.vector_store %arg14[%swap3A_255], %get3A_254 {strides = array<i32>} : memref<64xi32, #tpu.memory_space<vmem>>, vector<16xi32>,
      %gather3A_257 = tpu.vector_load_idx %arg15[%get3A_254] : memref<10240xf32, #tpu.memory_space<vmem>>[vector<16xi32>], vector<16xf32>,
      %get3A_258 = arith.constant 32 : index
      %get3A_259 = tpu.vector_load %arg10[%get3A_258] {strides = array<i32>} : memref<64xf32, #tpu.memory_space<vmem>>, vector<16xf32>,
      %max3A_260 = arith.constant 9.99999935E-39 : f32
      %max3A_261 = vector.broadcast %max3A_260 : f32 to vector<16xf32>
      %max3A_262 = arith.maximumf %gather3A_257, %max3A_261 : vector<16xf32>
      %div3A_263 = arith.divf %get3A_259, %max3A_262 : vector<16xf32>
      %swap3A_264 = arith.constant 32 : index
      %swap3A_265 = tpu.vector_load %arg12[%swap3A_264] {strides = array<i32>} : memref<64xf32, #tpu.memory_space<vmem>>, vector<16xf32>,
      tpu.vector_store %arg12[%swap3A_264], %div3A_263 {strides = array<i32>} : memref<64xf32, #tpu.memory_space<vmem>>, vector<16xf32>,
      %get3A_266 = arith.constant 1 : i32
      %get3A_267 = arith.index_cast %get3A_266 : i32 to index
      %get3A_268 = arith.constant 48 : index
      %get3A_269 = tpu.vector_load %arg8[%get3A_267, %get3A_268] {strides = array<i32>} : memref<2x64xi32, #tpu.memory_space<vmem>>, vector<16xi32>,
      %swap3A_270 = arith.constant 48 : index
      %swap3A_271 = tpu.vector_load %arg14[%swap3A_270] {strides = array<i32>} : memref<64xi32, #tpu.memory_space<vmem>>, vector<16xi32>,
      tpu.vector_store %arg14[%swap3A_270], %get3A_269 {strides = array<i32>} : memref<64xi32, #tpu.memory_space<vmem>>, vector<16xi32>,
      %gather3A_272 = tpu.vector_load_idx %arg15[%get3A_269] : memref<10240xf32, #tpu.memory_space<vmem>>[vector<16xi32>], vector<16xf32>,
      %get3A_273 = arith.constant 48 : index
      %get3A_274 = tpu.vector_load %arg10[%get3A_273] {strides = array<i32>} : memref<64xf32, #tpu.memory_space<vmem>>, vector<16xf32>,
      %max3A_275 = arith.constant 9.99999935E-39 : f32
      %max3A_276 = vector.broadcast %max3A_275 : f32 to vector<16xf32>
      %max3A_277 = arith.maximumf %gather3A_272, %max3A_276 : vector<16xf32>
      %div3A_278 = arith.divf %get3A_274, %max3A_277 : vector<16xf32>
      %swap3A_279 = arith.constant 48 : index
      %swap3A_280 = tpu.vector_load %arg12[%swap3A_279] {strides = array<i32>} : memref<64xf32, #tpu.memory_space<vmem>>, vector<16xf32>,
      tpu.vector_store %arg12[%swap3A_279], %div3A_278 {strides = array<i32>} : memref<64xf32, #tpu.memory_space<vmem>>, vector<16xf32>,
      %dma_wait3A_281 = arith.constant 0 : i32
      %dma_wait3A_282 = arith.constant 0 : i32
      %dma_wait3A_283 = tpu.memref_slice %arg7[%dma_wait3A_281, %dma_wait3A_282] : memref<2x64xi32, #tpu.memory_space<vmem>> -> memref<1x64xi32, #tpu.memory_space<vmem>>
      %dma_wait3A_284 = tpu.memref_squeeze %dma_wait3A_283 : memref<1x64xi32, #tpu.memory_space<vmem>> -> memref<64xi32, #tpu.memory_space<vmem>>
      %dma_wait3A_285 = arith.constant 0 : i32
      %dma_wait3A_286 = arith.constant 0 : i32
      %dma_wait3A_287 = tpu.memref_slice %arg5[%dma_wait3A_285, %dma_wait3A_286] : memref<10240x64xi32, #tpu.memory_space<hbm>> -> memref<10240x64xi32, #tpu.memory_space<hbm>>
      tpu.wait_indirect_dma semaphore(%arg25 : memref<!tpu.dma_semaphore, #tpu.memory_space<semaphore_mem>>) src(%dma_wait3A_287 : memref<10240x64xi32, #tpu.memory_space<hbm>>) dst(%arg16 : memref<64x64xi32, #tpu.memory_space<vmem>>)
      %lt3A = arith.constant 79 : i32
      %lt3A_288 = arith.cmpi slt, %scan3A_110, %lt3A : i32
      %convert_element_type3A_289 = arith.extui %lt3A_288 : i1 to i32
      %cond3A_290 = arith.constant 0 : i32
      %cond3A_291 = arith.cmpi ne, %convert_element_type3A_289, %cond3A_290 : i32
      scf.if %cond3A_291 {
        %add3A_315 = arith.constant 2 : i32
        %add3A_316 = arith.addi %mul3A_112, %add3A_315 : i32
        %dma_start3A_317 = arith.constant 0 : i32
        %dma_start3A_318 = arith.constant 0 : i32
        %dma_start3A_319 = tpu.memref_slice %arg2[%add3A, %add3A_316, %dma_start3A_317, %dma_start3A_318] : memref<32x160x2x64xi32, #tpu.memory_space<hbm>> -> memref<1x1x2x64xi32, #tpu.memory_space<hbm>>
        %dma_start3A_320 = tpu.memref_squeeze %dma_start3A_319 : memref<1x1x2x64xi32, #tpu.memory_space<hbm>> -> memref<2x64xi32, #tpu.memory_space<hbm>>
        %dma_start3A_321 = arith.constant 0 : i32
        %dma_start3A_322 = arith.constant 0 : i32
        %dma_start3A_323 = tpu.memref_slice %arg2[%add3A, %add3A_316, %dma_start3A_321, %dma_start3A_322] : memref<32x160x2x64xi32, #tpu.memory_space<hbm>> -> memref<1x1x2x64xi32, #tpu.memory_space<hbm>>
        %dma_start3A_324 = tpu.memref_squeeze %dma_start3A_323 : memref<1x1x2x64xi32, #tpu.memory_space<hbm>> -> memref<2x64xi32, #tpu.memory_space<hbm>>
        tpu.enqueue_dma source(%dma_start3A_324 : memref<2x64xi32, #tpu.memory_space<hbm>>) target(%arg7 : memref<2x64xi32, #tpu.memory_space<vmem>>) target_semaphore(%arg21 : memref<!tpu.dma_semaphore, #tpu.memory_space<semaphore_mem>>)
        %add3A_325 = arith.constant 2 : i32
        %add3A_326 = arith.addi %mul3A_112, %add3A_325 : i32
        %dma_start3A_327 = arith.constant 0 : i32
        %dma_start3A_328 = tpu.memref_slice %arg3[%add3A, %add3A_326, %dma_start3A_327] : memref<32x160x64xf32, #tpu.memory_space<hbm>> -> memref<1x1x64xf32, #tpu.memory_space<hbm>>
        %dma_start3A_329 = tpu.memref_squeeze %dma_start3A_328 : memref<1x1x64xf32, #tpu.memory_space<hbm>> -> memref<64xf32, #tpu.memory_space<hbm>>
        %dma_start3A_330 = arith.constant 0 : i32
        %dma_start3A_331 = tpu.memref_slice %arg3[%add3A, %add3A_326, %dma_start3A_330] : memref<32x160x64xf32, #tpu.memory_space<hbm>> -> memref<1x1x64xf32, #tpu.memory_space<hbm>>
        %dma_start3A_332 = tpu.memref_squeeze %dma_start3A_331 : memref<1x1x64xf32, #tpu.memory_space<hbm>> -> memref<64xf32, #tpu.memory_space<hbm>>
        tpu.enqueue_dma source(%dma_start3A_332 : memref<64xf32, #tpu.memory_space<hbm>>) target(%arg9 : memref<64xf32, #tpu.memory_space<vmem>>) target_semaphore(%arg23 : memref<!tpu.dma_semaphore, #tpu.memory_space<semaphore_mem>>)
      } else {
      }
      %parallel_loop3A = arith.constant 0 : i32
      %parallel_loop3A_292 = arith.constant 64 : i32
      %parallel_loop3A_293 = arith.constant 1 : i32
      scf.for %parallel_loop3A_315 = %parallel_loop3A to %parallel_loop3A_292 step %parallel_loop3A_293  : i32 {
        %parallel_loop3A_316 = vector.broadcast %parallel_loop3A_315 : i32 to vector<16xi32>
        %parallel_loop3A_317 = tpu.vector_load_idx %arg11[%parallel_loop3A_316] : memref<64xf32, #tpu.memory_space<vmem>>[vector<16xi32>], vector<16xf32>,
        %parallel_loop3A_318 = arith.index_cast %parallel_loop3A_315 : i32 to index
        %parallel_loop3A_319 = arith.constant 0 : index
        %parallel_loop3A_320 = tpu.vector_load %arg16[%parallel_loop3A_318, %parallel_loop3A_319] {strides = array<i32>} : memref<64x64xi32, #tpu.memory_space<vmem>>, vector<16xi32>,
        %parallel_loop3A_321 = arith.constant 16 : i32
        %parallel_loop3A_322 = vector.broadcast %parallel_loop3A_321 : i32 to vector<16xi32>
        %parallel_loop3A_323 = arith.shli %parallel_loop3A_320, %parallel_loop3A_322 : vector<16xi32>
        %parallel_loop3A_324 = vector.bitcast %parallel_loop3A_323 : vector<16xi32> to vector<16xf32>
        %parallel_loop3A_325 = arith.andi %parallel_loop3A_320, %broadcast_in_dim3A_77 : vector<16xi32>
        %parallel_loop3A_326 = vector.bitcast %parallel_loop3A_325 : vector<16xi32> to vector<16xf32>
        %parallel_loop3A_327 = arith.mulf %parallel_loop3A_324, %parallel_loop3A_317 : vector<16xf32>
        %parallel_loop3A_328 = arith.index_cast %parallel_loop3A_315 : i32 to index
        %parallel_loop3A_329 = arith.constant 0 : index
        %parallel_loop3A_330 = tpu.vector_load %arg18[%parallel_loop3A_328, %parallel_loop3A_329] {strides = array<i32>} : memref<64x128xf32, #tpu.memory_space<vmem>>, vector<16xf32>,
        tpu.vector_store %arg18[%parallel_loop3A_328, %parallel_loop3A_329], %parallel_loop3A_327 {strides = array<i32>} : memref<64x128xf32, #tpu.memory_space<vmem>>, vector<16xf32>,
        %parallel_loop3A_331 = arith.mulf %parallel_loop3A_326, %parallel_loop3A_317 : vector<16xf32>
        %parallel_loop3A_332 = arith.index_cast %parallel_loop3A_315 : i32 to index
        %parallel_loop3A_333 = arith.constant 16 : index
        %parallel_loop3A_334 = tpu.vector_load %arg18[%parallel_loop3A_332, %parallel_loop3A_333] {strides = array<i32>} : memref<64x128xf32, #tpu.memory_space<vmem>>, vector<16xf32>,
        tpu.vector_store %arg18[%parallel_loop3A_332, %parallel_loop3A_333], %parallel_loop3A_331 {strides = array<i32>} : memref<64x128xf32, #tpu.memory_space<vmem>>, vector<16xf32>,
        %parallel_loop3A_335 = arith.index_cast %parallel_loop3A_315 : i32 to index
        %parallel_loop3A_336 = arith.constant 16 : index
        %parallel_loop3A_337 = tpu.vector_load %arg16[%parallel_loop3A_335, %parallel_loop3A_336] {strides = array<i32>} : memref<64x64xi32, #tpu.memory_space<vmem>>, vector<16xi32>,
        %parallel_loop3A_338 = arith.constant 16 : i32
        %parallel_loop3A_339 = vector.broadcast %parallel_loop3A_338 : i32 to vector<16xi32>
        %parallel_loop3A_340 = arith.shli %parallel_loop3A_337, %parallel_loop3A_339 : vector<16xi32>
        %parallel_loop3A_341 = vector.bitcast %parallel_loop3A_340 : vector<16xi32> to vector<16xf32>
        %parallel_loop3A_342 = arith.andi %parallel_loop3A_337, %broadcast_in_dim3A_77 : vector<16xi32>
        %parallel_loop3A_343 = vector.bitcast %parallel_loop3A_342 : vector<16xi32> to vector<16xf32>
        %parallel_loop3A_344 = arith.mulf %parallel_loop3A_341, %parallel_loop3A_317 : vector<16xf32>
        %parallel_loop3A_345 = arith.index_cast %parallel_loop3A_315 : i32 to index
        %parallel_loop3A_346 = arith.constant 32 : index
        %parallel_loop3A_347 = tpu.vector_load %arg18[%parallel_loop3A_345, %parallel_loop3A_346] {strides = array<i32>} : memref<64x128xf32, #tpu.memory_space<vmem>>, vector<16xf32>,
        tpu.vector_store %arg18[%parallel_loop3A_345, %parallel_loop3A_346], %parallel_loop3A_344 {strides = array<i32>} : memref<64x128xf32, #tpu.memory_space<vmem>>, vector<16xf32>,
        %parallel_loop3A_348 = arith.mulf %parallel_loop3A_343, %parallel_loop3A_317 : vector<16xf32>
        %parallel_loop3A_349 = arith.index_cast %parallel_loop3A_315 : i32 to index
        %parallel_loop3A_350 = arith.constant 48 : index
        %parallel_loop3A_351 = tpu.vector_load %arg18[%parallel_loop3A_349, %parallel_loop3A_350] {strides = array<i32>} : memref<64x128xf32, #tpu.memory_space<vmem>>, vector<16xf32>,
        tpu.vector_store %arg18[%parallel_loop3A_349, %parallel_loop3A_350], %parallel_loop3A_348 {strides = array<i32>} : memref<64x128xf32, #tpu.memory_space<vmem>>, vector<16xf32>,
        %parallel_loop3A_352 = arith.index_cast %parallel_loop3A_315 : i32 to index
        %parallel_loop3A_353 = arith.constant 32 : index
        %parallel_loop3A_354 = tpu.vector_load %arg16[%parallel_loop3A_352, %parallel_loop3A_353] {strides = array<i32>} : memref<64x64xi32, #tpu.memory_space<vmem>>, vector<16xi32>,
        %parallel_loop3A_355 = arith.constant 16 : i32
        %parallel_loop3A_356 = vector.broadcast %parallel_loop3A_355 : i32 to vector<16xi32>
        %parallel_loop3A_357 = arith.shli %parallel_loop3A_354, %parallel_loop3A_356 : vector<16xi32>
        %parallel_loop3A_358 = vector.bitcast %parallel_loop3A_357 : vector<16xi32> to vector<16xf32>
        %parallel_loop3A_359 = arith.andi %parallel_loop3A_354, %broadcast_in_dim3A_77 : vector<16xi32>
        %parallel_loop3A_360 = vector.bitcast %parallel_loop3A_359 : vector<16xi32> to vector<16xf32>
        %parallel_loop3A_361 = arith.mulf %parallel_loop3A_358, %parallel_loop3A_317 : vector<16xf32>
        %parallel_loop3A_362 = arith.index_cast %parallel_loop3A_315 : i32 to index
        %parallel_loop3A_363 = arith.constant 64 : index
        %parallel_loop3A_364 = tpu.vector_load %arg18[%parallel_loop3A_362, %parallel_loop3A_363] {strides = array<i32>} : memref<64x128xf32, #tpu.memory_space<vmem>>, vector<16xf32>,
        tpu.vector_store %arg18[%parallel_loop3A_362, %parallel_loop3A_363], %parallel_loop3A_361 {strides = array<i32>} : memref<64x128xf32, #tpu.memory_space<vmem>>, vector<16xf32>,
        %parallel_loop3A_365 = arith.mulf %parallel_loop3A_360, %parallel_loop3A_317 : vector<16xf32>
        %parallel_loop3A_366 = arith.index_cast %parallel_loop3A_315 : i32 to index
        %parallel_loop3A_367 = arith.constant 80 : index
        %parallel_loop3A_368 = tpu.vector_load %arg18[%parallel_loop3A_366, %parallel_loop3A_367] {strides = array<i32>} : memref<64x128xf32, #tpu.memory_space<vmem>>, vector<16xf32>,
        tpu.vector_store %arg18[%parallel_loop3A_366, %parallel_loop3A_367], %parallel_loop3A_365 {strides = array<i32>} : memref<64x128xf32, #tpu.memory_space<vmem>>, vector<16xf32>,
        %parallel_loop3A_369 = arith.index_cast %parallel_loop3A_315 : i32 to index
        %parallel_loop3A_370 = arith.constant 48 : index
        %parallel_loop3A_371 = tpu.vector_load %arg16[%parallel_loop3A_369, %parallel_loop3A_370] {strides = array<i32>} : memref<64x64xi32, #tpu.memory_space<vmem>>, vector<16xi32>,
        %parallel_loop3A_372 = arith.constant 16 : i32
        %parallel_loop3A_373 = vector.broadcast %parallel_loop3A_372 : i32 to vector<16xi32>
        %parallel_loop3A_374 = arith.shli %parallel_loop3A_371, %parallel_loop3A_373 : vector<16xi32>
        %parallel_loop3A_375 = vector.bitcast %parallel_loop3A_374 : vector<16xi32> to vector<16xf32>
        %parallel_loop3A_376 = arith.andi %parallel_loop3A_371, %broadcast_in_dim3A_77 : vector<16xi32>
        %parallel_loop3A_377 = vector.bitcast %parallel_loop3A_376 : vector<16xi32> to vector<16xf32>
        %parallel_loop3A_378 = arith.mulf %parallel_loop3A_375, %parallel_loop3A_317 : vector<16xf32>
        %parallel_loop3A_379 = arith.index_cast %parallel_loop3A_315 : i32 to index
        %parallel_loop3A_380 = arith.constant 96 : index
        %parallel_loop3A_381 = tpu.vector_load %arg18[%parallel_loop3A_379, %parallel_loop3A_380] {strides = array<i32>} : memref<64x128xf32, #tpu.memory_space<vmem>>, vector<16xf32>,
        tpu.vector_store %arg18[%parallel_loop3A_379, %parallel_loop3A_380], %parallel_loop3A_378 {strides = array<i32>} : memref<64x128xf32, #tpu.memory_space<vmem>>, vector<16xf32>,
        %parallel_loop3A_382 = arith.mulf %parallel_loop3A_377, %parallel_loop3A_317 : vector<16xf32>
        %parallel_loop3A_383 = arith.index_cast %parallel_loop3A_315 : i32 to index
        %parallel_loop3A_384 = arith.constant 112 : index
        %parallel_loop3A_385 = tpu.vector_load %arg18[%parallel_loop3A_383, %parallel_loop3A_384] {strides = array<i32>} : memref<64x128xf32, #tpu.memory_space<vmem>>, vector<16xf32>,
        tpu.vector_store %arg18[%parallel_loop3A_383, %parallel_loop3A_384], %parallel_loop3A_382 {strides = array<i32>} : memref<64x128xf32, #tpu.memory_space<vmem>>, vector<16xf32>,
      } {sc.loop_unroll_factor = 2 : i64, sc.parallel_access}
      %dma_start3A_294 = arith.constant 0 : i32
      %dma_start3A_295 = arith.constant 0 : i32
      %dma_start3A_296 = tpu.memref_slice %arg20[%dma_start3A_294, %dma_start3A_295] : memref<10240x128xf32, #tpu.memory_space<vmem_shared>> -> memref<10240x128xf32, #tpu.memory_space<vmem_shared>>
      tpu.enqueue_indirect_dma source(%arg18 : memref<64x128xf32, #tpu.memory_space<vmem>>) target(%dma_start3A_296 : memref<10240x128xf32, #tpu.memory_space<vmem_shared>>) offsets(%arg13 : memref<64xi32, #tpu.memory_space<vmem>>) semaphore(%arg27 : memref<!tpu.dma_semaphore, #tpu.memory_space<semaphore_mem>>) {add = true}
      %dma_wait3A_297 = arith.constant 0 : i32
      %dma_wait3A_298 = arith.constant 0 : i32
      %dma_wait3A_299 = tpu.memref_slice %arg8[%dma_wait3A_297, %dma_wait3A_298] : memref<2x64xi32, #tpu.memory_space<vmem>> -> memref<1x64xi32, #tpu.memory_space<vmem>>
      %dma_wait3A_300 = tpu.memref_squeeze %dma_wait3A_299 : memref<1x64xi32, #tpu.memory_space<vmem>> -> memref<64xi32, #tpu.memory_space<vmem>>
      %dma_wait3A_301 = arith.constant 0 : i32
      %dma_wait3A_302 = arith.constant 0 : i32
      %dma_wait3A_303 = tpu.memref_slice %arg5[%dma_wait3A_301, %dma_wait3A_302] : memref<10240x64xi32, #tpu.memory_space<hbm>> -> memref<10240x64xi32, #tpu.memory_space<hbm>>
      tpu.wait_indirect_dma semaphore(%arg26 : memref<!tpu.dma_semaphore, #tpu.memory_space<semaphore_mem>>) src(%dma_wait3A_303 : memref<10240x64xi32, #tpu.memory_space<hbm>>) dst(%arg17 : memref<64x64xi32, #tpu.memory_space<vmem>>)
      %lt3A_304 = arith.constant 79 : i32
      %lt3A_305 = arith.cmpi slt, %scan3A_110, %lt3A_304 : i32
      %convert_element_type3A_306 = arith.extui %lt3A_305 : i1 to i32
      %cond3A_307 = arith.constant 0 : i32
      %cond3A_308 = arith.cmpi ne, %convert_element_type3A_306, %cond3A_307 : i32
      scf.if %cond3A_308 {
        %add3A_315 = arith.constant 2 : i32
        %add3A_316 = arith.addi %add3A_116, %add3A_315 : i32
        %dma_start3A_317 = arith.constant 0 : i32
        %dma_start3A_318 = arith.constant 0 : i32
        %dma_start3A_319 = tpu.memref_slice %arg2[%add3A, %add3A_316, %dma_start3A_317, %dma_start3A_318] : memref<32x160x2x64xi32, #tpu.memory_space<hbm>> -> memref<1x1x2x64xi32, #tpu.memory_space<hbm>>
        %dma_start3A_320 = tpu.memref_squeeze %dma_start3A_319 : memref<1x1x2x64xi32, #tpu.memory_space<hbm>> -> memref<2x64xi32, #tpu.memory_space<hbm>>
        %dma_start3A_321 = arith.constant 0 : i32
        %dma_start3A_322 = arith.constant 0 : i32
        %dma_start3A_323 = tpu.memref_slice %arg2[%add3A, %add3A_316, %dma_start3A_321, %dma_start3A_322] : memref<32x160x2x64xi32, #tpu.memory_space<hbm>> -> memref<1x1x2x64xi32, #tpu.memory_space<hbm>>
        %dma_start3A_324 = tpu.memref_squeeze %dma_start3A_323 : memref<1x1x2x64xi32, #tpu.memory_space<hbm>> -> memref<2x64xi32, #tpu.memory_space<hbm>>
        tpu.enqueue_dma source(%dma_start3A_324 : memref<2x64xi32, #tpu.memory_space<hbm>>) target(%arg8 : memref<2x64xi32, #tpu.memory_space<vmem>>) target_semaphore(%arg22 : memref<!tpu.dma_semaphore, #tpu.memory_space<semaphore_mem>>)
        %add3A_325 = arith.constant 2 : i32
        %add3A_326 = arith.addi %add3A_116, %add3A_325 : i32
        %dma_start3A_327 = arith.constant 0 : i32
        %dma_start3A_328 = tpu.memref_slice %arg3[%add3A, %add3A_326, %dma_start3A_327] : memref<32x160x64xf32, #tpu.memory_space<hbm>> -> memref<1x1x64xf32, #tpu.memory_space<hbm>>
        %dma_start3A_329 = tpu.memref_squeeze %dma_start3A_328 : memref<1x1x64xf32, #tpu.memory_space<hbm>> -> memref<64xf32, #tpu.memory_space<hbm>>
        %dma_start3A_330 = arith.constant 0 : i32
        %dma_start3A_331 = tpu.memref_slice %arg3[%add3A, %add3A_326, %dma_start3A_330] : memref<32x160x64xf32, #tpu.memory_space<hbm>> -> memref<1x1x64xf32, #tpu.memory_space<hbm>>
        %dma_start3A_332 = tpu.memref_squeeze %dma_start3A_331 : memref<1x1x64xf32, #tpu.memory_space<hbm>> -> memref<64xf32, #tpu.memory_space<hbm>>
        tpu.enqueue_dma source(%dma_start3A_332 : memref<64xf32, #tpu.memory_space<hbm>>) target(%arg10 : memref<64xf32, #tpu.memory_space<vmem>>) target_semaphore(%arg24 : memref<!tpu.dma_semaphore, #tpu.memory_space<semaphore_mem>>)
      } else {
      }
      %parallel_loop3A_309 = arith.constant 0 : i32
      %parallel_loop3A_310 = arith.constant 64 : i32
      %parallel_loop3A_311 = arith.constant 1 : i32
      scf.for %parallel_loop3A_315 = %parallel_loop3A_309 to %parallel_loop3A_310 step %parallel_loop3A_311  : i32 {
        %parallel_loop3A_316 = vector.broadcast %parallel_loop3A_315 : i32 to vector<16xi32>
        %parallel_loop3A_317 = tpu.vector_load_idx %arg12[%parallel_loop3A_316] : memref<64xf32, #tpu.memory_space<vmem>>[vector<16xi32>], vector<16xf32>,
        %parallel_loop3A_318 = arith.index_cast %parallel_loop3A_315 : i32 to index
        %parallel_loop3A_319 = arith.constant 0 : index
        %parallel_loop3A_320 = tpu.vector_load %arg17[%parallel_loop3A_318, %parallel_loop3A_319] {strides = array<i32>} : memref<64x64xi32, #tpu.memory_space<vmem>>, vector<16xi32>,
        %parallel_loop3A_321 = arith.constant 16 : i32
        %parallel_loop3A_322 = vector.broadcast %parallel_loop3A_321 : i32 to vector<16xi32>
        %parallel_loop3A_323 = arith.shli %parallel_loop3A_320, %parallel_loop3A_322 : vector<16xi32>
        %parallel_loop3A_324 = vector.bitcast %parallel_loop3A_323 : vector<16xi32> to vector<16xf32>
        %parallel_loop3A_325 = arith.andi %parallel_loop3A_320, %broadcast_in_dim3A_77 : vector<16xi32>
        %parallel_loop3A_326 = vector.bitcast %parallel_loop3A_325 : vector<16xi32> to vector<16xf32>
        %parallel_loop3A_327 = arith.mulf %parallel_loop3A_324, %parallel_loop3A_317 : vector<16xf32>
        %parallel_loop3A_328 = arith.index_cast %parallel_loop3A_315 : i32 to index
        %parallel_loop3A_329 = arith.constant 0 : index
        %parallel_loop3A_330 = tpu.vector_load %arg19[%parallel_loop3A_328, %parallel_loop3A_329] {strides = array<i32>} : memref<64x128xf32, #tpu.memory_space<vmem>>, vector<16xf32>,
        tpu.vector_store %arg19[%parallel_loop3A_328, %parallel_loop3A_329], %parallel_loop3A_327 {strides = array<i32>} : memref<64x128xf32, #tpu.memory_space<vmem>>, vector<16xf32>,
        %parallel_loop3A_331 = arith.mulf %parallel_loop3A_326, %parallel_loop3A_317 : vector<16xf32>
        %parallel_loop3A_332 = arith.index_cast %parallel_loop3A_315 : i32 to index
        %parallel_loop3A_333 = arith.constant 16 : index
        %parallel_loop3A_334 = tpu.vector_load %arg19[%parallel_loop3A_332, %parallel_loop3A_333] {strides = array<i32>} : memref<64x128xf32, #tpu.memory_space<vmem>>, vector<16xf32>,
        tpu.vector_store %arg19[%parallel_loop3A_332, %parallel_loop3A_333], %parallel_loop3A_331 {strides = array<i32>} : memref<64x128xf32, #tpu.memory_space<vmem>>, vector<16xf32>,
        %parallel_loop3A_335 = arith.index_cast %parallel_loop3A_315 : i32 to index
        %parallel_loop3A_336 = arith.constant 16 : index
        %parallel_loop3A_337 = tpu.vector_load %arg17[%parallel_loop3A_335, %parallel_loop3A_336] {strides = array<i32>} : memref<64x64xi32, #tpu.memory_space<vmem>>, vector<16xi32>,
        %parallel_loop3A_338 = arith.constant 16 : i32
        %parallel_loop3A_339 = vector.broadcast %parallel_loop3A_338 : i32 to vector<16xi32>
        %parallel_loop3A_340 = arith.shli %parallel_loop3A_337, %parallel_loop3A_339 : vector<16xi32>
        %parallel_loop3A_341 = vector.bitcast %parallel_loop3A_340 : vector<16xi32> to vector<16xf32>
        %parallel_loop3A_342 = arith.andi %parallel_loop3A_337, %broadcast_in_dim3A_77 : vector<16xi32>
        %parallel_loop3A_343 = vector.bitcast %parallel_loop3A_342 : vector<16xi32> to vector<16xf32>
        %parallel_loop3A_344 = arith.mulf %parallel_loop3A_341, %parallel_loop3A_317 : vector<16xf32>
        %parallel_loop3A_345 = arith.index_cast %parallel_loop3A_315 : i32 to index
        %parallel_loop3A_346 = arith.constant 32 : index
        %parallel_loop3A_347 = tpu.vector_load %arg19[%parallel_loop3A_345, %parallel_loop3A_346] {strides = array<i32>} : memref<64x128xf32, #tpu.memory_space<vmem>>, vector<16xf32>,
        tpu.vector_store %arg19[%parallel_loop3A_345, %parallel_loop3A_346], %parallel_loop3A_344 {strides = array<i32>} : memref<64x128xf32, #tpu.memory_space<vmem>>, vector<16xf32>,
        %parallel_loop3A_348 = arith.mulf %parallel_loop3A_343, %parallel_loop3A_317 : vector<16xf32>
        %parallel_loop3A_349 = arith.index_cast %parallel_loop3A_315 : i32 to index
        %parallel_loop3A_350 = arith.constant 48 : index
        %parallel_loop3A_351 = tpu.vector_load %arg19[%parallel_loop3A_349, %parallel_loop3A_350] {strides = array<i32>} : memref<64x128xf32, #tpu.memory_space<vmem>>, vector<16xf32>,
        tpu.vector_store %arg19[%parallel_loop3A_349, %parallel_loop3A_350], %parallel_loop3A_348 {strides = array<i32>} : memref<64x128xf32, #tpu.memory_space<vmem>>, vector<16xf32>,
        %parallel_loop3A_352 = arith.index_cast %parallel_loop3A_315 : i32 to index
        %parallel_loop3A_353 = arith.constant 32 : index
        %parallel_loop3A_354 = tpu.vector_load %arg17[%parallel_loop3A_352, %parallel_loop3A_353] {strides = array<i32>} : memref<64x64xi32, #tpu.memory_space<vmem>>, vector<16xi32>,
        %parallel_loop3A_355 = arith.constant 16 : i32
        %parallel_loop3A_356 = vector.broadcast %parallel_loop3A_355 : i32 to vector<16xi32>
        %parallel_loop3A_357 = arith.shli %parallel_loop3A_354, %parallel_loop3A_356 : vector<16xi32>
        %parallel_loop3A_358 = vector.bitcast %parallel_loop3A_357 : vector<16xi32> to vector<16xf32>
        %parallel_loop3A_359 = arith.andi %parallel_loop3A_354, %broadcast_in_dim3A_77 : vector<16xi32>
        %parallel_loop3A_360 = vector.bitcast %parallel_loop3A_359 : vector<16xi32> to vector<16xf32>
        %parallel_loop3A_361 = arith.mulf %parallel_loop3A_358, %parallel_loop3A_317 : vector<16xf32>
        %parallel_loop3A_362 = arith.index_cast %parallel_loop3A_315 : i32 to index
        %parallel_loop3A_363 = arith.constant 64 : index
        %parallel_loop3A_364 = tpu.vector_load %arg19[%parallel_loop3A_362, %parallel_loop3A_363] {strides = array<i32>} : memref<64x128xf32, #tpu.memory_space<vmem>>, vector<16xf32>,
        tpu.vector_store %arg19[%parallel_loop3A_362, %parallel_loop3A_363], %parallel_loop3A_361 {strides = array<i32>} : memref<64x128xf32, #tpu.memory_space<vmem>>, vector<16xf32>,
        %parallel_loop3A_365 = arith.mulf %parallel_loop3A_360, %parallel_loop3A_317 : vector<16xf32>
        %parallel_loop3A_366 = arith.index_cast %parallel_loop3A_315 : i32 to index
        %parallel_loop3A_367 = arith.constant 80 : index
        %parallel_loop3A_368 = tpu.vector_load %arg19[%parallel_loop3A_366, %parallel_loop3A_367] {strides = array<i32>} : memref<64x128xf32, #tpu.memory_space<vmem>>, vector<16xf32>,
        tpu.vector_store %arg19[%parallel_loop3A_366, %parallel_loop3A_367], %parallel_loop3A_365 {strides = array<i32>} : memref<64x128xf32, #tpu.memory_space<vmem>>, vector<16xf32>,
        %parallel_loop3A_369 = arith.index_cast %parallel_loop3A_315 : i32 to index
        %parallel_loop3A_370 = arith.constant 48 : index
        %parallel_loop3A_371 = tpu.vector_load %arg17[%parallel_loop3A_369, %parallel_loop3A_370] {strides = array<i32>} : memref<64x64xi32, #tpu.memory_space<vmem>>, vector<16xi32>,
        %parallel_loop3A_372 = arith.constant 16 : i32
        %parallel_loop3A_373 = vector.broadcast %parallel_loop3A_372 : i32 to vector<16xi32>
        %parallel_loop3A_374 = arith.shli %parallel_loop3A_371, %parallel_loop3A_373 : vector<16xi32>
        %parallel_loop3A_375 = vector.bitcast %parallel_loop3A_374 : vector<16xi32> to vector<16xf32>
        %parallel_loop3A_376 = arith.andi %parallel_loop3A_371, %broadcast_in_dim3A_77 : vector<16xi32>
        %parallel_loop3A_377 = vector.bitcast %parallel_loop3A_376 : vector<16xi32> to vector<16xf32>
        %parallel_loop3A_378 = arith.mulf %parallel_loop3A_375, %parallel_loop3A_317 : vector<16xf32>
        %parallel_loop3A_379 = arith.index_cast %parallel_loop3A_315 : i32 to index
        %parallel_loop3A_380 = arith.constant 96 : index
        %parallel_loop3A_381 = tpu.vector_load %arg19[%parallel_loop3A_379, %parallel_loop3A_380] {strides = array<i32>} : memref<64x128xf32, #tpu.memory_space<vmem>>, vector<16xf32>,
        tpu.vector_store %arg19[%parallel_loop3A_379, %parallel_loop3A_380], %parallel_loop3A_378 {strides = array<i32>} : memref<64x128xf32, #tpu.memory_space<vmem>>, vector<16xf32>,
        %parallel_loop3A_382 = arith.mulf %parallel_loop3A_377, %parallel_loop3A_317 : vector<16xf32>
        %parallel_loop3A_383 = arith.index_cast %parallel_loop3A_315 : i32 to index
        %parallel_loop3A_384 = arith.constant 112 : index
        %parallel_loop3A_385 = tpu.vector_load %arg19[%parallel_loop3A_383, %parallel_loop3A_384] {strides = array<i32>} : memref<64x128xf32, #tpu.memory_space<vmem>>, vector<16xf32>,
        tpu.vector_store %arg19[%parallel_loop3A_383, %parallel_loop3A_384], %parallel_loop3A_382 {strides = array<i32>} : memref<64x128xf32, #tpu.memory_space<vmem>>, vector<16xf32>,
      } {sc.loop_unroll_factor = 2 : i64, sc.parallel_access}
      %dma_start3A_312 = arith.constant 0 : i32
      %dma_start3A_313 = arith.constant 0 : i32
      %dma_start3A_314 = tpu.memref_slice %arg20[%dma_start3A_312, %dma_start3A_313] : memref<10240x128xf32, #tpu.memory_space<vmem_shared>> -> memref<10240x128xf32, #tpu.memory_space<vmem_shared>>
      tpu.enqueue_indirect_dma source(%arg19 : memref<64x128xf32, #tpu.memory_space<vmem>>) target(%dma_start3A_314 : memref<10240x128xf32, #tpu.memory_space<vmem_shared>>) offsets(%arg14 : memref<64xi32, #tpu.memory_space<vmem>>) semaphore(%arg28 : memref<!tpu.dma_semaphore, #tpu.memory_space<semaphore_mem>>) {add = true}
    }
    %scan3A_83 = arith.constant 80 : i32
    %dma_wait3A = arith.constant 0 : i32
    %dma_wait3A_84 = arith.constant 0 : i32
    %dma_wait3A_85 = tpu.memref_slice %arg20[%dma_wait3A, %dma_wait3A_84] : memref<10240x128xf32, #tpu.memory_space<vmem_shared>> -> memref<10240x128xf32, #tpu.memory_space<vmem_shared>>
    tpu.wait_indirect_dma semaphore(%arg27 : memref<!tpu.dma_semaphore, #tpu.memory_space<semaphore_mem>>) src(%arg18 : memref<64x128xf32, #tpu.memory_space<vmem>>) dst(%dma_wait3A_85 : memref<10240x128xf32, #tpu.memory_space<vmem_shared>>)
    %dma_wait3A_86 = arith.constant 0 : i32
    %dma_wait3A_87 = arith.constant 0 : i32
    %dma_wait3A_88 = tpu.memref_slice %arg20[%dma_wait3A_86, %dma_wait3A_87] : memref<10240x128xf32, #tpu.memory_space<vmem_shared>> -> memref<10240x128xf32, #tpu.memory_space<vmem_shared>>
    tpu.wait_indirect_dma semaphore(%arg28 : memref<!tpu.dma_semaphore, #tpu.memory_space<semaphore_mem>>) src(%arg19 : memref<64x128xf32, #tpu.memory_space<vmem>>) dst(%dma_wait3A_88 : memref<10240x128xf32, #tpu.memory_space<vmem_shared>>)
    %barrier3A_89 = arith.constant 0 : index
    tpu.barrier barrier_id(%barrier3A_89)
    %mul3A_90 = arith.constant 640 : i32
    %mul3A_91 = arith.muli %arg1, %mul3A_90 : i32
    %add3A_92 = arith.constant 0 : i32
    %add3A_93 = arith.addi %mul3A_91, %add3A_92 : i32
    "tpu.region"() ({
      %run_scoped3A = tpu.sem_alloc : memref<!tpu.dma_semaphore, #tpu.memory_space<semaphore_mem>>
      %dma_start3A_110 = arith.constant 0 : i32
      %dma_start3A_111 = tpu.memref_slice %arg6[%arg0, %add3A_93, %dma_start3A_110] : memref<2x10240x128xf32, #tpu.memory_space<hbm>> -> memref<1x128x128xf32, #tpu.memory_space<hbm>>
      %dma_start3A_112 = tpu.memref_squeeze %dma_start3A_111 : memref<1x128x128xf32, #tpu.memory_space<hbm>> -> memref<128x128xf32, #tpu.memory_space<hbm>>
      %dma_start3A_113 = arith.constant 0 : i32
      %dma_start3A_114 = tpu.memref_slice %arg20[%add3A_93, %dma_start3A_113] : memref<10240x128xf32, #tpu.memory_space<vmem_shared>> -> memref<128x128xf32, #tpu.memory_space<vmem_shared>>
      tpu.enqueue_dma source(%dma_start3A_114 : memref<128x128xf32, #tpu.memory_space<vmem_shared>>) target(%dma_start3A_112 : memref<128x128xf32, #tpu.memory_space<hbm>>) target_semaphore(%run_scoped3A : memref<!tpu.dma_semaphore, #tpu.memory_space<semaphore_mem>>)
      %dma_wait3A_115 = arith.constant 0 : i32
      %dma_wait3A_116 = tpu.memref_slice %arg6[%arg0, %add3A_93, %dma_wait3A_115] : memref<2x10240x128xf32, #tpu.memory_space<hbm>> -> memref<1x128x128xf32, #tpu.memory_space<hbm>>
      %dma_wait3A_117 = tpu.memref_squeeze %dma_wait3A_116 : memref<1x128x128xf32, #tpu.memory_space<hbm>> -> memref<128x128xf32, #tpu.memory_space<hbm>>
      %dma_wait3A_118 = arith.constant 0 : i32
      %dma_wait3A_119 = tpu.memref_slice %arg20[%add3A_93, %dma_wait3A_118] : memref<10240x128xf32, #tpu.memory_space<vmem_shared>> -> memref<128x128xf32, #tpu.memory_space<vmem_shared>>
      tpu.wait_dma2 semaphore(%run_scoped3A : memref<!tpu.dma_semaphore, #tpu.memory_space<semaphore_mem>>) src(%dma_wait3A_119 : memref<128x128xf32, #tpu.memory_space<vmem_shared>>) dst(%dma_wait3A_117 : memref<128x128xf32, #tpu.memory_space<hbm>>)
      tpu.yield
    }) : () -> ()
    %mul3A_94 = arith.constant 640 : i32
    %mul3A_95 = arith.muli %arg1, %mul3A_94 : i32
    %add3A_96 = arith.constant 128 : i32
    %add3A_97 = arith.addi %mul3A_95, %add3A_96 : i32
    "tpu.region"() ({
      %run_scoped3A = tpu.sem_alloc : memref<!tpu.dma_semaphore, #tpu.memory_space<semaphore_mem>>
      %dma_start3A_110 = arith.constant 0 : i32
      %dma_start3A_111 = tpu.memref_slice %arg6[%arg0, %add3A_97, %dma_start3A_110] : memref<2x10240x128xf32, #tpu.memory_space<hbm>> -> memref<1x128x128xf32, #tpu.memory_space<hbm>>
      %dma_start3A_112 = tpu.memref_squeeze %dma_start3A_111 : memref<1x128x128xf32, #tpu.memory_space<hbm>> -> memref<128x128xf32, #tpu.memory_space<hbm>>
      %dma_start3A_113 = arith.constant 0 : i32
      %dma_start3A_114 = tpu.memref_slice %arg20[%add3A_97, %dma_start3A_113] : memref<10240x128xf32, #tpu.memory_space<vmem_shared>> -> memref<128x128xf32, #tpu.memory_space<vmem_shared>>
      tpu.enqueue_dma source(%dma_start3A_114 : memref<128x128xf32, #tpu.memory_space<vmem_shared>>) target(%dma_start3A_112 : memref<128x128xf32, #tpu.memory_space<hbm>>) target_semaphore(%run_scoped3A : memref<!tpu.dma_semaphore, #tpu.memory_space<semaphore_mem>>)
      %dma_wait3A_115 = arith.constant 0 : i32
      %dma_wait3A_116 = tpu.memref_slice %arg6[%arg0, %add3A_97, %dma_wait3A_115] : memref<2x10240x128xf32, #tpu.memory_space<hbm>> -> memref<1x128x128xf32, #tpu.memory_space<hbm>>
      %dma_wait3A_117 = tpu.memref_squeeze %dma_wait3A_116 : memref<1x128x128xf32, #tpu.memory_space<hbm>> -> memref<128x128xf32, #tpu.memory_space<hbm>>
      %dma_wait3A_118 = arith.constant 0 : i32
      %dma_wait3A_119 = tpu.memref_slice %arg20[%add3A_97, %dma_wait3A_118] : memref<10240x128xf32, #tpu.memory_space<vmem_shared>> -> memref<128x128xf32, #tpu.memory_space<vmem_shared>>
      tpu.wait_dma2 semaphore(%run_scoped3A : memref<!tpu.dma_semaphore, #tpu.memory_space<semaphore_mem>>) src(%dma_wait3A_119 : memref<128x128xf32, #tpu.memory_space<vmem_shared>>) dst(%dma_wait3A_117 : memref<128x128xf32, #tpu.memory_space<hbm>>)
      tpu.yield
    }) : () -> ()
    %mul3A_98 = arith.constant 640 : i32
    %mul3A_99 = arith.muli %arg1, %mul3A_98 : i32
    %add3A_100 = arith.constant 256 : i32
    %add3A_101 = arith.addi %mul3A_99, %add3A_100 : i32
    "tpu.region"() ({
      %run_scoped3A = tpu.sem_alloc : memref<!tpu.dma_semaphore, #tpu.memory_space<semaphore_mem>>
      %dma_start3A_110 = arith.constant 0 : i32
      %dma_start3A_111 = tpu.memref_slice %arg6[%arg0, %add3A_101, %dma_start3A_110] : memref<2x10240x128xf32, #tpu.memory_space<hbm>> -> memref<1x128x128xf32, #tpu.memory_space<hbm>>
      %dma_start3A_112 = tpu.memref_squeeze %dma_start3A_111 : memref<1x128x128xf32, #tpu.memory_space<hbm>> -> memref<128x128xf32, #tpu.memory_space<hbm>>
      %dma_start3A_113 = arith.constant 0 : i32
      %dma_start3A_114 = tpu.memref_slice %arg20[%add3A_101, %dma_start3A_113] : memref<10240x128xf32, #tpu.memory_space<vmem_shared>> -> memref<128x128xf32, #tpu.memory_space<vmem_shared>>
      tpu.enqueue_dma source(%dma_start3A_114 : memref<128x128xf32, #tpu.memory_space<vmem_shared>>) target(%dma_start3A_112 : memref<128x128xf32, #tpu.memory_space<hbm>>) target_semaphore(%run_scoped3A : memref<!tpu.dma_semaphore, #tpu.memory_space<semaphore_mem>>)
      %dma_wait3A_115 = arith.constant 0 : i32
      %dma_wait3A_116 = tpu.memref_slice %arg6[%arg0, %add3A_101, %dma_wait3A_115] : memref<2x10240x128xf32, #tpu.memory_space<hbm>> -> memref<1x128x128xf32, #tpu.memory_space<hbm>>
      %dma_wait3A_117 = tpu.memref_squeeze %dma_wait3A_116 : memref<1x128x128xf32, #tpu.memory_space<hbm>> -> memref<128x128xf32, #tpu.memory_space<hbm>>
      %dma_wait3A_118 = arith.constant 0 : i32
      %dma_wait3A_119 = tpu.memref_slice %arg20[%add3A_101, %dma_wait3A_118] : memref<10240x128xf32, #tpu.memory_space<vmem_shared>> -> memref<128x128xf32, #tpu.memory_space<vmem_shared>>
      tpu.wait_dma2 semaphore(%run_scoped3A : memref<!tpu.dma_semaphore, #tpu.memory_space<semaphore_mem>>) src(%dma_wait3A_119 : memref<128x128xf32, #tpu.memory_space<vmem_shared>>) dst(%dma_wait3A_117 : memref<128x128xf32, #tpu.memory_space<hbm>>)
      tpu.yield
    }) : () -> ()
    %mul3A_102 = arith.constant 640 : i32
    %mul3A_103 = arith.muli %arg1, %mul3A_102 : i32
    %add3A_104 = arith.constant 384 : i32
    %add3A_105 = arith.addi %mul3A_103, %add3A_104 : i32
    "tpu.region"() ({
      %run_scoped3A = tpu.sem_alloc : memref<!tpu.dma_semaphore, #tpu.memory_space<semaphore_mem>>
      %dma_start3A_110 = arith.constant 0 : i32
      %dma_start3A_111 = tpu.memref_slice %arg6[%arg0, %add3A_105, %dma_start3A_110] : memref<2x10240x128xf32, #tpu.memory_space<hbm>> -> memref<1x128x128xf32, #tpu.memory_space<hbm>>
      %dma_start3A_112 = tpu.memref_squeeze %dma_start3A_111 : memref<1x128x128xf32, #tpu.memory_space<hbm>> -> memref<128x128xf32, #tpu.memory_space<hbm>>
      %dma_start3A_113 = arith.constant 0 : i32
      %dma_start3A_114 = tpu.memref_slice %arg20[%add3A_105, %dma_start3A_113] : memref<10240x128xf32, #tpu.memory_space<vmem_shared>> -> memref<128x128xf32, #tpu.memory_space<vmem_shared>>
      tpu.enqueue_dma source(%dma_start3A_114 : memref<128x128xf32, #tpu.memory_space<vmem_shared>>) target(%dma_start3A_112 : memref<128x128xf32, #tpu.memory_space<hbm>>) target_semaphore(%run_scoped3A : memref<!tpu.dma_semaphore, #tpu.memory_space<semaphore_mem>>)
      %dma_wait3A_115 = arith.constant 0 : i32
      %dma_wait3A_116 = tpu.memref_slice %arg6[%arg0, %add3A_105, %dma_wait3A_115] : memref<2x10240x128xf32, #tpu.memory_space<hbm>> -> memref<1x128x128xf32, #tpu.memory_space<hbm>>
      %dma_wait3A_117 = tpu.memref_squeeze %dma_wait3A_116 : memref<1x128x128xf32, #tpu.memory_space<hbm>> -> memref<128x128xf32, #tpu.memory_space<hbm>>
      %dma_wait3A_118 = arith.constant 0 : i32
      %dma_wait3A_119 = tpu.memref_slice %arg20[%add3A_105, %dma_wait3A_118] : memref<10240x128xf32, #tpu.memory_space<vmem_shared>> -> memref<128x128xf32, #tpu.memory_space<vmem_shared>>
      tpu.wait_dma2 semaphore(%run_scoped3A : memref<!tpu.dma_semaphore, #tpu.memory_space<semaphore_mem>>) src(%dma_wait3A_119 : memref<128x128xf32, #tpu.memory_space<vmem_shared>>) dst(%dma_wait3A_117 : memref<128x128xf32, #tpu.memory_space<hbm>>)
      tpu.yield
    }) : () -> ()
    %mul3A_106 = arith.constant 640 : i32
    %mul3A_107 = arith.muli %arg1, %mul3A_106 : i32
    %add3A_108 = arith.constant 512 : i32
    %add3A_109 = arith.addi %mul3A_107, %add3A_108 : i32
    "tpu.region"() ({
      %run_scoped3A = tpu.sem_alloc : memref<!tpu.dma_semaphore, #tpu.memory_space<semaphore_mem>>
      %dma_start3A_110 = arith.constant 0 : i32
      %dma_start3A_111 = tpu.memref_slice %arg6[%arg0, %add3A_109, %dma_start3A_110] : memref<2x10240x128xf32, #tpu.memory_space<hbm>> -> memref<1x128x128xf32, #tpu.memory_space<hbm>>
      %dma_start3A_112 = tpu.memref_squeeze %dma_start3A_111 : memref<1x128x128xf32, #tpu.memory_space<hbm>> -> memref<128x128xf32, #tpu.memory_space<hbm>>
      %dma_start3A_113 = arith.constant 0 : i32
      %dma_start3A_114 = tpu.memref_slice %arg20[%add3A_109, %dma_start3A_113] : memref<10240x128xf32, #tpu.memory_space<vmem_shared>> -> memref<128x128xf32, #tpu.memory_space<vmem_shared>>
      tpu.enqueue_dma source(%dma_start3A_114 : memref<128x128xf32, #tpu.memory_space<vmem_shared>>) target(%dma_start3A_112 : memref<128x128xf32, #tpu.memory_space<hbm>>) target_semaphore(%run_scoped3A : memref<!tpu.dma_semaphore, #tpu.memory_space<semaphore_mem>>)
      %dma_wait3A_115 = arith.constant 0 : i32
      %dma_wait3A_116 = tpu.memref_slice %arg6[%arg0, %add3A_109, %dma_wait3A_115] : memref<2x10240x128xf32, #tpu.memory_space<hbm>> -> memref<1x128x128xf32, #tpu.memory_space<hbm>>
      %dma_wait3A_117 = tpu.memref_squeeze %dma_wait3A_116 : memref<1x128x128xf32, #tpu.memory_space<hbm>> -> memref<128x128xf32, #tpu.memory_space<hbm>>
      %dma_wait3A_118 = arith.constant 0 : i32
      %dma_wait3A_119 = tpu.memref_slice %arg20[%add3A_109, %dma_wait3A_118] : memref<10240x128xf32, #tpu.memory_space<vmem_shared>> -> memref<128x128xf32, #tpu.memory_space<vmem_shared>>
      tpu.wait_dma2 semaphore(%run_scoped3A : memref<!tpu.dma_semaphore, #tpu.memory_space<semaphore_mem>>) src(%dma_wait3A_119 : memref<128x128xf32, #tpu.memory_space<vmem_shared>>) dst(%dma_wait3A_117 : memref<128x128xf32, #tpu.memory_space<hbm>>)
      tpu.yield
    }) : () -> ()
    return
  }
}

#map = affine_map<(d0, d1) -> (0, 0, 0)>
#map1 = affine_map<(d0, d1) -> (0, 0)>
module attributes {stable_mosaic.version = 14 : i64} {
  func.func @_edge_pass_a(%arg0: i32, %arg1: i32, %arg2: memref<32x80x128xi32, #tpu.memory_space<hbm>>, %arg3: memref<32x80x128xi32, #tpu.memory_space<hbm>>, %arg4: memref<2x10240xf32, #tpu.memory_space<hbm>>, %arg5: memref<32x10240xf32, #tpu.memory_space<hbm>>, %arg6: memref<2x10240xf32, #tpu.memory_space<hbm>>, %arg7: memref<10240xf32, #tpu.memory_space<vmem>>, %arg8: memref<10240xf32, #tpu.memory_space<vmem>>, %arg9: memref<80x128xi32, #tpu.memory_space<vmem>>, %arg10: memref<80x128xi32, #tpu.memory_space<vmem>>, %arg11: memref<10240xf32, #tpu.memory_space<vmem>>, %arg12: memref<640xf32, #tpu.memory_space<vmem>>, %arg13: memref<10240xf32, #tpu.memory_space<vmem_shared>>) attributes {dimension_semantics = [#tpu.dimension_semantics<core_parallel>, #tpu.dimension_semantics<subcore_parallel>], iteration_bounds = array<i64: 2, 16>, scalar_prefetch = 0 : i64, scratch_operands = 7 : i64, tpu.core_type = #tpu.core_type<sc_vector_subcore>, window_params = [{transform_indices = #map}, {transform_indices = #map}, {transform_indices = #map1}, {transform_indices = #map1}, {transform_indices = #map1}]} {
    %mul3A = arith.constant 2 : i32
    %mul3A_0 = arith.muli %arg1, %mul3A : i32
    %add3A = arith.addi %mul3A_0, %arg0 : i32
    %run_scoped3A = arith.constant 0 : i32
    "tpu.region"() ({
      %run_scoped3A_22 = tpu.sem_alloc : memref<!tpu.dma_semaphore, #tpu.memory_space<semaphore_mem>>
      %dma_start3A = arith.constant 0 : i32
      %dma_start3A_23 = tpu.memref_slice %arg4[%run_scoped3A, %dma_start3A] : memref<2x10240xf32, #tpu.memory_space<hbm>> -> memref<1x10240xf32, #tpu.memory_space<hbm>>
      %dma_start3A_24 = tpu.memref_squeeze %dma_start3A_23 : memref<1x10240xf32, #tpu.memory_space<hbm>> -> memref<10240xf32, #tpu.memory_space<hbm>>
      %dma_start3A_25 = arith.constant 0 : i32
      %dma_start3A_26 = tpu.memref_slice %arg4[%run_scoped3A, %dma_start3A_25] : memref<2x10240xf32, #tpu.memory_space<hbm>> -> memref<1x10240xf32, #tpu.memory_space<hbm>>
      %dma_start3A_27 = tpu.memref_squeeze %dma_start3A_26 : memref<1x10240xf32, #tpu.memory_space<hbm>> -> memref<10240xf32, #tpu.memory_space<hbm>>
      tpu.enqueue_dma source(%dma_start3A_27 : memref<10240xf32, #tpu.memory_space<hbm>>) target(%arg7 : memref<10240xf32, #tpu.memory_space<vmem>>) target_semaphore(%run_scoped3A_22 : memref<!tpu.dma_semaphore, #tpu.memory_space<semaphore_mem>>)
      %dma_wait3A = arith.constant 0 : i32
      %dma_wait3A_28 = tpu.memref_slice %arg4[%run_scoped3A, %dma_wait3A] : memref<2x10240xf32, #tpu.memory_space<hbm>> -> memref<1x10240xf32, #tpu.memory_space<hbm>>
      %dma_wait3A_29 = tpu.memref_squeeze %dma_wait3A_28 : memref<1x10240xf32, #tpu.memory_space<hbm>> -> memref<10240xf32, #tpu.memory_space<hbm>>
      %dma_wait3A_30 = arith.constant 0 : i32
      %dma_wait3A_31 = tpu.memref_slice %arg4[%run_scoped3A, %dma_wait3A_30] : memref<2x10240xf32, #tpu.memory_space<hbm>> -> memref<1x10240xf32, #tpu.memory_space<hbm>>
      %dma_wait3A_32 = tpu.memref_squeeze %dma_wait3A_31 : memref<1x10240xf32, #tpu.memory_space<hbm>> -> memref<10240xf32, #tpu.memory_space<hbm>>
      tpu.wait_dma2 semaphore(%run_scoped3A_22 : memref<!tpu.dma_semaphore, #tpu.memory_space<semaphore_mem>>) src(%dma_wait3A_32 : memref<10240xf32, #tpu.memory_space<hbm>>) dst(%arg7 : memref<10240xf32, #tpu.memory_space<vmem>>)
      tpu.yield
    }) : () -> ()
    %run_scoped3A_1 = arith.constant 1 : i32
    "tpu.region"() ({
      %run_scoped3A_22 = tpu.sem_alloc : memref<!tpu.dma_semaphore, #tpu.memory_space<semaphore_mem>>
      %dma_start3A = arith.constant 0 : i32
      %dma_start3A_23 = tpu.memref_slice %arg4[%run_scoped3A_1, %dma_start3A] : memref<2x10240xf32, #tpu.memory_space<hbm>> -> memref<1x10240xf32, #tpu.memory_space<hbm>>
      %dma_start3A_24 = tpu.memref_squeeze %dma_start3A_23 : memref<1x10240xf32, #tpu.memory_space<hbm>> -> memref<10240xf32, #tpu.memory_space<hbm>>
      %dma_start3A_25 = arith.constant 0 : i32
      %dma_start3A_26 = tpu.memref_slice %arg4[%run_scoped3A_1, %dma_start3A_25] : memref<2x10240xf32, #tpu.memory_space<hbm>> -> memref<1x10240xf32, #tpu.memory_space<hbm>>
      %dma_start3A_27 = tpu.memref_squeeze %dma_start3A_26 : memref<1x10240xf32, #tpu.memory_space<hbm>> -> memref<10240xf32, #tpu.memory_space<hbm>>
      tpu.enqueue_dma source(%dma_start3A_27 : memref<10240xf32, #tpu.memory_space<hbm>>) target(%arg8 : memref<10240xf32, #tpu.memory_space<vmem>>) target_semaphore(%run_scoped3A_22 : memref<!tpu.dma_semaphore, #tpu.memory_space<semaphore_mem>>)
      %dma_wait3A = arith.constant 0 : i32
      %dma_wait3A_28 = tpu.memref_slice %arg4[%run_scoped3A_1, %dma_wait3A] : memref<2x10240xf32, #tpu.memory_space<hbm>> -> memref<1x10240xf32, #tpu.memory_space<hbm>>
      %dma_wait3A_29 = tpu.memref_squeeze %dma_wait3A_28 : memref<1x10240xf32, #tpu.memory_space<hbm>> -> memref<10240xf32, #tpu.memory_space<hbm>>
      %dma_wait3A_30 = arith.constant 0 : i32
      %dma_wait3A_31 = tpu.memref_slice %arg4[%run_scoped3A_1, %dma_wait3A_30] : memref<2x10240xf32, #tpu.memory_space<hbm>> -> memref<1x10240xf32, #tpu.memory_space<hbm>>
      %dma_wait3A_32 = tpu.memref_squeeze %dma_wait3A_31 : memref<1x10240xf32, #tpu.memory_space<hbm>> -> memref<10240xf32, #tpu.memory_space<hbm>>
      tpu.wait_dma2 semaphore(%run_scoped3A_22 : memref<!tpu.dma_semaphore, #tpu.memory_space<semaphore_mem>>) src(%dma_wait3A_32 : memref<10240xf32, #tpu.memory_space<hbm>>) dst(%arg8 : memref<10240xf32, #tpu.memory_space<vmem>>)
      tpu.yield
    }) : () -> ()
    "tpu.region"() ({
      %run_scoped3A_22 = tpu.sem_alloc : memref<!tpu.dma_semaphore, #tpu.memory_space<semaphore_mem>>
      %dma_start3A = arith.constant 0 : i32
      %dma_start3A_23 = arith.constant 0 : i32
      %dma_start3A_24 = tpu.memref_slice %arg2[%add3A, %dma_start3A, %dma_start3A_23] : memref<32x80x128xi32, #tpu.memory_space<hbm>> -> memref<1x80x128xi32, #tpu.memory_space<hbm>>
      %dma_start3A_25 = tpu.memref_squeeze %dma_start3A_24 : memref<1x80x128xi32, #tpu.memory_space<hbm>> -> memref<80x128xi32, #tpu.memory_space<hbm>>
      %dma_start3A_26 = arith.constant 0 : i32
      %dma_start3A_27 = arith.constant 0 : i32
      %dma_start3A_28 = tpu.memref_slice %arg2[%add3A, %dma_start3A_26, %dma_start3A_27] : memref<32x80x128xi32, #tpu.memory_space<hbm>> -> memref<1x80x128xi32, #tpu.memory_space<hbm>>
      %dma_start3A_29 = tpu.memref_squeeze %dma_start3A_28 : memref<1x80x128xi32, #tpu.memory_space<hbm>> -> memref<80x128xi32, #tpu.memory_space<hbm>>
      tpu.enqueue_dma source(%dma_start3A_29 : memref<80x128xi32, #tpu.memory_space<hbm>>) target(%arg9 : memref<80x128xi32, #tpu.memory_space<vmem>>) target_semaphore(%run_scoped3A_22 : memref<!tpu.dma_semaphore, #tpu.memory_space<semaphore_mem>>)
      %dma_wait3A = arith.constant 0 : i32
      %dma_wait3A_30 = arith.constant 0 : i32
      %dma_wait3A_31 = tpu.memref_slice %arg2[%add3A, %dma_wait3A, %dma_wait3A_30] : memref<32x80x128xi32, #tpu.memory_space<hbm>> -> memref<1x80x128xi32, #tpu.memory_space<hbm>>
      %dma_wait3A_32 = tpu.memref_squeeze %dma_wait3A_31 : memref<1x80x128xi32, #tpu.memory_space<hbm>> -> memref<80x128xi32, #tpu.memory_space<hbm>>
      %dma_wait3A_33 = arith.constant 0 : i32
      %dma_wait3A_34 = arith.constant 0 : i32
      %dma_wait3A_35 = tpu.memref_slice %arg2[%add3A, %dma_wait3A_33, %dma_wait3A_34] : memref<32x80x128xi32, #tpu.memory_space<hbm>> -> memref<1x80x128xi32, #tpu.memory_space<hbm>>
      %dma_wait3A_36 = tpu.memref_squeeze %dma_wait3A_35 : memref<1x80x128xi32, #tpu.memory_space<hbm>> -> memref<80x128xi32, #tpu.memory_space<hbm>>
      tpu.wait_dma2 semaphore(%run_scoped3A_22 : memref<!tpu.dma_semaphore, #tpu.memory_space<semaphore_mem>>) src(%dma_wait3A_36 : memref<80x128xi32, #tpu.memory_space<hbm>>) dst(%arg9 : memref<80x128xi32, #tpu.memory_space<vmem>>)
      tpu.yield
    }) : () -> ()
    "tpu.region"() ({
      %run_scoped3A_22 = tpu.sem_alloc : memref<!tpu.dma_semaphore, #tpu.memory_space<semaphore_mem>>
      %dma_start3A = arith.constant 0 : i32
      %dma_start3A_23 = arith.constant 0 : i32
      %dma_start3A_24 = tpu.memref_slice %arg3[%add3A, %dma_start3A, %dma_start3A_23] : memref<32x80x128xi32, #tpu.memory_space<hbm>> -> memref<1x80x128xi32, #tpu.memory_space<hbm>>
      %dma_start3A_25 = tpu.memref_squeeze %dma_start3A_24 : memref<1x80x128xi32, #tpu.memory_space<hbm>> -> memref<80x128xi32, #tpu.memory_space<hbm>>
      %dma_start3A_26 = arith.constant 0 : i32
      %dma_start3A_27 = arith.constant 0 : i32
      %dma_start3A_28 = tpu.memref_slice %arg3[%add3A, %dma_start3A_26, %dma_start3A_27] : memref<32x80x128xi32, #tpu.memory_space<hbm>> -> memref<1x80x128xi32, #tpu.memory_space<hbm>>
      %dma_start3A_29 = tpu.memref_squeeze %dma_start3A_28 : memref<1x80x128xi32, #tpu.memory_space<hbm>> -> memref<80x128xi32, #tpu.memory_space<hbm>>
      tpu.enqueue_dma source(%dma_start3A_29 : memref<80x128xi32, #tpu.memory_space<hbm>>) target(%arg10 : memref<80x128xi32, #tpu.memory_space<vmem>>) target_semaphore(%run_scoped3A_22 : memref<!tpu.dma_semaphore, #tpu.memory_space<semaphore_mem>>)
      %dma_wait3A = arith.constant 0 : i32
      %dma_wait3A_30 = arith.constant 0 : i32
      %dma_wait3A_31 = tpu.memref_slice %arg3[%add3A, %dma_wait3A, %dma_wait3A_30] : memref<32x80x128xi32, #tpu.memory_space<hbm>> -> memref<1x80x128xi32, #tpu.memory_space<hbm>>
      %dma_wait3A_32 = tpu.memref_squeeze %dma_wait3A_31 : memref<1x80x128xi32, #tpu.memory_space<hbm>> -> memref<80x128xi32, #tpu.memory_space<hbm>>
      %dma_wait3A_33 = arith.constant 0 : i32
      %dma_wait3A_34 = arith.constant 0 : i32
      %dma_wait3A_35 = tpu.memref_slice %arg3[%add3A, %dma_wait3A_33, %dma_wait3A_34] : memref<32x80x128xi32, #tpu.memory_space<hbm>> -> memref<1x80x128xi32, #tpu.memory_space<hbm>>
      %dma_wait3A_36 = tpu.memref_squeeze %dma_wait3A_35 : memref<1x80x128xi32, #tpu.memory_space<hbm>> -> memref<80x128xi32, #tpu.memory_space<hbm>>
      tpu.wait_dma2 semaphore(%run_scoped3A_22 : memref<!tpu.dma_semaphore, #tpu.memory_space<semaphore_mem>>) src(%dma_wait3A_36 : memref<80x128xi32, #tpu.memory_space<hbm>>) dst(%arg10 : memref<80x128xi32, #tpu.memory_space<vmem>>)
      tpu.yield
    }) : () -> ()
    %scan3A = arith.constant 0 : i32
    %scan3A_2 = arith.constant 0 : i32
    %scan3A_3 = arith.constant 40 : i32
    %scan3A_4 = arith.addi %scan3A_2, %scan3A_3 : i32
    %scan3A_5 = arith.constant 1 : i32
    scf.for %scan3A_22 = %scan3A_2 to %scan3A_4 step %scan3A_5  : i32 {
      %broadcast_in_dim3A = arith.constant 0.000000e+00 : f32
      %broadcast_in_dim3A_23 = vector.broadcast %broadcast_in_dim3A : f32 to vector<16xf32>
      %mul3A_24 = arith.constant 16 : i32
      %mul3A_25 = arith.muli %scan3A_22, %mul3A_24 : i32
      %swap3A = arith.index_cast %mul3A_25 : i32 to index
      %swap3A_26 = tpu.vector_load %arg12[%swap3A] {strides = array<i32>} : memref<640xf32, #tpu.memory_space<vmem>>, vector<16xf32>,
      tpu.vector_store %arg12[%swap3A], %broadcast_in_dim3A_23 {strides = array<i32>} : memref<640xf32, #tpu.memory_space<vmem>>, vector<16xf32>,
    }
    %scan3A_6 = arith.constant 40 : i32
    %mul3A_7 = arith.constant 640 : i32
    %mul3A_8 = arith.muli %arg1, %mul3A_7 : i32
    "tpu.region"() ({
      %run_scoped3A_22 = tpu.sem_alloc : memref<!tpu.dma_semaphore, #tpu.memory_space<semaphore_mem>>
      %dma_start3A = tpu.memref_slice %arg13[%mul3A_8] : memref<10240xf32, #tpu.memory_space<vmem_shared>> -> memref<640xf32, #tpu.memory_space<vmem_shared>>
      %dma_start3A_23 = tpu.memref_slice %arg13[%mul3A_8] : memref<10240xf32, #tpu.memory_space<vmem_shared>> -> memref<640xf32, #tpu.memory_space<vmem_shared>>
      tpu.enqueue_dma source(%arg12 : memref<640xf32, #tpu.memory_space<vmem>>) target(%dma_start3A_23 : memref<640xf32, #tpu.memory_space<vmem_shared>>) target_semaphore(%run_scoped3A_22 : memref<!tpu.dma_semaphore, #tpu.memory_space<semaphore_mem>>)
      %dma_wait3A = tpu.memref_slice %arg13[%mul3A_8] : memref<10240xf32, #tpu.memory_space<vmem_shared>> -> memref<640xf32, #tpu.memory_space<vmem_shared>>
      %dma_wait3A_24 = tpu.memref_slice %arg13[%mul3A_8] : memref<10240xf32, #tpu.memory_space<vmem_shared>> -> memref<640xf32, #tpu.memory_space<vmem_shared>>
      tpu.wait_dma2 semaphore(%run_scoped3A_22 : memref<!tpu.dma_semaphore, #tpu.memory_space<semaphore_mem>>) src(%arg12 : memref<640xf32, #tpu.memory_space<vmem>>) dst(%dma_wait3A_24 : memref<640xf32, #tpu.memory_space<vmem_shared>>)
      tpu.yield
    }) : () -> ()
    %barrier3A = arith.constant 0 : index
    tpu.barrier barrier_id(%barrier3A)
    %iota3A = tpu.iota {dimensions = array<i32: 0>} : vector<16xi32>
    %mul3A_9 = arith.constant 10240 : i32
    %mul3A_10 = arith.muli %add3A, %mul3A_9 : i32
    %scan3A_11 = arith.constant 0 : i32
    %scan3A_12 = arith.constant 0 : i32
    %scan3A_13 = arith.constant 80 : i32
    %scan3A_14 = arith.addi %scan3A_12, %scan3A_13 : i32
    %scan3A_15 = arith.constant 1 : i32
    scf.for %scan3A_22 = %scan3A_12 to %scan3A_14 step %scan3A_15  : i32 {
      %get3A = arith.index_cast %scan3A_22 : i32 to index
      %get3A_23 = arith.constant 0 : index
      %get3A_24 = tpu.vector_load %arg9[%get3A, %get3A_23] {strides = array<i32>} : memref<80x128xi32, #tpu.memory_space<vmem>>, vector<16xi32>,
      %get3A_25 = arith.index_cast %scan3A_22 : i32 to index
      %get3A_26 = arith.constant 0 : index
      %get3A_27 = tpu.vector_load %arg10[%get3A_25, %get3A_26] {strides = array<i32>} : memref<80x128xi32, #tpu.memory_space<vmem>>, vector<16xi32>,
      %gather3A = tpu.vector_load_idx %arg7[%get3A_24] : memref<10240xf32, #tpu.memory_space<vmem>>[vector<16xi32>], vector<16xf32>,
      %gather3A_28 = tpu.vector_load_idx %arg8[%get3A_27] : memref<10240xf32, #tpu.memory_space<vmem>>[vector<16xi32>], vector<16xf32>,
      %add3A_29 = arith.addf %gather3A, %gather3A_28 : vector<16xf32>
      %ge3A = arith.constant 0.000000e+00 : f32
      %ge3A_30 = vector.broadcast %ge3A : f32 to vector<16xf32>
      %ge3A_31 = arith.cmpf oge, %add3A_29, %ge3A_30 : vector<16xf32>
      %mul3A_32 = arith.constant 0.00999999977 : f32
      %mul3A_33 = vector.broadcast %mul3A_32 : f32 to vector<16xf32>
      %mul3A_34 = arith.mulf %mul3A_33, %add3A_29 : vector<16xf32>
      %select_n3A = arith.select %ge3A_31, %add3A_29, %mul3A_34 : vector<16xi1>, vector<16xf32>
      %mul3A_35 = arith.constant 128 : i32
      %mul3A_36 = arith.muli %scan3A_22, %mul3A_35 : i32
      %add3A_37 = arith.addi %mul3A_10, %mul3A_36 : i32
      %add3A_38 = arith.constant 0 : i32
      %add3A_39 = arith.addi %add3A_37, %add3A_38 : i32
      %add3A_40 = vector.broadcast %add3A_39 : i32 to vector<16xi32>
      %add3A_41 = arith.addi %add3A_40, %iota3A : vector<16xi32>
      %lt3A = arith.constant 320000 : i32
      %lt3A_42 = vector.broadcast %lt3A : i32 to vector<16xi32>
      %lt3A_43 = arith.cmpi slt, %add3A_41, %lt3A_42 : vector<16xi32>
      %exp3A = math.exp %select_n3A : vector<16xf32>
      %jit3A = arith.constant 0.000000e+00 : f32
      %broadcast_in_dim3A = vector.broadcast %jit3A : f32 to vector<16xf32>
      %select_n3A_44 = arith.select %lt3A_43, %exp3A, %broadcast_in_dim3A : vector<16xi1>, vector<16xf32>
      %mul3A_45 = arith.constant 128 : i32
      %mul3A_46 = arith.muli %scan3A_22, %mul3A_45 : i32
      %add3A_47 = arith.constant 0 : i32
      %add3A_48 = arith.addi %mul3A_46, %add3A_47 : i32
      %swap3A = arith.index_cast %add3A_48 : i32 to index
      %swap3A_49 = tpu.vector_load %arg11[%swap3A] {strides = array<i32>} : memref<10240xf32, #tpu.memory_space<vmem>>, vector<16xf32>,
      tpu.vector_store %arg11[%swap3A], %select_n3A_44 {strides = array<i32>} : memref<10240xf32, #tpu.memory_space<vmem>>, vector<16xf32>,
      %get3A_50 = arith.index_cast %scan3A_22 : i32 to index
      %get3A_51 = arith.constant 16 : index
      %get3A_52 = tpu.vector_load %arg9[%get3A_50, %get3A_51] {strides = array<i32>} : memref<80x128xi32, #tpu.memory_space<vmem>>, vector<16xi32>,
      %get3A_53 = arith.index_cast %scan3A_22 : i32 to index
      %get3A_54 = arith.constant 16 : index
      %get3A_55 = tpu.vector_load %arg10[%get3A_53, %get3A_54] {strides = array<i32>} : memref<80x128xi32, #tpu.memory_space<vmem>>, vector<16xi32>,
      %gather3A_56 = tpu.vector_load_idx %arg7[%get3A_52] : memref<10240xf32, #tpu.memory_space<vmem>>[vector<16xi32>], vector<16xf32>,
      %gather3A_57 = tpu.vector_load_idx %arg8[%get3A_55] : memref<10240xf32, #tpu.memory_space<vmem>>[vector<16xi32>], vector<16xf32>,
      %add3A_58 = arith.addf %gather3A_56, %gather3A_57 : vector<16xf32>
      %ge3A_59 = arith.constant 0.000000e+00 : f32
      %ge3A_60 = vector.broadcast %ge3A_59 : f32 to vector<16xf32>
      %ge3A_61 = arith.cmpf oge, %add3A_58, %ge3A_60 : vector<16xf32>
      %mul3A_62 = arith.constant 0.00999999977 : f32
      %mul3A_63 = vector.broadcast %mul3A_62 : f32 to vector<16xf32>
      %mul3A_64 = arith.mulf %mul3A_63, %add3A_58 : vector<16xf32>
      %select_n3A_65 = arith.select %ge3A_61, %add3A_58, %mul3A_64 : vector<16xi1>, vector<16xf32>
      %mul3A_66 = arith.constant 128 : i32
      %mul3A_67 = arith.muli %scan3A_22, %mul3A_66 : i32
      %add3A_68 = arith.addi %mul3A_10, %mul3A_67 : i32
      %add3A_69 = arith.constant 16 : i32
      %add3A_70 = arith.addi %add3A_68, %add3A_69 : i32
      %add3A_71 = vector.broadcast %add3A_70 : i32 to vector<16xi32>
      %add3A_72 = arith.addi %add3A_71, %iota3A : vector<16xi32>
      %lt3A_73 = arith.constant 320000 : i32
      %lt3A_74 = vector.broadcast %lt3A_73 : i32 to vector<16xi32>
      %lt3A_75 = arith.cmpi slt, %add3A_72, %lt3A_74 : vector<16xi32>
      %exp3A_76 = math.exp %select_n3A_65 : vector<16xf32>
      %jit3A_77 = arith.constant 0.000000e+00 : f32
      %broadcast_in_dim3A_78 = vector.broadcast %jit3A_77 : f32 to vector<16xf32>
      %select_n3A_79 = arith.select %lt3A_75, %exp3A_76, %broadcast_in_dim3A_78 : vector<16xi1>, vector<16xf32>
      %mul3A_80 = arith.constant 128 : i32
      %mul3A_81 = arith.muli %scan3A_22, %mul3A_80 : i32
      %add3A_82 = arith.constant 16 : i32
      %add3A_83 = arith.addi %mul3A_81, %add3A_82 : i32
      %swap3A_84 = arith.index_cast %add3A_83 : i32 to index
      %swap3A_85 = tpu.vector_load %arg11[%swap3A_84] {strides = array<i32>} : memref<10240xf32, #tpu.memory_space<vmem>>, vector<16xf32>,
      tpu.vector_store %arg11[%swap3A_84], %select_n3A_79 {strides = array<i32>} : memref<10240xf32, #tpu.memory_space<vmem>>, vector<16xf32>,
      %get3A_86 = arith.index_cast %scan3A_22 : i32 to index
      %get3A_87 = arith.constant 32 : index
      %get3A_88 = tpu.vector_load %arg9[%get3A_86, %get3A_87] {strides = array<i32>} : memref<80x128xi32, #tpu.memory_space<vmem>>, vector<16xi32>,
      %get3A_89 = arith.index_cast %scan3A_22 : i32 to index
      %get3A_90 = arith.constant 32 : index
      %get3A_91 = tpu.vector_load %arg10[%get3A_89, %get3A_90] {strides = array<i32>} : memref<80x128xi32, #tpu.memory_space<vmem>>, vector<16xi32>,
      %gather3A_92 = tpu.vector_load_idx %arg7[%get3A_88] : memref<10240xf32, #tpu.memory_space<vmem>>[vector<16xi32>], vector<16xf32>,
      %gather3A_93 = tpu.vector_load_idx %arg8[%get3A_91] : memref<10240xf32, #tpu.memory_space<vmem>>[vector<16xi32>], vector<16xf32>,
      %add3A_94 = arith.addf %gather3A_92, %gather3A_93 : vector<16xf32>
      %ge3A_95 = arith.constant 0.000000e+00 : f32
      %ge3A_96 = vector.broadcast %ge3A_95 : f32 to vector<16xf32>
      %ge3A_97 = arith.cmpf oge, %add3A_94, %ge3A_96 : vector<16xf32>
      %mul3A_98 = arith.constant 0.00999999977 : f32
      %mul3A_99 = vector.broadcast %mul3A_98 : f32 to vector<16xf32>
      %mul3A_100 = arith.mulf %mul3A_99, %add3A_94 : vector<16xf32>
      %select_n3A_101 = arith.select %ge3A_97, %add3A_94, %mul3A_100 : vector<16xi1>, vector<16xf32>
      %mul3A_102 = arith.constant 128 : i32
      %mul3A_103 = arith.muli %scan3A_22, %mul3A_102 : i32
      %add3A_104 = arith.addi %mul3A_10, %mul3A_103 : i32
      %add3A_105 = arith.constant 32 : i32
      %add3A_106 = arith.addi %add3A_104, %add3A_105 : i32
      %add3A_107 = vector.broadcast %add3A_106 : i32 to vector<16xi32>
      %add3A_108 = arith.addi %add3A_107, %iota3A : vector<16xi32>
      %lt3A_109 = arith.constant 320000 : i32
      %lt3A_110 = vector.broadcast %lt3A_109 : i32 to vector<16xi32>
      %lt3A_111 = arith.cmpi slt, %add3A_108, %lt3A_110 : vector<16xi32>
      %exp3A_112 = math.exp %select_n3A_101 : vector<16xf32>
      %jit3A_113 = arith.constant 0.000000e+00 : f32
      %broadcast_in_dim3A_114 = vector.broadcast %jit3A_113 : f32 to vector<16xf32>
      %select_n3A_115 = arith.select %lt3A_111, %exp3A_112, %broadcast_in_dim3A_114 : vector<16xi1>, vector<16xf32>
      %mul3A_116 = arith.constant 128 : i32
      %mul3A_117 = arith.muli %scan3A_22, %mul3A_116 : i32
      %add3A_118 = arith.constant 32 : i32
      %add3A_119 = arith.addi %mul3A_117, %add3A_118 : i32
      %swap3A_120 = arith.index_cast %add3A_119 : i32 to index
      %swap3A_121 = tpu.vector_load %arg11[%swap3A_120] {strides = array<i32>} : memref<10240xf32, #tpu.memory_space<vmem>>, vector<16xf32>,
      tpu.vector_store %arg11[%swap3A_120], %select_n3A_115 {strides = array<i32>} : memref<10240xf32, #tpu.memory_space<vmem>>, vector<16xf32>,
      %get3A_122 = arith.index_cast %scan3A_22 : i32 to index
      %get3A_123 = arith.constant 48 : index
      %get3A_124 = tpu.vector_load %arg9[%get3A_122, %get3A_123] {strides = array<i32>} : memref<80x128xi32, #tpu.memory_space<vmem>>, vector<16xi32>,
      %get3A_125 = arith.index_cast %scan3A_22 : i32 to index
      %get3A_126 = arith.constant 48 : index
      %get3A_127 = tpu.vector_load %arg10[%get3A_125, %get3A_126] {strides = array<i32>} : memref<80x128xi32, #tpu.memory_space<vmem>>, vector<16xi32>,
      %gather3A_128 = tpu.vector_load_idx %arg7[%get3A_124] : memref<10240xf32, #tpu.memory_space<vmem>>[vector<16xi32>], vector<16xf32>,
      %gather3A_129 = tpu.vector_load_idx %arg8[%get3A_127] : memref<10240xf32, #tpu.memory_space<vmem>>[vector<16xi32>], vector<16xf32>,
      %add3A_130 = arith.addf %gather3A_128, %gather3A_129 : vector<16xf32>
      %ge3A_131 = arith.constant 0.000000e+00 : f32
      %ge3A_132 = vector.broadcast %ge3A_131 : f32 to vector<16xf32>
      %ge3A_133 = arith.cmpf oge, %add3A_130, %ge3A_132 : vector<16xf32>
      %mul3A_134 = arith.constant 0.00999999977 : f32
      %mul3A_135 = vector.broadcast %mul3A_134 : f32 to vector<16xf32>
      %mul3A_136 = arith.mulf %mul3A_135, %add3A_130 : vector<16xf32>
      %select_n3A_137 = arith.select %ge3A_133, %add3A_130, %mul3A_136 : vector<16xi1>, vector<16xf32>
      %mul3A_138 = arith.constant 128 : i32
      %mul3A_139 = arith.muli %scan3A_22, %mul3A_138 : i32
      %add3A_140 = arith.addi %mul3A_10, %mul3A_139 : i32
      %add3A_141 = arith.constant 48 : i32
      %add3A_142 = arith.addi %add3A_140, %add3A_141 : i32
      %add3A_143 = vector.broadcast %add3A_142 : i32 to vector<16xi32>
      %add3A_144 = arith.addi %add3A_143, %iota3A : vector<16xi32>
      %lt3A_145 = arith.constant 320000 : i32
      %lt3A_146 = vector.broadcast %lt3A_145 : i32 to vector<16xi32>
      %lt3A_147 = arith.cmpi slt, %add3A_144, %lt3A_146 : vector<16xi32>
      %exp3A_148 = math.exp %select_n3A_137 : vector<16xf32>
      %jit3A_149 = arith.constant 0.000000e+00 : f32
      %broadcast_in_dim3A_150 = vector.broadcast %jit3A_149 : f32 to vector<16xf32>
      %select_n3A_151 = arith.select %lt3A_147, %exp3A_148, %broadcast_in_dim3A_150 : vector<16xi1>, vector<16xf32>
      %mul3A_152 = arith.constant 128 : i32
      %mul3A_153 = arith.muli %scan3A_22, %mul3A_152 : i32
      %add3A_154 = arith.constant 48 : i32
      %add3A_155 = arith.addi %mul3A_153, %add3A_154 : i32
      %swap3A_156 = arith.index_cast %add3A_155 : i32 to index
      %swap3A_157 = tpu.vector_load %arg11[%swap3A_156] {strides = array<i32>} : memref<10240xf32, #tpu.memory_space<vmem>>, vector<16xf32>,
      tpu.vector_store %arg11[%swap3A_156], %select_n3A_151 {strides = array<i32>} : memref<10240xf32, #tpu.memory_space<vmem>>, vector<16xf32>,
      %get3A_158 = arith.index_cast %scan3A_22 : i32 to index
      %get3A_159 = arith.constant 64 : index
      %get3A_160 = tpu.vector_load %arg9[%get3A_158, %get3A_159] {strides = array<i32>} : memref<80x128xi32, #tpu.memory_space<vmem>>, vector<16xi32>,
      %get3A_161 = arith.index_cast %scan3A_22 : i32 to index
      %get3A_162 = arith.constant 64 : index
      %get3A_163 = tpu.vector_load %arg10[%get3A_161, %get3A_162] {strides = array<i32>} : memref<80x128xi32, #tpu.memory_space<vmem>>, vector<16xi32>,
      %gather3A_164 = tpu.vector_load_idx %arg7[%get3A_160] : memref<10240xf32, #tpu.memory_space<vmem>>[vector<16xi32>], vector<16xf32>,
      %gather3A_165 = tpu.vector_load_idx %arg8[%get3A_163] : memref<10240xf32, #tpu.memory_space<vmem>>[vector<16xi32>], vector<16xf32>,
      %add3A_166 = arith.addf %gather3A_164, %gather3A_165 : vector<16xf32>
      %ge3A_167 = arith.constant 0.000000e+00 : f32
      %ge3A_168 = vector.broadcast %ge3A_167 : f32 to vector<16xf32>
      %ge3A_169 = arith.cmpf oge, %add3A_166, %ge3A_168 : vector<16xf32>
      %mul3A_170 = arith.constant 0.00999999977 : f32
      %mul3A_171 = vector.broadcast %mul3A_170 : f32 to vector<16xf32>
      %mul3A_172 = arith.mulf %mul3A_171, %add3A_166 : vector<16xf32>
      %select_n3A_173 = arith.select %ge3A_169, %add3A_166, %mul3A_172 : vector<16xi1>, vector<16xf32>
      %mul3A_174 = arith.constant 128 : i32
      %mul3A_175 = arith.muli %scan3A_22, %mul3A_174 : i32
      %add3A_176 = arith.addi %mul3A_10, %mul3A_175 : i32
      %add3A_177 = arith.constant 64 : i32
      %add3A_178 = arith.addi %add3A_176, %add3A_177 : i32
      %add3A_179 = vector.broadcast %add3A_178 : i32 to vector<16xi32>
      %add3A_180 = arith.addi %add3A_179, %iota3A : vector<16xi32>
      %lt3A_181 = arith.constant 320000 : i32
      %lt3A_182 = vector.broadcast %lt3A_181 : i32 to vector<16xi32>
      %lt3A_183 = arith.cmpi slt, %add3A_180, %lt3A_182 : vector<16xi32>
      %exp3A_184 = math.exp %select_n3A_173 : vector<16xf32>
      %jit3A_185 = arith.constant 0.000000e+00 : f32
      %broadcast_in_dim3A_186 = vector.broadcast %jit3A_185 : f32 to vector<16xf32>
      %select_n3A_187 = arith.select %lt3A_183, %exp3A_184, %broadcast_in_dim3A_186 : vector<16xi1>, vector<16xf32>
      %mul3A_188 = arith.constant 128 : i32
      %mul3A_189 = arith.muli %scan3A_22, %mul3A_188 : i32
      %add3A_190 = arith.constant 64 : i32
      %add3A_191 = arith.addi %mul3A_189, %add3A_190 : i32
      %swap3A_192 = arith.index_cast %add3A_191 : i32 to index
      %swap3A_193 = tpu.vector_load %arg11[%swap3A_192] {strides = array<i32>} : memref<10240xf32, #tpu.memory_space<vmem>>, vector<16xf32>,
      tpu.vector_store %arg11[%swap3A_192], %select_n3A_187 {strides = array<i32>} : memref<10240xf32, #tpu.memory_space<vmem>>, vector<16xf32>,
      %get3A_194 = arith.index_cast %scan3A_22 : i32 to index
      %get3A_195 = arith.constant 80 : index
      %get3A_196 = tpu.vector_load %arg9[%get3A_194, %get3A_195] {strides = array<i32>} : memref<80x128xi32, #tpu.memory_space<vmem>>, vector<16xi32>,
      %get3A_197 = arith.index_cast %scan3A_22 : i32 to index
      %get3A_198 = arith.constant 80 : index
      %get3A_199 = tpu.vector_load %arg10[%get3A_197, %get3A_198] {strides = array<i32>} : memref<80x128xi32, #tpu.memory_space<vmem>>, vector<16xi32>,
      %gather3A_200 = tpu.vector_load_idx %arg7[%get3A_196] : memref<10240xf32, #tpu.memory_space<vmem>>[vector<16xi32>], vector<16xf32>,
      %gather3A_201 = tpu.vector_load_idx %arg8[%get3A_199] : memref<10240xf32, #tpu.memory_space<vmem>>[vector<16xi32>], vector<16xf32>,
      %add3A_202 = arith.addf %gather3A_200, %gather3A_201 : vector<16xf32>
      %ge3A_203 = arith.constant 0.000000e+00 : f32
      %ge3A_204 = vector.broadcast %ge3A_203 : f32 to vector<16xf32>
      %ge3A_205 = arith.cmpf oge, %add3A_202, %ge3A_204 : vector<16xf32>
      %mul3A_206 = arith.constant 0.00999999977 : f32
      %mul3A_207 = vector.broadcast %mul3A_206 : f32 to vector<16xf32>
      %mul3A_208 = arith.mulf %mul3A_207, %add3A_202 : vector<16xf32>
      %select_n3A_209 = arith.select %ge3A_205, %add3A_202, %mul3A_208 : vector<16xi1>, vector<16xf32>
      %mul3A_210 = arith.constant 128 : i32
      %mul3A_211 = arith.muli %scan3A_22, %mul3A_210 : i32
      %add3A_212 = arith.addi %mul3A_10, %mul3A_211 : i32
      %add3A_213 = arith.constant 80 : i32
      %add3A_214 = arith.addi %add3A_212, %add3A_213 : i32
      %add3A_215 = vector.broadcast %add3A_214 : i32 to vector<16xi32>
      %add3A_216 = arith.addi %add3A_215, %iota3A : vector<16xi32>
      %lt3A_217 = arith.constant 320000 : i32
      %lt3A_218 = vector.broadcast %lt3A_217 : i32 to vector<16xi32>
      %lt3A_219 = arith.cmpi slt, %add3A_216, %lt3A_218 : vector<16xi32>
      %exp3A_220 = math.exp %select_n3A_209 : vector<16xf32>
      %jit3A_221 = arith.constant 0.000000e+00 : f32
      %broadcast_in_dim3A_222 = vector.broadcast %jit3A_221 : f32 to vector<16xf32>
      %select_n3A_223 = arith.select %lt3A_219, %exp3A_220, %broadcast_in_dim3A_222 : vector<16xi1>, vector<16xf32>
      %mul3A_224 = arith.constant 128 : i32
      %mul3A_225 = arith.muli %scan3A_22, %mul3A_224 : i32
      %add3A_226 = arith.constant 80 : i32
      %add3A_227 = arith.addi %mul3A_225, %add3A_226 : i32
      %swap3A_228 = arith.index_cast %add3A_227 : i32 to index
      %swap3A_229 = tpu.vector_load %arg11[%swap3A_228] {strides = array<i32>} : memref<10240xf32, #tpu.memory_space<vmem>>, vector<16xf32>,
      tpu.vector_store %arg11[%swap3A_228], %select_n3A_223 {strides = array<i32>} : memref<10240xf32, #tpu.memory_space<vmem>>, vector<16xf32>,
      %get3A_230 = arith.index_cast %scan3A_22 : i32 to index
      %get3A_231 = arith.constant 96 : index
      %get3A_232 = tpu.vector_load %arg9[%get3A_230, %get3A_231] {strides = array<i32>} : memref<80x128xi32, #tpu.memory_space<vmem>>, vector<16xi32>,
      %get3A_233 = arith.index_cast %scan3A_22 : i32 to index
      %get3A_234 = arith.constant 96 : index
      %get3A_235 = tpu.vector_load %arg10[%get3A_233, %get3A_234] {strides = array<i32>} : memref<80x128xi32, #tpu.memory_space<vmem>>, vector<16xi32>,
      %gather3A_236 = tpu.vector_load_idx %arg7[%get3A_232] : memref<10240xf32, #tpu.memory_space<vmem>>[vector<16xi32>], vector<16xf32>,
      %gather3A_237 = tpu.vector_load_idx %arg8[%get3A_235] : memref<10240xf32, #tpu.memory_space<vmem>>[vector<16xi32>], vector<16xf32>,
      %add3A_238 = arith.addf %gather3A_236, %gather3A_237 : vector<16xf32>
      %ge3A_239 = arith.constant 0.000000e+00 : f32
      %ge3A_240 = vector.broadcast %ge3A_239 : f32 to vector<16xf32>
      %ge3A_241 = arith.cmpf oge, %add3A_238, %ge3A_240 : vector<16xf32>
      %mul3A_242 = arith.constant 0.00999999977 : f32
      %mul3A_243 = vector.broadcast %mul3A_242 : f32 to vector<16xf32>
      %mul3A_244 = arith.mulf %mul3A_243, %add3A_238 : vector<16xf32>
      %select_n3A_245 = arith.select %ge3A_241, %add3A_238, %mul3A_244 : vector<16xi1>, vector<16xf32>
      %mul3A_246 = arith.constant 128 : i32
      %mul3A_247 = arith.muli %scan3A_22, %mul3A_246 : i32
      %add3A_248 = arith.addi %mul3A_10, %mul3A_247 : i32
      %add3A_249 = arith.constant 96 : i32
      %add3A_250 = arith.addi %add3A_248, %add3A_249 : i32
      %add3A_251 = vector.broadcast %add3A_250 : i32 to vector<16xi32>
      %add3A_252 = arith.addi %add3A_251, %iota3A : vector<16xi32>
      %lt3A_253 = arith.constant 320000 : i32
      %lt3A_254 = vector.broadcast %lt3A_253 : i32 to vector<16xi32>
      %lt3A_255 = arith.cmpi slt, %add3A_252, %lt3A_254 : vector<16xi32>
      %exp3A_256 = math.exp %select_n3A_245 : vector<16xf32>
      %jit3A_257 = arith.constant 0.000000e+00 : f32
      %broadcast_in_dim3A_258 = vector.broadcast %jit3A_257 : f32 to vector<16xf32>
      %select_n3A_259 = arith.select %lt3A_255, %exp3A_256, %broadcast_in_dim3A_258 : vector<16xi1>, vector<16xf32>
      %mul3A_260 = arith.constant 128 : i32
      %mul3A_261 = arith.muli %scan3A_22, %mul3A_260 : i32
      %add3A_262 = arith.constant 96 : i32
      %add3A_263 = arith.addi %mul3A_261, %add3A_262 : i32
      %swap3A_264 = arith.index_cast %add3A_263 : i32 to index
      %swap3A_265 = tpu.vector_load %arg11[%swap3A_264] {strides = array<i32>} : memref<10240xf32, #tpu.memory_space<vmem>>, vector<16xf32>,
      tpu.vector_store %arg11[%swap3A_264], %select_n3A_259 {strides = array<i32>} : memref<10240xf32, #tpu.memory_space<vmem>>, vector<16xf32>,
      %get3A_266 = arith.index_cast %scan3A_22 : i32 to index
      %get3A_267 = arith.constant 112 : index
      %get3A_268 = tpu.vector_load %arg9[%get3A_266, %get3A_267] {strides = array<i32>} : memref<80x128xi32, #tpu.memory_space<vmem>>, vector<16xi32>,
      %get3A_269 = arith.index_cast %scan3A_22 : i32 to index
      %get3A_270 = arith.constant 112 : index
      %get3A_271 = tpu.vector_load %arg10[%get3A_269, %get3A_270] {strides = array<i32>} : memref<80x128xi32, #tpu.memory_space<vmem>>, vector<16xi32>,
      %gather3A_272 = tpu.vector_load_idx %arg7[%get3A_268] : memref<10240xf32, #tpu.memory_space<vmem>>[vector<16xi32>], vector<16xf32>,
      %gather3A_273 = tpu.vector_load_idx %arg8[%get3A_271] : memref<10240xf32, #tpu.memory_space<vmem>>[vector<16xi32>], vector<16xf32>,
      %add3A_274 = arith.addf %gather3A_272, %gather3A_273 : vector<16xf32>
      %ge3A_275 = arith.constant 0.000000e+00 : f32
      %ge3A_276 = vector.broadcast %ge3A_275 : f32 to vector<16xf32>
      %ge3A_277 = arith.cmpf oge, %add3A_274, %ge3A_276 : vector<16xf32>
      %mul3A_278 = arith.constant 0.00999999977 : f32
      %mul3A_279 = vector.broadcast %mul3A_278 : f32 to vector<16xf32>
      %mul3A_280 = arith.mulf %mul3A_279, %add3A_274 : vector<16xf32>
      %select_n3A_281 = arith.select %ge3A_277, %add3A_274, %mul3A_280 : vector<16xi1>, vector<16xf32>
      %mul3A_282 = arith.constant 128 : i32
      %mul3A_283 = arith.muli %scan3A_22, %mul3A_282 : i32
      %add3A_284 = arith.addi %mul3A_10, %mul3A_283 : i32
      %add3A_285 = arith.constant 112 : i32
      %add3A_286 = arith.addi %add3A_284, %add3A_285 : i32
      %add3A_287 = vector.broadcast %add3A_286 : i32 to vector<16xi32>
      %add3A_288 = arith.addi %add3A_287, %iota3A : vector<16xi32>
      %lt3A_289 = arith.constant 320000 : i32
      %lt3A_290 = vector.broadcast %lt3A_289 : i32 to vector<16xi32>
      %lt3A_291 = arith.cmpi slt, %add3A_288, %lt3A_290 : vector<16xi32>
      %exp3A_292 = math.exp %select_n3A_281 : vector<16xf32>
      %jit3A_293 = arith.constant 0.000000e+00 : f32
      %broadcast_in_dim3A_294 = vector.broadcast %jit3A_293 : f32 to vector<16xf32>
      %select_n3A_295 = arith.select %lt3A_291, %exp3A_292, %broadcast_in_dim3A_294 : vector<16xi1>, vector<16xf32>
      %mul3A_296 = arith.constant 128 : i32
      %mul3A_297 = arith.muli %scan3A_22, %mul3A_296 : i32
      %add3A_298 = arith.constant 112 : i32
      %add3A_299 = arith.addi %mul3A_297, %add3A_298 : i32
      %swap3A_300 = arith.index_cast %add3A_299 : i32 to index
      %swap3A_301 = tpu.vector_load %arg11[%swap3A_300] {strides = array<i32>} : memref<10240xf32, #tpu.memory_space<vmem>>, vector<16xf32>,
      tpu.vector_store %arg11[%swap3A_300], %select_n3A_295 {strides = array<i32>} : memref<10240xf32, #tpu.memory_space<vmem>>, vector<16xf32>,
      %mul3A_302 = arith.constant 128 : i32
      %mul3A_303 = arith.muli %scan3A_22, %mul3A_302 : i32
      "tpu.region"() ({
        %run_scoped3A_304 = tpu.sem_alloc : memref<!tpu.dma_semaphore, #tpu.memory_space<semaphore_mem>>
        %dma_start3A = tpu.memref_slice %arg11[%mul3A_303] : memref<10240xf32, #tpu.memory_space<vmem>> -> memref<128xf32, #tpu.memory_space<vmem>>
        %dma_start3A_305 = arith.constant 0 : i32
        %dma_start3A_306 = tpu.memref_slice %arg10[%scan3A_22, %dma_start3A_305] : memref<80x128xi32, #tpu.memory_space<vmem>> -> memref<1x128xi32, #tpu.memory_space<vmem>>
        %dma_start3A_307 = tpu.memref_squeeze %dma_start3A_306 : memref<1x128xi32, #tpu.memory_space<vmem>> -> memref<128xi32, #tpu.memory_space<vmem>>
        %dma_start3A_308 = arith.constant 0 : i32
        %dma_start3A_309 = tpu.memref_slice %arg13[%dma_start3A_308] : memref<10240xf32, #tpu.memory_space<vmem_shared>> -> memref<10240xf32, #tpu.memory_space<vmem_shared>>
        tpu.enqueue_indirect_dma source(%dma_start3A : memref<128xf32, #tpu.memory_space<vmem>>) target(%dma_start3A_309 : memref<10240xf32, #tpu.memory_space<vmem_shared>>) offsets(%dma_start3A_307 : memref<128xi32, #tpu.memory_space<vmem>>) semaphore(%run_scoped3A_304 : memref<!tpu.dma_semaphore, #tpu.memory_space<semaphore_mem>>) {add = true}
        %dma_wait3A = tpu.memref_slice %arg11[%mul3A_303] : memref<10240xf32, #tpu.memory_space<vmem>> -> memref<128xf32, #tpu.memory_space<vmem>>
        %dma_wait3A_310 = arith.constant 0 : i32
        %dma_wait3A_311 = tpu.memref_slice %arg10[%scan3A_22, %dma_wait3A_310] : memref<80x128xi32, #tpu.memory_space<vmem>> -> memref<1x128xi32, #tpu.memory_space<vmem>>
        %dma_wait3A_312 = tpu.memref_squeeze %dma_wait3A_311 : memref<1x128xi32, #tpu.memory_space<vmem>> -> memref<128xi32, #tpu.memory_space<vmem>>
        %dma_wait3A_313 = arith.constant 0 : i32
        %dma_wait3A_314 = tpu.memref_slice %arg13[%dma_wait3A_313] : memref<10240xf32, #tpu.memory_space<vmem_shared>> -> memref<10240xf32, #tpu.memory_space<vmem_shared>>
        tpu.wait_indirect_dma semaphore(%run_scoped3A_304 : memref<!tpu.dma_semaphore, #tpu.memory_space<semaphore_mem>>) src(%dma_wait3A : memref<128xf32, #tpu.memory_space<vmem>>) dst(%dma_wait3A_314 : memref<10240xf32, #tpu.memory_space<vmem_shared>>)
        tpu.yield
      }) : () -> ()
    }
    %scan3A_16 = arith.constant 80 : i32
    %barrier3A_17 = arith.constant 0 : index
    tpu.barrier barrier_id(%barrier3A_17)
    "tpu.region"() ({
      %run_scoped3A_22 = tpu.sem_alloc : memref<!tpu.dma_semaphore, #tpu.memory_space<semaphore_mem>>
      %dma_start3A = arith.constant 0 : i32
      %dma_start3A_23 = tpu.memref_slice %arg5[%add3A, %dma_start3A] : memref<32x10240xf32, #tpu.memory_space<hbm>> -> memref<1x10240xf32, #tpu.memory_space<hbm>>
      %dma_start3A_24 = tpu.memref_squeeze %dma_start3A_23 : memref<1x10240xf32, #tpu.memory_space<hbm>> -> memref<10240xf32, #tpu.memory_space<hbm>>
      %dma_start3A_25 = arith.constant 0 : i32
      %dma_start3A_26 = tpu.memref_slice %arg5[%add3A, %dma_start3A_25] : memref<32x10240xf32, #tpu.memory_space<hbm>> -> memref<1x10240xf32, #tpu.memory_space<hbm>>
      %dma_start3A_27 = tpu.memref_squeeze %dma_start3A_26 : memref<1x10240xf32, #tpu.memory_space<hbm>> -> memref<10240xf32, #tpu.memory_space<hbm>>
      tpu.enqueue_dma source(%arg11 : memref<10240xf32, #tpu.memory_space<vmem>>) target(%dma_start3A_27 : memref<10240xf32, #tpu.memory_space<hbm>>) target_semaphore(%run_scoped3A_22 : memref<!tpu.dma_semaphore, #tpu.memory_space<semaphore_mem>>)
      %dma_wait3A = arith.constant 0 : i32
      %dma_wait3A_28 = tpu.memref_slice %arg5[%add3A, %dma_wait3A] : memref<32x10240xf32, #tpu.memory_space<hbm>> -> memref<1x10240xf32, #tpu.memory_space<hbm>>
      %dma_wait3A_29 = tpu.memref_squeeze %dma_wait3A_28 : memref<1x10240xf32, #tpu.memory_space<hbm>> -> memref<10240xf32, #tpu.memory_space<hbm>>
      %dma_wait3A_30 = arith.constant 0 : i32
      %dma_wait3A_31 = tpu.memref_slice %arg5[%add3A, %dma_wait3A_30] : memref<32x10240xf32, #tpu.memory_space<hbm>> -> memref<1x10240xf32, #tpu.memory_space<hbm>>
      %dma_wait3A_32 = tpu.memref_squeeze %dma_wait3A_31 : memref<1x10240xf32, #tpu.memory_space<hbm>> -> memref<10240xf32, #tpu.memory_space<hbm>>
      tpu.wait_dma2 semaphore(%run_scoped3A_22 : memref<!tpu.dma_semaphore, #tpu.memory_space<semaphore_mem>>) src(%arg11 : memref<10240xf32, #tpu.memory_space<vmem>>) dst(%dma_wait3A_32 : memref<10240xf32, #tpu.memory_space<hbm>>)
      tpu.yield
    }) : () -> ()
    %mul3A_18 = arith.constant 640 : i32
    %mul3A_19 = arith.muli %arg1, %mul3A_18 : i32
    %mul3A_20 = arith.constant 640 : i32
    %mul3A_21 = arith.muli %arg1, %mul3A_20 : i32
    "tpu.region"() ({
      %run_scoped3A_22 = tpu.sem_alloc : memref<!tpu.dma_semaphore, #tpu.memory_space<semaphore_mem>>
      %dma_start3A = tpu.memref_slice %arg6[%arg0, %mul3A_21] : memref<2x10240xf32, #tpu.memory_space<hbm>> -> memref<1x640xf32, #tpu.memory_space<hbm>>
      %dma_start3A_23 = tpu.memref_squeeze %dma_start3A : memref<1x640xf32, #tpu.memory_space<hbm>> -> memref<640xf32, #tpu.memory_space<hbm>>
      %dma_start3A_24 = tpu.memref_slice %arg13[%mul3A_19] : memref<10240xf32, #tpu.memory_space<vmem_shared>> -> memref<640xf32, #tpu.memory_space<vmem_shared>>
      tpu.enqueue_dma source(%dma_start3A_24 : memref<640xf32, #tpu.memory_space<vmem_shared>>) target(%dma_start3A_23 : memref<640xf32, #tpu.memory_space<hbm>>) target_semaphore(%run_scoped3A_22 : memref<!tpu.dma_semaphore, #tpu.memory_space<semaphore_mem>>)
      %dma_wait3A = tpu.memref_slice %arg6[%arg0, %mul3A_21] : memref<2x10240xf32, #tpu.memory_space<hbm>> -> memref<1x640xf32, #tpu.memory_space<hbm>>
      %dma_wait3A_25 = tpu.memref_squeeze %dma_wait3A : memref<1x640xf32, #tpu.memory_space<hbm>> -> memref<640xf32, #tpu.memory_space<hbm>>
      %dma_wait3A_26 = tpu.memref_slice %arg13[%mul3A_19] : memref<10240xf32, #tpu.memory_space<vmem_shared>> -> memref<640xf32, #tpu.memory_space<vmem_shared>>
      tpu.wait_dma2 semaphore(%run_scoped3A_22 : memref<!tpu.dma_semaphore, #tpu.memory_space<semaphore_mem>>) src(%dma_wait3A_26 : memref<640xf32, #tpu.memory_space<vmem_shared>>) dst(%dma_wait3A_25 : memref<640xf32, #tpu.memory_space<hbm>>)
      tpu.yield
    }) : () -> ()
    return
  }
}

module attributes {stable_mosaic.version = 14 : i64} {
  func.func @_matmul_body(%arg0: i32, %arg1: memref<2000x128xf32, #tpu.memory_space<vmem>>, %arg2: memref<128x128xf32, #tpu.memory_space<vmem>>, %arg3: memref<128xf32, #tpu.memory_space<vmem>>, %arg4: memref<128x2xf32, #tpu.memory_space<vmem>>, %arg5: memref<2xf32, #tpu.memory_space<vmem>>, %arg6: memref<2000x128xbf16, #tpu.memory_space<vmem>>, %arg7: memref<2000x2xf32, #tpu.memory_space<vmem>>) attributes {dimension_semantics = [#tpu.dimension_semantics<arbitrary>], iteration_bounds = array<i64: 5>, scalar_prefetch = 0 : i64, scratch_operands = 0 : i64, tpu.core_type = #tpu.core_type<tc>, window_params = [{transform_indices = @transform_0, window_bounds = array<i64: 2000, 128>}, {pipeline_mode = #tpu.pipeline_mode<synchronous>, transform_indices = @transform_1, window_bounds = array<i64: 128, 128>}, {pipeline_mode = #tpu.pipeline_mode<synchronous>, transform_indices = @transform_2, window_bounds = array<i64: 128>}, {pipeline_mode = #tpu.pipeline_mode<synchronous>, transform_indices = @transform_3, window_bounds = array<i64: 128, 2>}, {pipeline_mode = #tpu.pipeline_mode<synchronous>, transform_indices = @transform_4, window_bounds = array<i64: 2>}, {transform_indices = @transform_5, window_bounds = array<i64: 2000, 128>}, {transform_indices = @transform_6, window_bounds = array<i64: 2000, 2>}]} {
    %get3A = arith.constant 0 : index
    %get3A_0 = arith.constant 0 : index
    %get3A_1 = vector.load %arg1[%get3A, %get3A_0] : memref<2000x128xf32, #tpu.memory_space<vmem>>, vector<2000x128xf32>
    %get3A_2 = arith.constant 0 : index
    %get3A_3 = arith.constant 0 : index
    %get3A_4 = vector.load %arg2[%get3A_2, %get3A_3] : memref<128x128xf32, #tpu.memory_space<vmem>>, vector<128x128xf32>
    %dot_general3A = arith.constant dense<0.000000e+00> : vector<2000x128xf32>
    %dot_general3A_5 = tpu.matmul %get3A_1, %get3A_4, %dot_general3A {dimension_numbers = #tpu.dot_dimension_numbers<[1], [0], [0], [1], [0, 0, 1, 1], [], []>, transpose_lhs_hint = false} : vector<2000x128xf32>, vector<128x128xf32>, vector<2000x128xf32> -> vector<2000x128xf32>
    %get3A_6 = arith.constant 0 : index
    %get3A_7 = vector.load %arg3[%get3A_6] : memref<128xf32, #tpu.memory_space<vmem>>, vector<128xf32>
    %broadcast_in_dim3A = vector.shape_cast %get3A_7 : vector<128xf32> to vector<1x128xf32>
    %add3A = vector.broadcast %broadcast_in_dim3A : vector<1x128xf32> to vector<2000x128xf32>
    %add3A_8 = arith.addf %dot_general3A_5, %add3A : vector<2000x128xf32>
    %convert_element_type3A = arith.truncf %add3A_8 : vector<2000x128xf32> to vector<2000x128xbf16>
    %swap3A = arith.constant 0 : index
    %swap3A_9 = arith.constant 0 : index
    %swap3A_10 = vector.load %arg6[%swap3A, %swap3A_9] : memref<2000x128xbf16, #tpu.memory_space<vmem>>, vector<2000x128xbf16>
    tpu.vector_store %arg6[%swap3A, %swap3A_9], %convert_element_type3A {strides = array<i32>} : memref<2000x128xbf16, #tpu.memory_space<vmem>>, vector<2000x128xbf16>,
    %get3A_11 = arith.constant 0 : index
    %get3A_12 = arith.constant 0 : index
    %get3A_13 = vector.load %arg4[%get3A_11, %get3A_12] : memref<128x2xf32, #tpu.memory_space<vmem>>, vector<128x2xf32>
    %dot_general3A_14 = arith.constant dense<0.000000e+00> : vector<2000x2xf32>
    %dot_general3A_15 = tpu.matmul %add3A_8, %get3A_13, %dot_general3A_14 {dimension_numbers = #tpu.dot_dimension_numbers<[1], [0], [0], [1], [0, 0, 1, 1], [], []>, transpose_lhs_hint = false} : vector<2000x128xf32>, vector<128x2xf32>, vector<2000x2xf32> -> vector<2000x2xf32>
    %get3A_16 = arith.constant 0 : index
    %get3A_17 = vector.load %arg5[%get3A_16] : memref<2xf32, #tpu.memory_space<vmem>>, vector<2xf32>
    %broadcast_in_dim3A_18 = vector.shape_cast %get3A_17 : vector<2xf32> to vector<1x2xf32>
    %add3A_19 = vector.broadcast %broadcast_in_dim3A_18 : vector<1x2xf32> to vector<2000x2xf32>
    %add3A_20 = arith.addf %dot_general3A_15, %add3A_19 : vector<2000x2xf32>
    %swap3A_21 = arith.constant 0 : index
    %swap3A_22 = arith.constant 0 : index
    %swap3A_23 = vector.load %arg7[%swap3A_21, %swap3A_22] : memref<2000x2xf32, #tpu.memory_space<vmem>>, vector<2000x2xf32>
    tpu.vector_store %arg7[%swap3A_21, %swap3A_22], %add3A_20 {strides = array<i32>} : memref<2000x2xf32, #tpu.memory_space<vmem>>, vector<2000x2xf32>,
    return
  }
  func.func @transform_0(%arg0: i32) -> (i32, i32) {
    %c0_i32 = arith.constant 0 : i32
    %c0_i32_0 = arith.constant 0 : i32
    return %arg0, %c0_i32 : i32, i32
  }
  func.func @transform_1(%arg0: i32) -> (i32, i32) {
    %c0_i32 = arith.constant 0 : i32
    %c0_i32_0 = arith.constant 0 : i32
    %c0_i32_1 = arith.constant 0 : i32
    return %c0_i32, %c0_i32_0 : i32, i32
  }
  func.func @transform_2(%arg0: i32) -> i32 {
    %c0_i32 = arith.constant 0 : i32
    %c0_i32_0 = arith.constant 0 : i32
    return %c0_i32 : i32
  }
  func.func @transform_3(%arg0: i32) -> (i32, i32) {
    %c0_i32 = arith.constant 0 : i32
    %c0_i32_0 = arith.constant 0 : i32
    %c0_i32_1 = arith.constant 0 : i32
    return %c0_i32, %c0_i32_0 : i32, i32
  }
  func.func @transform_4(%arg0: i32) -> i32 {
    %c0_i32 = arith.constant 0 : i32
    %c0_i32_0 = arith.constant 0 : i32
    return %c0_i32 : i32
  }
  func.func @transform_5(%arg0: i32) -> (i32, i32) {
    %c0_i32 = arith.constant 0 : i32
    %c0_i32_0 = arith.constant 0 : i32
    return %arg0, %c0_i32 : i32, i32
  }
  func.func @transform_6(%arg0: i32) -> (i32, i32) {
    %c0_i32 = arith.constant 0 : i32
    %c0_i32_0 = arith.constant 0 : i32
    return %arg0, %c0_i32 : i32, i32
  }
}

module attributes {stable_mosaic.version = 14 : i64} {
  func.func @_den_add_body(%arg0: memref<2x80x128xf32, #tpu.memory_space<vmem>>, %arg1: memref<80x128xf32, #tpu.memory_space<vmem>>) attributes {dimension_semantics = [], scalar_prefetch = 0 : i64, scratch_operands = 0 : i64, tpu.core_type = #tpu.core_type<tc>} {
    %get3A = arith.constant 0 : index
    %get3A_0 = arith.constant 0 : index
    %get3A_1 = arith.constant 0 : index
    %get3A_2 = vector.load %arg0[%get3A, %get3A_0, %get3A_1] : memref<2x80x128xf32, #tpu.memory_space<vmem>>, vector<1x80x128xf32>
    %get3A_3 = vector.shape_cast %get3A_2 : vector<1x80x128xf32> to vector<80x128xf32>
    %get3A_4 = arith.constant 1 : index
    %get3A_5 = arith.constant 0 : index
    %get3A_6 = arith.constant 0 : index
    %get3A_7 = vector.load %arg0[%get3A_4, %get3A_5, %get3A_6] : memref<2x80x128xf32, #tpu.memory_space<vmem>>, vector<1x80x128xf32>
    %get3A_8 = vector.shape_cast %get3A_7 : vector<1x80x128xf32> to vector<80x128xf32>
    %add3A = arith.addf %get3A_3, %get3A_8 : vector<80x128xf32>
    %swap3A = arith.constant 0 : index
    %swap3A_9 = arith.constant 0 : index
    %swap3A_10 = vector.load %arg1[%swap3A, %swap3A_9] : memref<80x128xf32, #tpu.memory_space<vmem>>, vector<80x128xf32>
    tpu.vector_store %arg1[%swap3A, %swap3A_9], %add3A {strides = array<i32>} : memref<80x128xf32, #tpu.memory_space<vmem>>, vector<80x128xf32>,
    return
  }
}

module attributes {stable_mosaic.version = 14 : i64} {
  func.func @_combine_body(%arg0: i32, %arg1: memref<2000x128xf32, #tpu.memory_space<vmem>>, %arg2: memref<2000x128xf32, #tpu.memory_space<vmem>>, %arg3: memref<2000x128xf32, #tpu.memory_space<vmem>>) attributes {dimension_semantics = [#tpu.dimension_semantics<arbitrary>], iteration_bounds = array<i64: 5>, scalar_prefetch = 0 : i64, scratch_operands = 0 : i64, tpu.core_type = #tpu.core_type<tc>, window_params = [{transform_indices = @transform_0, window_bounds = array<i64: 2000, 128>}, {transform_indices = @transform_1, window_bounds = array<i64: 2000, 128>}, {transform_indices = @transform_2, window_bounds = array<i64: 2000, 128>}]} {
    %get3A = arith.constant 0 : index
    %get3A_0 = arith.constant 0 : index
    %get3A_1 = vector.load %arg1[%get3A, %get3A_0] : memref<2000x128xf32, #tpu.memory_space<vmem>>, vector<2000x128xf32>
    %get3A_2 = arith.constant 0 : index
    %get3A_3 = arith.constant 0 : index
    %get3A_4 = vector.load %arg2[%get3A_2, %get3A_3] : memref<2000x128xf32, #tpu.memory_space<vmem>>, vector<2000x128xf32>
    %add3A = arith.addf %get3A_1, %get3A_4 : vector<2000x128xf32>
    %swap3A = arith.constant 0 : index
    %swap3A_5 = arith.constant 0 : index
    %swap3A_6 = vector.load %arg3[%swap3A, %swap3A_5] : memref<2000x128xf32, #tpu.memory_space<vmem>>, vector<2000x128xf32>
    tpu.vector_store %arg3[%swap3A, %swap3A_5], %add3A {strides = array<i32>} : memref<2000x128xf32, #tpu.memory_space<vmem>>, vector<2000x128xf32>,
    return
  }
  func.func @transform_0(%arg0: i32) -> (i32, i32) {
    %c0_i32 = arith.constant 0 : i32
    %c0_i32_0 = arith.constant 0 : i32
    return %arg0, %c0_i32 : i32, i32
  }
  func.func @transform_1(%arg0: i32) -> (i32, i32) {
    %c0_i32 = arith.constant 0 : i32
    %c0_i32_0 = arith.constant 0 : i32
    return %arg0, %c0_i32 : i32, i32
  }
  func.func @transform_2(%arg0: i32) -> (i32, i32) {
    %c0_i32 = arith.constant 0 : i32
    %c0_i32_0 = arith.constant 0 : i32
    return %arg0, %c0_i32 : i32, i32
  }
}

</mosaic_0001>

<sc_bundles>
// kernel: kernel.10.cloned.1.call-start
scs
__scs_entry_jumppad:
0x0: {  	(pc) =	sbr.rel $0x88, $3  }
0x1: {  	(tag) =	ssettag $0x0;
	lr =	simm.s32 $0x1  }
0x2: {  	[smem:$0x3F9B] =	sst lr;
	_ =	strace $0xD0000000  }
0x3: {  	_ = 	snop  }
0x4: {  	_ = 	snop  }
0x5: {  	_ = 	snop  }
0x6: {  	_ = 	snop  }
0x7: {  	_ = 	snop  }
__scs_overlays_trampoline_lowered:
0x8: {  	[smem:$0x3FAA] =	sst s0  }
0x9: {  	[smem:$0x3FAB] =	sst s1  }
0xa: {  	[smem:$0x3FAC] =	sst s2  }
0xb: {  	[smem:$0x3FAD] =	sst s3  }
0xc: {  	[smem:$0x3FAE] =	sst s4  }
0xd: {  	[smem:$0x3FAF] =	sst s5  }
0xe: {  	[smem:$0x3FB0] =	sst s6  }
0xf: {  	[smem:$0x3FB1] =	sst s7  }
0x10: {  	[smem:$0x3FB2] =	sst s8  }
0x11: {  	[smem:$0x3FB3] =	sst s9;
	s0 =	simm.s32 @!p0 $0x0  }
0x12: {  	s1 =	sld [smem:$0x3F99];
	s0 =	simm.s32 @p0 $0x1  }
0x13: {  	[smem:$0x3FB4] =	sst s0;
	s0 =	simm.s32 @!p1 $0x0  }
0x14: {  	s2 =	sld [smem:$0x3F98];
	s0 =	simm.s32 @p1 $0x1  }
0x15: {  	[smem:$0x3FB5] =	sst s0;
	s0 =	simm.s32 @!p2 $0x0  }
0x16: {  	s3 =	sld [smem:$0x3FDB];
	s0 =	simm.s32 @p2 $0x1  }
0x17: {  	s4 =	simm.s32 $0x1BF5;
	[smem:$0x3FB7] =	sst s0  }
0x18: {  	s0 =	sld [smem:$0x3F9A];
	_ =	swait.ge [sflag:s4], $0x0  }
0x19: {  	s7 =	sld [smem:$0x3F9B]  }
0x1a: {  	s8 =	sadd.s32 $0xFFFFE003, lr  }
0x1b: {  	s9 =	sadd.s32 $0xFFFFFEF7, lr;
	s5 =	simm.s32 $0xFFFFFFFF;
	p2 =	slt.u32 s8, $0xFFFFF086  }
0x1c: {  	p1 =	slt.u32 s9, $0xF7A;
	s5 =	simm.s32 @!p2 $0x0  }
0x1d: {  	s5 =	simm.s32 @p1 $0x1;
	p0 =	seq.s32 s7, s2  }
0x1e: {  	s7 =	smul.u32 @!p0 $0xF7A, s2;
	p2 =	seq.s32 @!p0 s5, $0x0  }
0x1f: {  	s9 =	smul.u32 $0xF7A, s1;
	s8 =	simm.s32 @!p0 $0x1BF5;
	p2 =	por !p2, p0  }
0x20: {  	[sflag:s8] =	ssyncset.s32 @!p0 $0xFFFFF086;
	s6 =	sadd.s32 @!p0 s3, s7;
	s7 =	simm.s32 @!p0 $0x108  }
0x21: {  	s3 =	sadd.s32 s3, s9;
	s6 =	sadd.s32 @!p0 $0x88, s6;
	s7 =	simm.s32 @p2 $0x1082  }
0x22: {  	[simem:s7], [sflag:s8] =	dma.local @!p0 [hbm:s6], $0xF7A  }
0x23: {  	s9 =	sor.u32 $0xD0000000, s2;
	s6 =	simm.s32 $0x108;
	_ =	swait.ge @!p0 [sflag:s8], $0x0  }
0x24: {  	s3 =	sadd.s32 $0x88, s3;
	s6 =	simm.s32 @!p1 $0x1082;
	[sflag:s4] =	ssyncset.s32 $0xFFFFF086  }
0x25: {  	[simem:s6], [sflag:s4] =	dma.local [hbm:s3], $0xF7A  }
0x26: {  	[smem:$0x3F9B] =	sst s1;
	(tag) =	ssettag s2;
	_ =	strace s9  }
0x27: {  	s1 =	sld [smem:$0x3FAB]  }
0x28: {  	s2 =	sld [smem:$0x3FAC]  }
0x29: {  	s4 =	sld [smem:$0x3FAE]  }
0x2a: {  	p0 =	seq.s32 s5, $0x0;
	s5 =	sld [smem:$0x3FAF]  }
0x2b: {  	s6 =	sld [smem:$0x3FB0]  }
0x2c: {  	s7 =	sld [smem:$0x3FB1]  }
0x2d: {  	s3 =	simm.s32 $0x108;
	s8 =	sld [smem:$0x3FB2]  }
0x2e: {  	s3 =	simm.s32 @!p0 $0x1082;
	s9 =	sld [smem:$0x3FB3]  }
0x2f: {  	lr =	sadd.s32 s0, s3;
	s0 =	sld [smem:$0x3FAA]  }
0x30: {  	s3 =	sld [smem:$0x3FAD]  }
0x31: {  	[smem:$0x3FB6] =	sst s10  }
0x32: {  	s10 =	sld [smem:$0x3FB4];
	_ =	sdelay $0x3  }
0x33: {  	p0 =	seq.s32 s10, $0x1;
	s10 =	sld [smem:$0x3FB6];
	_ =	sdelay $0x3  }
0x34: {  	[smem:$0x3FB6] =	sst s10  }
0x35: {  	s10 =	sld [smem:$0x3FB5];
	_ =	sdelay $0x3  }
0x36: {  	p1 =	seq.s32 s10, $0x1;
	s10 =	sld [smem:$0x3FB6];
	_ =	sdelay $0x3  }
0x37: {  	[smem:$0x3FB6] =	sst s10  }
0x38: {  	s10 =	sld [smem:$0x3FB7]  }
0x39: {  	_ = 	snop;
	(pc) =	sbr.ind lr, $3  }
0x3a: {  	_ = 	snop  }
0x3b: {  	_ = 	snop  }
0x3c: {  	p2 =	seq.s32 s10, $0x1;
	s10 =	sld [smem:$0x3FB6]  }
0x3d: {  	_ =	shalt  }
0x3e: {  	_ =	shalt  }
0x3f: {  	_ =	shalt  }
0x40: {  	_ =	shalt  }
0x41: {  	_ =	shalt  }
0x42: {  	_ =	shalt  }
0x43: {  	_ =	shalt  }
0x44: {  	_ =	shalt  }
0x45: {  	_ =	shalt  }
0x46: {  	_ =	shalt  }
0x47: {  	_ =	shalt  }
0x48: {  	_ =	shalt  }
0x49: {  	_ =	shalt  }
0x4a: {  	_ =	shalt  }
0x4b: {  	_ =	shalt  }
0x4c: {  	_ =	shalt  }
0x4d: {  	_ =	shalt  }
0x4e: {  	_ =	shalt  }
0x4f: {  	_ =	shalt  }
0x50: {  	_ =	shalt  }
0x51: {  	_ =	shalt  }
0x52: {  	_ =	shalt  }
0x53: {  	_ =	shalt  }
0x54: {  	_ =	shalt  }
0x55: {  	_ =	shalt  }
0x56: {  	_ =	shalt  }
0x57: {  	_ =	shalt  }
0x58: {  	_ =	shalt  }
0x59: {  	_ =	shalt  }
0x5a: {  	_ =	shalt  }
0x5b: {  	_ =	shalt  }
0x5c: {  	_ =	shalt  }
0x5d: {  	_ =	shalt  }
0x5e: {  	_ =	shalt  }
0x5f: {  	_ =	shalt  }
0x60: {  	_ =	shalt  }
0x61: {  	_ =	shalt  }
0x62: {  	_ =	shalt  }
0x63: {  	_ =	shalt  }
0x64: {  	_ =	shalt  }
0x65: {  	_ =	shalt  }
0x66: {  	_ =	shalt  }
0x67: {  	_ =	shalt  }
0x68: {  	_ =	shalt  }
0x69: {  	_ =	shalt  }
0x6a: {  	_ =	shalt  }
0x6b: {  	_ =	shalt  }
0x6c: {  	_ =	shalt  }
0x6d: {  	_ =	shalt  }
0x6e: {  	_ =	shalt  }
0x6f: {  	_ =	shalt  }
0x70: {  	_ =	shalt  }
0x71: {  	_ =	shalt  }
0x72: {  	_ =	shalt  }
0x73: {  	_ =	shalt  }
0x74: {  	_ =	shalt  }
0x75: {  	_ =	shalt  }
0x76: {  	_ =	shalt  }
0x77: {  	_ =	shalt  }
0x78: {  	_ =	shalt  }
0x79: {  	_ =	shalt  }
0x7a: {  	_ =	shalt  }
0x7b: {  	_ =	shalt  }
0x7c: {  	_ =	shalt  }
0x7d: {  	_ =	shalt  }
0x7e: {  	_ =	shalt  }
0x7f: {  	_ =	shalt  }
0x80: {  	_ =	shalt  }
0x81: {  	_ =	shalt  }
0x82: {  	_ =	shalt  }
0x83: {  	_ =	shalt  }
0x84: {  	_ =	shalt  }
0x85: {  	_ =	shalt  }
0x86: {  	_ =	shalt  }
0x87: {  	_ =	shalt  }
.Lfunc_end0:
.L_simem_size_0:
called_computation.1_lowered:
.L_overlay_start_0:
0x88: {  	s2 =	sld [smem:$0x3FD9]  }
0x89: {  	s3 =	sld [smem:$0x3FFE];
	_ =	sdelay $0x1  }
0x8a: {  	s1 =	srdreg.scid  }
0x8b: {  	s0 =	sand.u32 $0x1, s1  }
0x8c: {  	s17 =	sshll.u32 s0, $0xA;
	s2 =	sadd.s32 s3, s2  }
0x8d: {  	s2 =	sadd.s32 s2, s17  }
0x8e: {  	[smem:$0x3FC2] =	sst s2  }
0x8f: {  	_ = 	snop  }
0x90: {  	s2 =	sld [smem:$0x3FD0];
	(tm) =	ssettm $0x1  }
0x91: {  	s18 =	sld [smem:$0x3FFB];
	_ =	sdelay $0x3  }
0x92: {  	_ =	strace s18  }
0x93: {  	s3 =	sld [smem:$0x3FFC];
	_ =	sdelay $0x3  }
0x94: {  	_ =	strace s3  }
0x95: {  	s3 =	sld [smem:$0x3FFD];
	_ =	sdelay $0x3  }
0x96: {  	_ =	strace s3  }
0x97: {  	_ =	strace $0x8FFFFFFF  }
0x98: {  	s19 =	sld [smem:$0x3FDB];
	_ =	sdelay $0x1  }
0x99: {  	s4 =	simm.s32 $_scs_section_size  }
0x9a: {  	s5 =	simm.s32 $_size__tile_overlayer_lowered;
	s6 =	simm.s32 $_tile_overlayer_lowered  }
0x9b: {  	s22 =	simm.s32 $0x1BFF;
	s21 =	sshll.u32 s6, $0x1;
	s3 =	sadd.s32 s4, s19  }
0x9c: {  	s7 =	simm.s32 $0x0;
	s20 =	sshll.u32 s5, $0x1;
	s5 =	sadd.s32 s21, s3  }
0x9d: {  	[timem:s7], [sflag:s22] =	dma.local [hbm:s5], s20  }
0x9e: {  	_ =	swait.ge [sflag:s22], s20  }
0x9f: {  	s4 =	ssub.s32 $0x0, s20;
	[sflag:s22] =	ssyncset.done $0x0  }
0xa0: {  	[sflag:s22] =	ssyncadd.s32 s4;
	_ =	sdelay $0x1  }
0xa1: {  	s23 =	simm.s32 $0x1B8B  }
0xa2: {  	_ =	swait.ge [sflag:s23], $0x1  }
0xa3: {  	[sflag:s23] =	ssyncset.done $0x0  }
0xa4: {  	s25 =	simm.s32 $0x1B8E;
	s24 =	sld [smem:$0x3FFE];
	[sflag:s23] =	ssyncadd.s32 $0xFFFFFFFF  }
0xa5: {  	s26 =	simm.s32 $execute0_lowered;
	[smem:$0x3FD2] =	sst s25  }
0xa6: {  	s5 =	sshll.u32 s26, $0x1;
	_ =	strace $0x80000049;
	[dreg:$0x1] =	wrdreg $0xFFFFFFFF  }
0xa7: {  	s28 =	simm.s32 $_size_execute0_lowered;
	s3 =	sadd.s32 s3, s5;
	[dreg:$0x0] =	wrdreg $0x0  }
0xa8: {  	s5 =	sshll.u32 s28, $0x1;
	[dreg:$0x2] =	wrdreg s3  }
0xa9: {  	[dreg:$0x3] =	wrdreg s5  }
0xaa: {  	[dreg:$0x4] =	wrdreg $0xC0  }
0xab: {  	_ =	task [dreg:s7], $0x5FFFF  }
0xac: {  	[dreg:$0x1] =	wrdreg $0xFFFFFFFF  }
0xad: {  	[dreg:$0x0] =	wrdreg $0x60  }
0xae: {  	[dreg:$0x2] =	wrdreg s2  }
0xaf: {  	[dreg:$0x3] =	wrdreg s24  }
0xb0: {  	[dreg:$0x4] =	wrdreg $0x8A800  }
0xb1: {  	[dreg:$0x5] =	wrdreg $0x9  }
0xb2: {  	_ =	task.clear_ibuf [dreg:s7], $0x6FFFF;
	_ =	strace $0x90000049  }
0xb3: {  	s29 =	simm.s32 $0x9;
	_ =	strace $0x8000004B  }
0xb4: {  	_ =	swait.ge [sflag:s29], $0x1  }
0xb5: {  	[sflag:s29] =	ssyncadd.s32 $0xFFFFFFFF  }
0xb6: {  	_ =	strace $0x9000004B  }
0xb7: {  	_ =	sfence  }
0xb8: {  	s30 =	sld [smem:$0x0];
	_ =	sdelay $0x2  }
0xb9: {  	s31 =	sshll.u32 s1, $0xD;
	s1 =	sshrl.u32 s1, $0x2  }
0xba: {  	s3 =	sand.u32 $0x4000, s31;
	s1 =	sadd.s32 s1, s30  }
0xbb: {  	s0 =	sor.u32 s3, s0;
	s1 =	sshll.u32 s1, $0x11  }
0xbc: {  	s0 =	sor.u32 s1, s0  }
0xbd: {  	s0 =	sadd.s32 $0x8F2B, s0  }
0xbe: {  	[sflag:s0] =	ssyncadd.remote.s32 $0x1  }
0xbf: {  	_ =	sfence.sel $0xFFFF  }
0xc0: {  	[dreg:$0x0] =	wrdreg $0xFFFFFFFF;
	(pc) =	sbr.abs _section_cstart, $3  }
0xc1: {  	[dreg:$0x1] =	wrdreg $0xFFFFFFFF  }
0xc2: {  	_ =	task.clear_ibuf [dreg:s7], $0x2FFFF;
	_ =	strace $0x9FFFFFFF  }
0xc3: {  	(tm) =	ssettm $0x7FFFFFFF  }
tec
execute0_lowered:
.L_overlay_start_1:
0x0: {  	(tag) =	ssettag $0x1  }
0x1: {  	s1 =	rddreg [dreg:$0x0]  }
0x2: {  	s0 =	rddreg [dreg:$0x1]  }
0x3: {  	s2 =	rddreg [dreg:$0x2]  }
0x4: {  	s3 =	simm.s32 $0x0;
	s20 =	srdreg.scid;
	s11 =	stileid.u32  }
0x5: {  	s31 =	simm.s32 $0x280;
	s28 =	simm.s32 $0x6;
	s29 =	simm.s32 $0x1C0  }
0x6: {  	[smem:$0x7FF] =	sst s3;
	s5 =	sadd.s32 $0x16A00, s0;
	s8 =	smul.u32 $0x50000, s11  }
0x7: {  	s4 =	sadd.s32 $0x1600, s0;
	s10 =	sshll.u32 s11, $0x1;
	s11 =	smul.u32 $0x14000, s11  }
0x8: {  	_ =	strace $0x8000004A;
	[dreg:$0x4] =	wrdreg s4;
	s4 =	sand.u32 $0x1, s20  }
0x9: {  	s7 =	sadd.s32 $0x20A00, s0;
	s0 =	sadd.s32 $0x34A00, s0;
	s6 =	ssub.s32 $0x2, s4  }
0xa: {  	s21 =	sor.u32 s4, s10;
	s8 =	sshrl.u32 s8, $0x2;
	s17 =	sadd.s32 s11, s2  }
0xb: {  	s22 =	sadd.s32 $0x4000, s11;
	s25 =	sadd.s32 $0x8000, s11;
	s13 =	sadd.s32 $0xC000, s11  }
0xc: {  	s4 =	smul.u32 $0x140000, s4;
	s26 =	sadd.s32 $0x10000, s11;
	s9 =	sshrl.u32 s6, $0x1  }
0xd: {  	s8 =	sadd.s32 s8, s2;
	s20 =	sadd.s32 s22, s2;
	s15 =	smul.u32 $0x5000, s21  }
0xe: {  	s23 =	sadd.s32 s25, s2;
	s16 =	smul.u32 $0x2800, s21;
	[dreg:$0x5] =	wrdreg s17  }
0xf: {  	s6 =	ssub.s32 s6, s9;
	s12 =	sadd.s32 $0x2000, s8;
	[dreg:$0x7] =	wrdreg s20  }
0x10: {  	s24 =	sadd.s32 $0x6000, s8;
	s14 =	sadd.s32 $0xA000, s8;
	[dreg:$0x9] =	wrdreg s23  }
0x11: {  	s11 =	sadd.s32 s11, s4;
	s10 =	sadd.s32 s4, s22;
	[dreg:$0x6] =	wrdreg s12  }
0x12: {  	s19 =	sadd.s32 $0xE000, s8;
	s22 =	sadd.s32 $0x12000, s8;
	[dreg:$0x8] =	wrdreg s24  }
0x13: {  	[dreg:$0xa] =	wrdreg s14;
	s24 =	sadd.s32 s13, s2;
	s11 =	sshrl.u32 s11, $0x3  }
0x14: {  	s10 =	sshrl.u32 s10, $0x3;
	s12 =	sadd.s32 s4, s25;
	s13 =	sadd.s32 s4, s13  }
0x15: {  	s4 =	sadd.s32 s4, s26;
	[dreg:$0x11] =	wrdreg s19;
	s25 =	sadd.s32 s26, s2  }
0x16: {  	s21 =	sshrl.u32 s15, $0x3;
	[dreg:$0x13] =	wrdreg s22;
	s6 =	smax.u32 s6, $0x1  }
0x17: {  	s19 =	simm.s32 $0x4;
	s22 =	simm.s32 $0x180;
	[dreg:$0x16] =	wrdreg s6  }
0x18: {  	s30 =	sadd.s32 s0, s11;
	s11 =	sadd.s32 s0, s10;
	[dreg:$0xb] =	wrdreg s24  }
0x19: {  	s9 =	sshrl.u32 s12, $0x3;
	s10 =	sshrl.u32 s13, $0x3;
	[dreg:$0x12] =	wrdreg s25  }
0x1a: {  	s4 =	sshrl.u32 s4, $0x3;
	s26 =	sadd.s32 s1, s21;
	[dreg:$0xc] =	wrdreg s30  }
0x1b: {  	s6 =	simm.s32 $0x80;
	s13 =	simm.s32 $0x40;
	[dreg:$0xd] =	wrdreg s11  }
0x1c: {  	s21 =	simm.s32 $0x5;
	s9 =	sadd.s32 s0, s9;
	[dreg:$0x14] =	wrdreg s26  }
0x1d: {  	s18 =	sadd.s32 s0, s10;
	s0 =	sadd.s32 s0, s4;
	[dreg:$0xe] =	wrdreg s9  }
0x1e: {  	s30 =	sshrl.u32 s16, $0x3;
	s4 =	sadd.s32 $0x10, s26;
	[dreg:$0xf] =	wrdreg s18  }
0x1f: {  	s11 =	simm.s32 $0x3;
	s10 =	simm.s32 $0x0;
	[dreg:$0x10] =	wrdreg s0  }
0x20: {  	s0 =	sadd.s32 s5, s30;
	[dreg:$0x17] =	wrdreg s4;
	s4 =	simm.s32 $0x4A80  }
0x21: {  	s9 =	simm.s32 $0x1;
	[dreg:$0x15] =	wrdreg s0;
	s0 =	sadd.s32 $0x8, s0  }
0x22: {  	v0 =	vimm.f32 $0.0e+00;
	s18 =	simm.s32 $0x2;
	[dreg:$0x18] =	wrdreg s0;
	s0 =	simm.s32 $0x9  }
.LBB2_1:
0x23: {  	[dreg:$0x19] =	wrdreg s10  }
0x24: {  	s8 =	rddreg [dreg:$0x4]  }
0x25: {  	[tilespmem:s31], [sflag:$0x9] =	stream.linear.gather [hbm4b:s8+s3], $0x2800, $0x38;
	[tilespmem:$0x1CA80] =	vst v63  }
0x26: {  	s26 =	sand.u32 $0x7E00, s3;
	s30 =	sand.u32 $0x70, s3;
	_ =	swait.ge [sflag:s0], $0x2800  }
0x27: {  	s10 =	simm.s32 $0x0;
	s12 =	sshrl.u32 s26, $0x2;
	[sflag:s0] =	ssyncset.done $0x0  }
0x28: {  	s8 =	simm.s32 $0x40;
	s12 =	sor.u32 s30, s12;
	[sflag:s0] =	ssyncadd.s32 $0xFFFFD800  }
.LBB2_2:
0x29: {  	p0 =	sne.s32 s8, $0x7FC0  }
0x2a: {  	[tilespmem:s12+$0x4A80] =	vst v0;
	s10 =	sadd.s32 $0x10, s10;
	s12 =	smov.u32 s8;
	s8 =	sadd.s32 $0x40, s8  }
.Ltmp0:
0x2b: {  	(pc) =	sbr.rel @p0 .LBB2_2-.Ltmp0, $4  }
0x2c: {  	_ = 	snop  }
0x2d: {  	s12 =	sand.u32 $0x7E00, s12  }
0x2e: {  	s14 =	sand.u32 $0x70, s10;
	s12 =	sshrl.u32 s12, $0x2  }
0x2f: {  	s12 =	sor.u32 s14, s12  }
0x30: {  	[tilespmem:s12+$0x4A80] =	vst v0  }
0x31: {  	[spmem:s17] =	stream.linear.scatter [tilespmem:s4], [sflag:$0x9], $0x2000, $0x38;
	[tilespmem:$0x1CA80] =	vst v63  }
0x32: {  	_ =	swait.ge [sflag:s0], $0x2000  }
0x33: {  	[sflag:s0] =	ssyncset.done $0x0  }
0x34: {  	s8 =	rddreg [dreg:$0x6];
	[sflag:s0] =	ssyncadd.s32 $0xFFFFE000  }
0x35: {  	[spmem:s8] =	stream.linear.scatter [tilespmem:s4], [sflag:$0x9], $0x2000, $0x38;
	[tilespmem:$0x1CA80] =	vst v63  }
0x36: {  	_ =	swait.ge [sflag:s0], $0x2000  }
0x37: {  	[sflag:s0] =	ssyncset.done $0x0  }
0x38: {  	[sflag:s0] =	ssyncadd.s32 $0xFFFFE000  }
0x39: {  	[spmem:s20] =	stream.linear.scatter [tilespmem:s4], [sflag:$0x9], $0x2000, $0x38;
	[tilespmem:$0x1CA80] =	vst v63  }
0x3a: {  	_ =	swait.ge [sflag:s0], $0x2000  }
0x3b: {  	[sflag:s0] =	ssyncset.done $0x0  }
0x3c: {  	s12 =	rddreg [dreg:$0x8];
	[sflag:s0] =	ssyncadd.s32 $0xFFFFE000  }
0x3d: {  	[spmem:s12] =	stream.linear.scatter [tilespmem:s4], [sflag:$0x9], $0x2000, $0x38;
	[tilespmem:$0x1CA80] =	vst v63  }
0x3e: {  	_ =	swait.ge [sflag:s0], $0x2000  }
0x3f: {  	[sflag:s0] =	ssyncset.done $0x0  }
0x40: {  	[sflag:s0] =	ssyncadd.s32 $0xFFFFE000  }
0x41: {  	[spmem:s23] =	stream.linear.scatter [tilespmem:s4], [sflag:$0x9], $0x2000, $0x38;
	[tilespmem:$0x1CA80] =	vst v63  }
0x42: {  	_ =	swait.ge [sflag:s0], $0x2000  }
0x43: {  	[sflag:s0] =	ssyncset.done $0x0  }
0x44: {  	s14 =	rddreg [dreg:$0xa];
	[sflag:s0] =	ssyncadd.s32 $0xFFFFE000  }
0x45: {  	[spmem:s14] =	stream.linear.scatter [tilespmem:s4], [sflag:$0x9], $0x2000, $0x38;
	[tilespmem:$0x1CA80] =	vst v63  }
0x46: {  	_ =	swait.ge [sflag:s0], $0x2000  }
0x47: {  	[sflag:s0] =	ssyncset.done $0x0  }
0x48: {  	[sflag:s0] =	ssyncadd.s32 $0xFFFFE000  }
0x49: {  	[spmem:s24] =	stream.linear.scatter [tilespmem:s4], [sflag:$0x9], $0x2000, $0x38;
	[tilespmem:$0x1CA80] =	vst v63  }
0x4a: {  	_ =	swait.ge [sflag:s0], $0x2000  }
0x4b: {  	[sflag:s0] =	ssyncset.done $0x0  }
0x4c: {  	s17 =	rddreg [dreg:$0x11];
	[sflag:s0] =	ssyncadd.s32 $0xFFFFE000  }
0x4d: {  	[spmem:s17] =	stream.linear.scatter [tilespmem:s4], [sflag:$0x9], $0x2000, $0x38;
	[tilespmem:$0x1CA80] =	vst v63  }
0x4e: {  	_ =	swait.ge [sflag:s0], $0x2000  }
0x4f: {  	[sflag:s0] =	ssyncset.done $0x0  }
0x50: {  	[sflag:s0] =	ssyncadd.s32 $0xFFFFE000  }
0x51: {  	[spmem:s25] =	stream.linear.scatter [tilespmem:s4], [sflag:$0x9], $0x2000, $0x38;
	[tilespmem:$0x1CA80] =	vst v63  }
0x52: {  	_ =	swait.ge [sflag:s0], $0x2000  }
0x53: {  	[sflag:s0] =	ssyncset.done $0x0  }
0x54: {  	s20 =	rddreg [dreg:$0x13];
	[sflag:s0] =	ssyncadd.s32 $0xFFFFE000  }
0x55: {  	[spmem:s20] =	stream.linear.scatter [tilespmem:s4], [sflag:$0x9], $0x2000, $0x38;
	[tilespmem:$0x1CA80] =	vst v63  }
0x56: {  	_ =	swait.ge [sflag:s0], $0x2000  }
0x57: {  	[sflag:s0] =	ssyncset.done $0x0  }
0x58: {  	[sflag:s0] =	ssyncadd.s32 $0xFFFFE000  }
0x59: {  	[bflag:$0x0] =	sbarrier.arrive $0xFFFF  }
0x5a: {  	s8 =	simm.s32 $0x0;
	s10 =	rddreg [dreg:$0x14]  }
0x5b: {  	[tilespmem:s8], [sflag:$0x1] =	stream.linear.gather [hbm4b:s10+s8], $0x80, $0x38;
	[tilespmem:$0x1CA80] =	vst v63  }
0x5c: {  	s24 =	simm.s32 $0x100;
	s23 =	rddreg [dreg:$0x15]  }
0x5d: {  	[tilespmem:s24], [sflag:$0x3] =	stream.linear.gather [hbm4b:s23+s8], $0x40, $0x38;
	[tilespmem:$0x1CA80] =	vst v63  }
0x5e: {  	s25 =	rddreg [dreg:$0x17]  }
0x5f: {  	[tilespmem:s6], [sflag:$0x2] =	stream.linear.gather [hbm4b:s25+s8], $0x80, $0x38;
	[tilespmem:$0x1CA80] =	vst v63  }
0x60: {  	s30 =	simm.s32 $0x140;
	s26 =	rddreg [dreg:$0x18];
	s10 =	simm.s32 $0x0  }
0x61: {  	[tilespmem:s30], [sflag:$0x4] =	stream.linear.gather [hbm4b:s26+s8], $0x40, $0x38;
	[tilespmem:$0x1CA80] =	vst v63  }
.LBB2_4:
0x62: {  	_ =	swait.ge [sflag:s9], $0x80  }
0x63: {  	[sflag:s9] =	ssyncset.done $0x0  }
0x64: {  	[sflag:s9] =	ssyncadd.s32 $0xFFFFFF80  }
0x65: {  	_ =	swait.ge [sflag:s11], $0x40  }
0x66: {  	p0 =	seq.s32 s10, $0x0;
	[sflag:s11] =	ssyncset.done $0x0  }
0x67: {  	s12 =	simm.s32 @!p0 $0x7;
	[sflag:s11] =	ssyncadd.s32 $0xFFFFFFC0  }
0x68: {  	_ =	swait.ge @!p0 [sflag:s12], $0x2000  }
0x69: {  	[sflag:s12] =	ssyncset.done @!p0 $0x0  }
0x6a: {  	s24 =	simm.s32 $0x2A80;
	[sflag:s12] =	ssyncadd.s32 @!p0 $0xFFFFE000  }
0x6b: {  	[tilespmem:s24], [sflag:$0x5] =	stream.indirect.gather [hbm4b:s7+s13], $0x40, s3, s13, $0xb8;
	[tilespmem:$0x1CA80] =	vst v63  }
0x6c: {  	v1 =	vld [tilespmem:$0x40];
	_ =	sdelay $0x6  }
0x6d: {  	[tilespmem:$0x200] =	vst v1  }
0x6e: {  	v1 =	vld.idx.msk [tilespmem:v1+s31+$0x0], $0xffff;
	_ =	sdelay $0x4  }
0x6f: {  	v1 =	vmax.f32 v1, $9.999999350e-39  }
0x70: {  	(erf) = vrcp.f32 v1;
	_ =	sdelay $0x3  }
0x71: {  	v2 =	vld [tilespmem:$0x50]  }
0x72: {  	v1 =	vld [tilespmem:$0x100];
	_ =	sdelay $0x3  }
0x73: {  	v3 =	vpop (erf)  }
0x74: {  	v1 =	vmul.f32 v3, v1  }
0x75: {  	[tilespmem:$0x210] =	vst v2  }
0x76: {  	[tilespmem:$0x180] =	vst v1  }
0x77: {  	v1 =	vld.idx.msk [tilespmem:v2+s31+$0x0], $0xffff;
	_ =	sdelay $0x4  }
0x78: {  	v1 =	vmax.f32 v1, $9.999999350e-39  }
0x79: {  	(erf) = vrcp.f32 v1;
	_ =	sdelay $0x3  }
0x7a: {  	v2 =	vld [tilespmem:$0x60]  }
0x7b: {  	v1 =	vld [tilespmem:$0x110];
	_ =	sdelay $0x3  }
0x7c: {  	v3 =	vpop (erf)  }
0x7d: {  	v1 =	vmul.f32 v3, v1  }
0x7e: {  	[tilespmem:$0x220] =	vst v2  }
0x7f: {  	[tilespmem:$0x190] =	vst v1  }
0x80: {  	v1 =	vld.idx.msk [tilespmem:v2+s31+$0x0], $0xffff;
	_ =	sdelay $0x4  }
0x81: {  	v1 =	vmax.f32 v1, $9.999999350e-39  }
0x82: {  	(erf) = vrcp.f32 v1;
	_ =	sdelay $0x3  }
0x83: {  	v2 =	vld [tilespmem:$0x70]  }
0x84: {  	v1 =	vld [tilespmem:$0x120];
	_ =	sdelay $0x3  }
0x85: {  	v3 =	vpop (erf)  }
0x86: {  	v1 =	vmul.f32 v3, v1  }
0x87: {  	[tilespmem:$0x230] =	vst v2  }
0x88: {  	[tilespmem:$0x1A0] =	vst v1  }
0x89: {  	v1 =	vld.idx.msk [tilespmem:v2+s31+$0x0], $0xffff;
	_ =	sdelay $0x4  }
0x8a: {  	v1 =	vmax.f32 v1, $9.999999350e-39  }
0x8b: {  	(erf) = vrcp.f32 v1;
	_ =	sdelay $0x4  }
0x8c: {  	v1 =	vld [tilespmem:$0x130];
	_ =	sdelay $0x3  }
0x8d: {  	v2 =	vpop (erf)  }
0x8e: {  	v1 =	vmul.f32 v2, v1;
	_ =	sdelay $0x1  }
0x8f: {  	[tilespmem:$0x1B0] =	vst v1  }
0x90: {  	_ =	swait.ge [sflag:s18], $0x80  }
0x91: {  	[sflag:s18] =	ssyncset.done $0x0  }
0x92: {  	[sflag:s18] =	ssyncadd.s32 $0xFFFFFF80  }
0x93: {  	_ =	swait.ge [sflag:s19], $0x40  }
0x94: {  	[sflag:s19] =	ssyncset.done $0x0  }
0x95: {  	s12 =	simm.s32 @!p0 $0x8;
	[sflag:s19] =	ssyncadd.s32 $0xFFFFFFC0  }
0x96: {  	_ =	swait.ge @!p0 [sflag:s12], $0x2000  }
0x97: {  	[sflag:s12] =	ssyncset.done @!p0 $0x0  }
0x98: {  	s25 =	simm.s32 $0x3A80;
	[sflag:s12] =	ssyncadd.s32 @!p0 $0xFFFFE000  }
0x99: {  	[tilespmem:s25], [sflag:$0x6] =	stream.indirect.gather [hbm4b:s7+s13], $0x40, s6, s13, $0xb8;
	[tilespmem:$0x1CA80] =	vst v63  }
0x9a: {  	v1 =	vld [tilespmem:$0xC0];
	_ =	sdelay $0x6  }
0x9b: {  	[tilespmem:$0x240] =	vst v1  }
0x9c: {  	v1 =	vld.idx.msk [tilespmem:v1+s31+$0x0], $0xffff;
	_ =	sdelay $0x4  }
0x9d: {  	v1 =	vmax.f32 v1, $9.999999350e-39  }
0x9e: {  	(erf) = vrcp.f32 v1;
	_ =	sdelay $0x3  }
0x9f: {  	v2 =	vld [tilespmem:$0xD0]  }
0xa0: {  	v1 =	vld [tilespmem:$0x140];
	_ =	sdelay $0x3  }
0xa1: {  	v3 =	vpop (erf)  }
0xa2: {  	v1 =	vmul.f32 v3, v1  }
0xa3: {  	[tilespmem:$0x250] =	vst v2  }
0xa4: {  	[tilespmem:$0x1C0] =	vst v1  }
0xa5: {  	v1 =	vld.idx.msk [tilespmem:v2+s31+$0x0], $0xffff;
	_ =	sdelay $0x4  }
0xa6: {  	v1 =	vmax.f32 v1, $9.999999350e-39  }
0xa7: {  	(erf) = vrcp.f32 v1;
	_ =	sdelay $0x3  }
0xa8: {  	v2 =	vld [tilespmem:$0xE0]  }
0xa9: {  	v1 =	vld [tilespmem:$0x150];
	_ =	sdelay $0x3  }
0xaa: {  	v3 =	vpop (erf)  }
0xab: {  	v1 =	vmul.f32 v3, v1  }
0xac: {  	[tilespmem:$0x260] =	vst v2  }
0xad: {  	[tilespmem:$0x1D0] =	vst v1  }
0xae: {  	v1 =	vld.idx.msk [tilespmem:v2+s31+$0x0], $0xffff;
	_ =	sdelay $0x4  }
0xaf: {  	v1 =	vmax.f32 v1, $9.999999350e-39  }
0xb0: {  	(erf) = vrcp.f32 v1;
	_ =	sdelay $0x3  }
0xb1: {  	v2 =	vld [tilespmem:$0xF0]  }
0xb2: {  	v1 =	vld [tilespmem:$0x160];
	_ =	sdelay $0x3  }
0xb3: {  	v3 =	vpop (erf)  }
0xb4: {  	v1 =	vmul.f32 v3, v1  }
0xb5: {  	[tilespmem:$0x270] =	vst v2  }
0xb6: {  	[tilespmem:$0x1E0] =	vst v1  }
0xb7: {  	v1 =	vld.idx.msk [tilespmem:v2+s31+$0x0], $0xffff;
	_ =	sdelay $0x4  }
0xb8: {  	v1 =	vmax.f32 v1, $9.999999350e-39  }
0xb9: {  	(erf) = vrcp.f32 v1;
	_ =	sdelay $0x4  }
0xba: {  	v1 =	vld [tilespmem:$0x170];
	_ =	sdelay $0x3  }
0xbb: {  	v2 =	vpop (erf)  }
0xbc: {  	s12 =	sshll.u32 s10, $0x1;
	p0 =	seq.s32 s10, $0x4F;
	v1 =	vmul.f32 v2, v1  }
0xbd: {  	s14 =	sadd.s32 @!p0 $0x2, s12  }
0xbe: {  	s20 =	simm.s32 @!p0 $0x0;
	s17 =	sshll.u32 @!p0 s14, $0x7;
	[tilespmem:$0x1F0] =	vst v1  }
0xbf: {  	s14 =	sshll.u32 @!p0 s14, $0x6;
	s17 =	sadd.s32 @!p0 s15, s17;
	v1 =	vmov s8;
	_ =	swait.ge [sflag:s21], $0x1000  }
0xc0: {  	s14 =	sadd.s32 @!p0 s16, s14;
	s17 =	sshrl.u32 @!p0 s17, $0x3;
	v1 =	vand.u32 $0xFFFFFFFE, v1;
	[sflag:s21] =	ssyncset.done $0x0  }
0xc1: {  	s14 =	sshrl.u32 @!p0 s14, $0x3;
	s17 =	sadd.s32 @!p0 s1, s17;
	v1 =	vbroadcast v1, $0x0;
	[sflag:s21] =	ssyncadd.s32 $0xFFFFF000  }
0xc2: {  	[tilespmem:s20], [sflag:$0x1] =	stream.linear.gather @!p0 [hbm4b:s17+s20], $0x80, $0x38;
	[tilespmem:$0x1CA80] =	vst v63  }
0xc3: {  	s14 =	sadd.s32 @!p0 s5, s14;
	s17 =	simm.s32 @!p0 $0x100  }
0xc4: {  	[tilespmem:s17], [sflag:$0x3] =	stream.linear.gather @!p0 [hbm4b:s14+s20], $0x40, $0x38;
	[tilespmem:$0x1CA80] =	vst v63  }
0xc5: {  	s26 =	simm.s32 $0x1;
	s17 =	simm.s32 $0x2AC0  }
0xc6: {  	v2 =	vmov s26;
	v3 =	vld [tilespmem:s17+$0xFFFFFFC0]  }
0xc7: {  	v6 =	vld.idx.msk [tilespmem:v1+s22+$0x0], $0xffff;
	_ =	sdelay $0x2  }
0xc8: {  	v1 =	vld [tilespmem:s17+$0x0]  }
0xc9: {  	v4 =	vld.idx.msk [tilespmem:v2+s22+$0x0], $0xffff;
	v2 =	vshll.u32 v3, $0x10  }
0xca: {  	v3 =	vand.u32 $0xFFFF0000, v3;
	v2 =	vmul.f32 v2, v6  }
0xcb: {  	s26 =	simm.s32 $0x4B00;
	v3 =	vmul.f32 v3, v6  }
0xcc: {  	s20 =	simm.s32 $0x2;
	[tilespmem:s26+$0xFFFFFF80] =	vst v2  }
0xcd: {  	v5 =	vmov s20;
	v2 =	vshll.u32 v1, $0x10;
	[tilespmem:s26+$0xFFFFFF90] =	vst v3  }
0xce: {  	v1 =	vand.u32 $0xFFFF0000, v1;
	v3 =	vand.u32 $0xFFFFFFFE, v5;
	v2 =	vmul.f32 v2, v4;
	v5 =	vld [tilespmem:s17+$0xFFFFFFD0]  }
0xcf: {  	v1 =	vmul.f32 v1, v4;
	v3 =	vbroadcast v3, $0x0  }
0xd0: {  	[tilespmem:s26+$0x0] =	vst v2  }
0xd1: {  	s23 =	simm.s32 $0x3;
	[tilespmem:s26+$0x10] =	vst v1  }
0xd2: {  	v1 =	vmov s23;
	v7 =	vld [tilespmem:s17+$0x10]  }
0xd3: {  	s23 =	simm.s32 $0x2B40;
	v2 =	vshll.u32 v5, $0x10  }
0xd4: {  	v8 =	vld [tilespmem:s23+$0xFFFFFFC0];
	v5 =	vand.u32 $0xFFFF0000, v5;
	v9 =	vmul.f32 v2, v6  }
0xd5: {  	v2 =	vld.idx.msk [tilespmem:v3+s22+$0x0], $0xffff;
	v3 =	vmul.f32 v5, v6  }
0xd6: {  	v5 =	vld [tilespmem:s23+$0x0];
	[tilespmem:s26+$0xFFFFFFA0] =	vst v9  }
0xd7: {  	v1 =	vld.idx.msk [tilespmem:v1+s22+$0x0], $0xffff;
	v9 =	vshll.u32 v7, $0x10;
	[tilespmem:s26+$0xFFFFFFB0] =	vst v3  }
0xd8: {  	v3 =	vand.u32 $0xFFFF0000, v7;
	v7 =	vmul.f32 v9, v4;
	v9 =	vld [tilespmem:s17+$0xFFFFFFE0]  }
0xd9: {  	v10 =	vshll.u32 v8, $0x10;
	v3 =	vmul.f32 v3, v4  }
0xda: {  	[tilespmem:s26+$0x20] =	vst v7;
	v7 =	vand.u32 $0xFFFF0000, v8;
	v8 =	vmul.f32 v10, v2  }
0xdb: {  	s24 =	simm.s32 $0x4;
	s14 =	simm.s32 $0x4C00;
	[tilespmem:s26+$0x30] =	vst v3;
	v3 =	vshll.u32 v5, $0x10;
	v7 =	vmul.f32 v7, v2  }
0xdc: {  	v11 =	vmov s24;
	v5 =	vand.u32 $0xFFFF0000, v5;
	v10 =	vld [tilespmem:s17+$0x20];
	v3 =	vmul.f32 v3, v1;
	[tilespmem:s14+$0xFFFFFF80] =	vst v8  }
0xdd: {  	v5 =	vmul.f32 v5, v1;
	v8 =	vand.u32 $0xFFFFFFFE, v11;
	[tilespmem:s14+$0xFFFFFF90] =	vst v7;
	v7 =	vshll.u32 v9, $0x10  }
0xde: {  	v8 =	vbroadcast v8, $0x0;
	[tilespmem:s14+$0x0] =	vst v3;
	v3 =	vand.u32 $0xFFFF0000, v9;
	v11 =	vld [tilespmem:s23+$0xFFFFFFD0];
	v7 =	vmul.f32 v7, v6  }
0xdf: {  	[tilespmem:s14+$0x10] =	vst v5;
	v3 =	vmul.f32 v3, v6  }
0xe0: {  	s25 =	simm.s32 $0x5;
	v9 =	vld [tilespmem:s23+$0x10];
	[tilespmem:s26+$0xFFFFFFC0] =	vst v7  }
0xe1: {  	v5 =	vmov s25;
	v7 =	vshll.u32 v10, $0x10;
	[tilespmem:s26+$0xFFFFFFD0] =	vst v3  }
0xe2: {  	s24 =	simm.s32 $0x2BC0;
	v3 =	vand.u32 $0xFFFF0000, v10;
	v7 =	vmul.f32 v7, v4;
	v10 =	vld [tilespmem:s17+$0xFFFFFFF0]  }
0xe3: {  	v13 =	vld [tilespmem:s24+$0xFFFFFFC0];
	v12 =	vmul.f32 v3, v4;
	v14 =	vshll.u32 v11, $0x10  }
0xe4: {  	[tilespmem:s26+$0x40] =	vst v7;
	v3 =	vld.idx.msk [tilespmem:v8+s22+$0x0], $0xffff;
	v7 =	vand.u32 $0xFFFF0000, v11;
	v8 =	vmul.f32 v14, v2  }
0xe5: {  	[tilespmem:s26+$0x50] =	vst v12;
	v11 =	vld [tilespmem:s24+$0x0];
	v12 =	vshll.u32 v9, $0x10;
	v9 =	vand.u32 $0xFFFF0000, v9;
	v7 =	vmul.f32 v7, v2  }
0xe6: {  	v5 =	vld.idx.msk [tilespmem:v5+s22+$0x0], $0xffff;
	v9 =	vmul.f32 v9, v1;
	[tilespmem:s14+$0xFFFFFFA0] =	vst v8  }
0xe7: {  	v8 =	vmul.f32 v12, v1;
	v12 =	vld [tilespmem:s17+$0x30];
	[tilespmem:s14+$0xFFFFFFB0] =	vst v7;
	v7 =	vand.u32 $0xFFFF0000, v10  }
0xe8: {  	v10 =	vshll.u32 v10, $0x10;
	[tilespmem:s14+$0x30] =	vst v9;
	v14 =	vld [tilespmem:s23+$0xFFFFFFE0];
	v7 =	vmul.f32 v7, v6  }
0xe9: {  	v9 =	vand.u32 $0xFFFF0000, v13;
	[tilespmem:s14+$0x20] =	vst v8;
	v8 =	vmul.f32 v10, v6;
	v10 =	vshll.u32 v13, $0x10  }
0xea: {  	s25 =	simm.s32 $0x6;
	v13 =	vshll.u32 v11, $0x10;
	v10 =	vmul.f32 v10, v3;
	v15 =	vld [tilespmem:s23+$0x20];
	[tilespmem:s26+$0xFFFFFFF0] =	vst v7;
	v7 =	vmul.f32 v9, v3  }
0xeb: {  	s20 =	simm.s32 $0x7;
	s17 =	simm.s32 $0x4D00;
	v9 =	vand.u32 $0xFFFF0000, v11;
	v11 =	vmul.f32 v13, v5;
	v13 =	vmov s25;
	[tilespmem:s26+$0xFFFFFFE0] =	vst v8  }
0xec: {  	v6 =	vmov s20;
	v16 =	vmul.f32 v9, v5;
	v9 =	vand.u32 $0xFFFFFFFE, v13;
	[tilespmem:s17+$0xFFFFFF80] =	vst v10  }
0xed: {  	v8 =	vshll.u32 v12, $0x10;
	[tilespmem:s17+$0xFFFFFF90] =	vst v7;
	v10 =	vand.u32 $0xFFFF0000, v12;
	v7 =	vshll.u32 v14, $0x10  }
0xee: {  	v9 =	vbroadcast v9, $0x0;
	[tilespmem:s17+$0x0] =	vst v11;
	v11 =	vand.u32 $0xFFFF0000, v14;
	v13 =	vmul.f32 v7, v2;
	v7 =	vld [tilespmem:s24+$0xFFFFFFD0]  }
0xef: {  	s30 =	simm.s32 $0x8;
	s20 =	simm.s32 $0x2BC0;
	[tilespmem:s17+$0x10] =	vst v16;
	v14 =	vmul.f32 v11, v2;
	v12 =	vshll.u32 v15, $0x10;
	v11 =	vand.u32 $0xFFFF0000, v15  }
.LBB2_5:
0xf0: {  	p1 =	slt.u32 s30, $0x3E;
	v15 =	vld [tilespmem:s24+$0x10];
	[tilespmem:s14+$0xFFFFFFC0] =	vst v13;
	v12 =	vmul.f32 v12, v1;
	v11 =	vmul.f32 v11, v1  }
0xf1: {  	v8 =	vmul.f32 v8, v4;
	v10 =	vmul.f32 v10, v4;
	v4 =	vmov v1;
	v6 =	vld.idx.msk [tilespmem:v6+s22+$0x0], $0xffff;
	[tilespmem:s14+$0xFFFFFFD0] =	vst v14  }
0xf2: {  	s24 =	sadd.s32 $0x80, s24;
	v1 =	vmov v5;
	v13 =	vld [tilespmem:s23+$0xFFFFFFF0];
	[tilespmem:s14+$0x40] =	vst v12  }
0xf3: {  	v12 =	vld [tilespmem:s24+$0xFFFFFFC0];
	v5 =	vshll.u32 v7, $0x10;
	[tilespmem:s14+$0x50] =	vst v11  }
0xf4: {  	v7 =	vand.u32 $0xFFFF0000, v7;
	v9 =	vld.idx.msk [tilespmem:v9+s22+$0x0], $0xffff;
	v16 =	vmul.f32 v5, v3;
	[tilespmem:s26+$0x60] =	vst v8  }
0xf5: {  	v7 =	vmul.f32 v7, v3;
	v8 =	vld [tilespmem:s24+$0x0];
	v11 =	vshll.u32 v15, $0x10;
	v14 =	vand.u32 $0xFFFF0000, v15;
	[tilespmem:s26+$0x70] =	vst v10;
	s26 =	smov.u32 s14;
	s14 =	smov.u32 s17  }
0xf6: {  	[tilespmem:s17+$0xFFFFFFA0] =	vst v16;
	v10 =	vmul.f32 v11, v1;
	v11 =	vmul.f32 v14, v1;
	v14 =	vld [tilespmem:s23+$0x30];
	s23 =	smov.u32 s20;
	s20 =	smov.u32 s24  }
0xf7: {  	v5 =	vmov v6;
	[tilespmem:s17+$0xFFFFFFB0] =	vst v7;
	v7 =	vshll.u32 v13, $0x10;
	v13 =	vand.u32 $0xFFFF0000, v13  }
0xf8: {  	s25 =	sadd.s32 $0x1, s30;
	v15 =	vld [tilespmem:s23+$0xFFFFFFE0];
	[tilespmem:s17+$0x20] =	vst v10;
	v7 =	vmul.f32 v7, v2;
	v10 =	vmul.f32 v13, v2;
	v2 =	vmov v3  }
0xf9: {  	v6 =	vmov s25;
	v17 =	vshll.u32 v12, $0x10;
	[tilespmem:s17+$0x30] =	vst v11  }
0xfa: {  	v11 =	vand.u32 $0xFFFF0000, v12;
	v12 =	vmul.f32 v17, v9;
	v3 =	vmovc v9;
	v13 =	vshll.u32 v8, $0x10;
	v16 =	vld [tilespmem:s23+$0x20];
	[tilespmem:s26+$0xFFFFFFF0] =	vst v10  }
.Ltmp1:
0xfb: {  	s17 =	sadd.s32 $0x100, s17;
	v9 =	vmul.f32 v11, v3;
	v8 =	vand.u32 $0xFFFF0000, v8;
	v11 =	vmul.f32 v13, v5;
	[tilespmem:s26+$0xFFFFFFE0] =	vst v7;
	(pc) =	sbr.rel @p1 .LBB2_5-.Ltmp1, $4  }
0xfc: {  	v7 =	vmov s30;
	[tilespmem:s17+$0xFFFFFF80] =	vst v12;
	v12 =	vmul.f32 v8, v5;
	v8 =	vshll.u32 v14, $0x10  }
0xfd: {  	v10 =	vand.u32 $0xFFFF0000, v14;
	v7 =	vand.u32 $0xFFFFFFFE, v7;
	[tilespmem:s17+$0xFFFFFF90] =	vst v9;
	v13 =	vshll.u32 v15, $0x10  }
0xfe: {  	v9 =	vbroadcast v7, $0x0;
	v7 =	vld [tilespmem:s24+$0xFFFFFFD0];
	[tilespmem:s17+$0x0] =	vst v11;
	v11 =	vand.u32 $0xFFFF0000, v15;
	v13 =	vmul.f32 v13, v2  }
0xff: {  	s30 =	sadd.s32 $0x2, s30;
	[tilespmem:s17+$0x10] =	vst v12;
	v14 =	vmul.f32 v11, v2;
	v12 =	vshll.u32 v16, $0x10;
	v11 =	vand.u32 $0xFFFF0000, v16  }
0x100: {  	_ =	sdelay $0x1  }
0x101: {  	s30 =	sadd.s32 $0x80, s24  }
0x102: {  	v15 =	vld [tilespmem:s30+$0xFFFFFFC0]  }
0x103: {  	v9 =	vld.idx.msk [tilespmem:v9+s22+$0x0], $0xffff  }
0x104: {  	v16 =	vld [tilespmem:s30+$0x0]  }
0x105: {  	v6 =	vld.idx.msk [tilespmem:v6+s22+$0x0], $0xffff  }
0x106: {  	[tilespmem:s14+$0xFFFFFFC0] =	vst v13;
	v8 =	vmul.f32 v8, v4  }
0x107: {  	v4 =	vmul.f32 v10, v4;
	[tilespmem:s14+$0xFFFFFFD0] =	vst v14;
	v10 =	vshll.u32 v15, $0x10  }
0x108: {  	[tilespmem:s26+$0x60] =	vst v8;
	v8 =	vand.u32 $0xFFFF0000, v15;
	v10 =	vmul.f32 v10, v9  }
0x109: {  	s25 =	sadd.s32 $0x100, s17;
	[tilespmem:s26+$0x70] =	vst v4;
	v4 =	vshll.u32 v16, $0x10;
	v8 =	vmul.f32 v8, v9  }
0x10a: {  	v13 =	vld [tilespmem:s24+$0x10];
	v14 =	vand.u32 $0xFFFF0000, v16;
	v4 =	vmul.f32 v4, v6;
	[tilespmem:s25+$0xFFFFFF80] =	vst v10  }
0x10b: {  	v10 =	vmul.f32 v14, v6;
	[tilespmem:s25+$0xFFFFFF90] =	vst v8  }
0x10c: {  	v8 =	vmul.f32 v12, v1;
	[tilespmem:s25+$0x0] =	vst v4;
	v12 =	vld [tilespmem:s30+$0xFFFFFFD0]  }
0x10d: {  	v4 =	vmul.f32 v11, v1;
	v11 =	vshll.u32 v7, $0x10;
	[tilespmem:s25+$0x10] =	vst v10  }
0x10e: {  	v7 =	vand.u32 $0xFFFF0000, v7;
	[tilespmem:s14+$0x40] =	vst v8;
	v8 =	vmul.f32 v11, v3;
	v10 =	vld [tilespmem:s30+$0x10]  }
0x10f: {  	[tilespmem:s14+$0x50] =	vst v4;
	v4 =	vmul.f32 v7, v3;
	v7 =	vshll.u32 v13, $0x10  }
0x110: {  	v11 =	vld [tilespmem:s23+$0xFFFFFFF0];
	v13 =	vand.u32 $0xFFFF0000, v13;
	v7 =	vmul.f32 v7, v5;
	[tilespmem:s17+$0xFFFFFFA0] =	vst v8  }
0x111: {  	v8 =	vmul.f32 v13, v5;
	[tilespmem:s17+$0xFFFFFFB0] =	vst v4;
	v4 =	vshll.u32 v12, $0x10  }
0x112: {  	v13 =	vld [tilespmem:s20+$0xFFFFFFE0];
	[tilespmem:s17+$0x20] =	vst v7;
	v7 =	vand.u32 $0xFFFF0000, v12;
	v4 =	vmul.f32 v4, v9  }
0x113: {  	[tilespmem:s17+$0x30] =	vst v8;
	v7 =	vmul.f32 v7, v9;
	v8 =	vshll.u32 v10, $0x10  }
0x114: {  	v12 =	vld [tilespmem:s20+$0x20];
	v10 =	vand.u32 $0xFFFF0000, v10;
	[tilespmem:s25+$0xFFFFFFA0] =	vst v4;
	v4 =	vmul.f32 v8, v6  }
0x115: {  	v8 =	vand.u32 $0xFFFF0000, v11;
	v10 =	vmul.f32 v10, v6;
	[tilespmem:s25+$0xFFFFFFB0] =	vst v7  }
0x116: {  	v7 =	vshll.u32 v11, $0x10;
	v8 =	vmul.f32 v8, v2;
	v11 =	vld [tilespmem:s30+$0xFFFFFFE0];
	[tilespmem:s25+$0x20] =	vst v4  }
0x117: {  	v2 =	vmul.f32 v7, v2;
	v4 =	vshll.u32 v13, $0x10;
	[tilespmem:s25+$0x30] =	vst v10  }
0x118: {  	v7 =	vand.u32 $0xFFFF0000, v13;
	[tilespmem:s14+$0xFFFFFFF0] =	vst v8;
	v4 =	vmul.f32 v4, v3;
	v8 =	vld [tilespmem:s30+$0x20]  }
0x119: {  	[tilespmem:s14+$0xFFFFFFE0] =	vst v2;
	v2 =	vmul.f32 v7, v3;
	v7 =	vshll.u32 v12, $0x10  }
0x11a: {  	v10 =	vld [tilespmem:s23+$0x30];
	v12 =	vand.u32 $0xFFFF0000, v12;
	[tilespmem:s17+$0xFFFFFFC0] =	vst v4;
	v4 =	vmul.f32 v7, v5  }
0x11b: {  	v7 =	vmul.f32 v12, v5;
	[tilespmem:s17+$0xFFFFFFD0] =	vst v2;
	v2 =	vshll.u32 v11, $0x10  }
0x11c: {  	v12 =	vld [tilespmem:s20+$0xFFFFFFF0];
	[tilespmem:s17+$0x40] =	vst v4;
	v4 =	vand.u32 $0xFFFF0000, v11;
	v2 =	vmul.f32 v2, v9  }
0x11d: {  	[tilespmem:s17+$0x50] =	vst v7;
	v4 =	vmul.f32 v4, v9;
	v7 =	vshll.u32 v8, $0x10  }
0x11e: {  	v11 =	vld [tilespmem:s20+$0x30];
	v8 =	vand.u32 $0xFFFF0000, v8;
	[tilespmem:s25+$0xFFFFFFC0] =	vst v2;
	v2 =	vmul.f32 v7, v6  }
0x11f: {  	v7 =	vshll.u32 v10, $0x10;
	v8 =	vmul.f32 v8, v6;
	[tilespmem:s25+$0xFFFFFFD0] =	vst v4  }
0x120: {  	v4 =	vand.u32 $0xFFFF0000, v10;
	v7 =	vmul.f32 v7, v1;
	v10 =	vld [tilespmem:s30+$0xFFFFFFF0];
	[tilespmem:s25+$0x40] =	vst v2  }
0x121: {  	v1 =	vmul.f32 v4, v1;
	v2 =	vand.u32 $0xFFFF0000, v12;
	[tilespmem:s25+$0x50] =	vst v8  }
0x122: {  	v4 =	vshll.u32 v12, $0x10;
	[tilespmem:s14+$0x60] =	vst v7;
	v2 =	vmul.f32 v2, v3;
	v7 =	vld [tilespmem:s30+$0x30]  }
0x123: {  	[tilespmem:s14+$0x70] =	vst v1;
	v1 =	vmul.f32 v4, v3;
	v3 =	vshll.u32 v11, $0x10  }
0x124: {  	[tilespmem:s17+$0xFFFFFFF0] =	vst v2;
	v2 =	vand.u32 $0xFFFF0000, v11;
	v3 =	vmul.f32 v3, v5  }
0x125: {  	[tilespmem:s17+$0xFFFFFFE0] =	vst v1;
	v1 =	vmul.f32 v2, v5;
	v2 =	vand.u32 $0xFFFF0000, v10  }
0x126: {  	[tilespmem:s17+$0x60] =	vst v3;
	v3 =	vshll.u32 v10, $0x10;
	v2 =	vmul.f32 v2, v9  }
0x127: {  	[tilespmem:s17+$0x70] =	vst v1;
	v1 =	vmul.f32 v3, v9;
	v3 =	vshll.u32 v7, $0x10  }
0x128: {  	v3 =	vmul.f32 v3, v6;
	[tilespmem:s25+$0xFFFFFFF0] =	vst v2;
	v2 =	vand.u32 $0xFFFF0000, v7  }
0x129: {  	s24 =	simm.s32 $0x200;
	[tilespmem:s25+$0xFFFFFFE0] =	vst v1;
	v1 =	vmul.f32 v2, v6  }
0x12a: {  	s12 =	sadd.s32 @!p0 $0x3, s12;
	s26 =	simm.s32 $0x3AC0;
	s20 =	simm.s32 @!p0 $0x80;
	[tilespmem:s25+$0x60] =	vst v3  }
0x12b: {  	s14 =	sshll.u32 @!p0 s12, $0x7;
	s12 =	sshll.u32 @!p0 s12, $0x6;
	[tilespmem:s25+$0x70] =	vst v1;
	s25 =	simm.s32 $0x0  }
0x12c: {  	[spmem:s2] =	stream.indirect.scatter.add.f32 [tilespmem:s4], [sflag:$0x7], $0x80, s24, s13, $0xb8;
	v1 =	vmov s25;
	[tilespmem:$0x1CA80] =	vst v63  }
0x12d: {  	s14 =	sadd.s32 @!p0 s15, s14;
	s12 =	sadd.s32 @!p0 s16, s12;
	_ =	swait.ge [sflag:s28], $0x1000;
	v1 =	vand.u32 $0xFFFFFFFE, v1  }
0x12e: {  	s14 =	sshrl.u32 @!p0 s14, $0x3;
	s12 =	sshrl.u32 @!p0 s12, $0x3;
	[sflag:s28] =	ssyncset.done $0x0;
	v1 =	vbroadcast v1, $0x0  }
0x12f: {  	s14 =	sadd.s32 @!p0 s1, s14;
	s17 =	simm.s32 @!p0 $0x0;
	[sflag:s28] =	ssyncadd.s32 $0xFFFFF000  }
0x130: {  	[tilespmem:s20], [sflag:$0x2] =	stream.linear.gather @!p0 [hbm4b:s14+s17], $0x80, $0x38;
	[tilespmem:$0x1CA80] =	vst v63  }
0x131: {  	s30 =	simm.s32 $0x1;
	s12 =	sadd.s32 @!p0 s5, s12;
	s14 =	simm.s32 @!p0 $0x140  }
0x132: {  	[tilespmem:s14], [sflag:$0x4] =	stream.linear.gather @!p0 [hbm4b:s12+s17], $0x40, $0x38;
	[tilespmem:$0x1CA80] =	vst v63  }
0x133: {  	v2 =	vmov s30;
	v3 =	vld [tilespmem:s26+$0xFFFFFFC0]  }
0x134: {  	v6 =	vld.idx.msk [tilespmem:v1+s29+$0x0], $0xffff;
	_ =	sdelay $0x2  }
0x135: {  	v1 =	vld [tilespmem:s26+$0x0]  }
0x136: {  	v4 =	vld.idx.msk [tilespmem:v2+s29+$0x0], $0xffff;
	v2 =	vshll.u32 v3, $0x10  }
0x137: {  	v3 =	vand.u32 $0xFFFF0000, v3;
	v2 =	vmul.f32 v2, v6  }
0x138: {  	s23 =	simm.s32 $0x6B00;
	v3 =	vmul.f32 v3, v6  }
0x139: {  	s14 =	simm.s32 $0x2;
	[tilespmem:s23+$0xFFFFFF80] =	vst v2  }
0x13a: {  	v5 =	vmov s14;
	v2 =	vshll.u32 v1, $0x10;
	[tilespmem:s23+$0xFFFFFF90] =	vst v3  }
0x13b: {  	v1 =	vand.u32 $0xFFFF0000, v1;
	v3 =	vand.u32 $0xFFFFFFFE, v5;
	v2 =	vmul.f32 v2, v4;
	v5 =	vld [tilespmem:s26+$0xFFFFFFD0]  }
0x13c: {  	v1 =	vmul.f32 v1, v4;
	v3 =	vbroadcast v3, $0x0  }
0x13d: {  	[tilespmem:s23+$0x0] =	vst v2  }
0x13e: {  	s20 =	simm.s32 $0x3;
	[tilespmem:s23+$0x10] =	vst v1  }
0x13f: {  	v1 =	vmov s20;
	v7 =	vld [tilespmem:s26+$0x10]  }
0x140: {  	s14 =	simm.s32 $0x3B40;
	v2 =	vshll.u32 v5, $0x10  }
0x141: {  	v8 =	vld [tilespmem:s14+$0xFFFFFFC0];
	v5 =	vand.u32 $0xFFFF0000, v5;
	v9 =	vmul.f32 v2, v6  }
0x142: {  	v2 =	vld.idx.msk [tilespmem:v3+s29+$0x0], $0xffff;
	v3 =	vmul.f32 v5, v6  }
0x143: {  	v5 =	vld [tilespmem:s14+$0x0];
	[tilespmem:s23+$0xFFFFFFA0] =	vst v9  }
0x144: {  	v1 =	vld.idx.msk [tilespmem:v1+s29+$0x0], $0xffff;
	v9 =	vshll.u32 v7, $0x10;
	[tilespmem:s23+$0xFFFFFFB0] =	vst v3  }
0x145: {  	v3 =	vand.u32 $0xFFFF0000, v7;
	v7 =	vmul.f32 v9, v4;
	v9 =	vld [tilespmem:s26+$0xFFFFFFE0]  }
0x146: {  	v10 =	vshll.u32 v8, $0x10;
	v3 =	vmul.f32 v3, v4  }
0x147: {  	[tilespmem:s23+$0x20] =	vst v7;
	v7 =	vand.u32 $0xFFFF0000, v8;
	v8 =	vmul.f32 v10, v2  }
0x148: {  	s24 =	simm.s32 $0x4;
	s12 =	simm.s32 $0x6C00;
	[tilespmem:s23+$0x30] =	vst v3;
	v3 =	vshll.u32 v5, $0x10;
	v7 =	vmul.f32 v7, v2  }
0x149: {  	v11 =	vmov s24;
	v5 =	vand.u32 $0xFFFF0000, v5;
	v10 =	vld [tilespmem:s26+$0x20];
	v3 =	vmul.f32 v3, v1;
	[tilespmem:s12+$0xFFFFFF80] =	vst v8  }
0x14a: {  	v5 =	vmul.f32 v5, v1;
	v8 =	vand.u32 $0xFFFFFFFE, v11;
	[tilespmem:s12+$0xFFFFFF90] =	vst v7;
	v7 =	vshll.u32 v9, $0x10  }
0x14b: {  	v8 =	vbroadcast v8, $0x0;
	[tilespmem:s12+$0x0] =	vst v3;
	v3 =	vand.u32 $0xFFFF0000, v9;
	v11 =	vld [tilespmem:s14+$0xFFFFFFD0];
	v7 =	vmul.f32 v7, v6  }
0x14c: {  	[tilespmem:s12+$0x10] =	vst v5;
	v3 =	vmul.f32 v3, v6  }
0x14d: {  	s25 =	simm.s32 $0x5;
	v9 =	vld [tilespmem:s14+$0x10];
	[tilespmem:s23+$0xFFFFFFC0] =	vst v7  }
0x14e: {  	v5 =	vmov s25;
	v7 =	vshll.u32 v10, $0x10;
	[tilespmem:s23+$0xFFFFFFD0] =	vst v3  }
0x14f: {  	s24 =	simm.s32 $0x3BC0;
	v3 =	vand.u32 $0xFFFF0000, v10;
	v7 =	vmul.f32 v7, v4;
	v10 =	vld [tilespmem:s26+$0xFFFFFFF0]  }
0x150: {  	v13 =	vld [tilespmem:s24+$0xFFFFFFC0];
	v12 =	vmul.f32 v3, v4;
	v14 =	vshll.u32 v11, $0x10  }
0x151: {  	[tilespmem:s23+$0x40] =	vst v7;
	v3 =	vld.idx.msk [tilespmem:v8+s29+$0x0], $0xffff;
	v7 =	vand.u32 $0xFFFF0000, v11;
	v8 =	vmul.f32 v14, v2  }
0x152: {  	[tilespmem:s23+$0x50] =	vst v12;
	v11 =	vld [tilespmem:s24+$0x0];
	v12 =	vshll.u32 v9, $0x10;
	v9 =	vand.u32 $0xFFFF0000, v9;
	v7 =	vmul.f32 v7, v2  }
0x153: {  	v5 =	vld.idx.msk [tilespmem:v5+s29+$0x0], $0xffff;
	v9 =	vmul.f32 v9, v1;
	[tilespmem:s12+$0xFFFFFFA0] =	vst v8  }
0x154: {  	v8 =	vmul.f32 v12, v1;
	v12 =	vld [tilespmem:s26+$0x30];
	[tilespmem:s12+$0xFFFFFFB0] =	vst v7;
	v7 =	vand.u32 $0xFFFF0000, v10  }
0x155: {  	v10 =	vshll.u32 v10, $0x10;
	[tilespmem:s12+$0x30] =	vst v9;
	v14 =	vld [tilespmem:s14+$0xFFFFFFE0];
	v7 =	vmul.f32 v7, v6  }
0x156: {  	v9 =	vand.u32 $0xFFFF0000, v13;
	[tilespmem:s12+$0x20] =	vst v8;
	v8 =	vmul.f32 v10, v6;
	v10 =	vshll.u32 v13, $0x10  }
0x157: {  	s30 =	simm.s32 $0x6;
	v13 =	vshll.u32 v11, $0x10;
	v10 =	vmul.f32 v10, v3;
	v15 =	vld [tilespmem:s14+$0x20];
	[tilespmem:s23+$0xFFFFFFF0] =	vst v7;
	v7 =	vmul.f32 v9, v3  }
0x158: {  	s17 =	simm.s32 $0x6D00;
	s26 =	simm.s32 $0x7;
	v9 =	vand.u32 $0xFFFF0000, v11;
	v11 =	vmul.f32 v13, v5;
	v13 =	vmov s30;
	[tilespmem:s23+$0xFFFFFFE0] =	vst v8  }
0x159: {  	v6 =	vmov s26;
	v63 =	vmul.f32 v9, v5;
	v9 =	vand.u32 $0xFFFFFFFE, v13;
	[tilespmem:s17+$0xFFFFFF80] =	vst v10  }
0x15a: {  	v8 =	vshll.u32 v12, $0x10;
	[tilespmem:s17+$0xFFFFFF90] =	vst v7;
	v10 =	vand.u32 $0xFFFF0000, v12;
	v7 =	vshll.u32 v14, $0x10  }
0x15b: {  	v9 =	vbroadcast v9, $0x0;
	[tilespmem:s17+$0x0] =	vst v11;
	v11 =	vand.u32 $0xFFFF0000, v14;
	v13 =	vmul.f32 v7, v2;
	v7 =	vld [tilespmem:s24+$0xFFFFFFD0]  }
0x15c: {  	s20 =	simm.s32 $0x3BC0;
	s26 =	simm.s32 $0x8;
	[tilespmem:s17+$0x10] =	vst v63;
	v14 =	vmul.f32 v11, v2;
	v12 =	vshll.u32 v15, $0x10;
	v11 =	vand.u32 $0xFFFF0000, v15  }
.LBB2_7:
0x15d: {  	p0 =	slt.u32 s26, $0x3E;
	v15 =	vld [tilespmem:s24+$0x10];
	[tilespmem:s12+$0xFFFFFFC0] =	vst v13;
	v12 =	vmul.f32 v12, v1;
	v11 =	vmul.f32 v11, v1  }
0x15e: {  	v8 =	vmul.f32 v8, v4;
	v10 =	vmul.f32 v10, v4;
	v4 =	vmov v1;
	v6 =	vld.idx.msk [tilespmem:v6+s29+$0x0], $0xffff;
	[tilespmem:s12+$0xFFFFFFD0] =	vst v14  }
0x15f: {  	s24 =	sadd.s32 $0x80, s24;
	v1 =	vmov v5;
	v13 =	vld [tilespmem:s14+$0xFFFFFFF0];
	[tilespmem:s12+$0x40] =	vst v12  }
0x160: {  	v12 =	vld [tilespmem:s24+$0xFFFFFFC0];
	v5 =	vshll.u32 v7, $0x10;
	[tilespmem:s12+$0x50] =	vst v11  }
0x161: {  	v7 =	vand.u32 $0xFFFF0000, v7;
	v9 =	vld.idx.msk [tilespmem:v9+s29+$0x0], $0xffff;
	v16 =	vmul.f32 v5, v3;
	[tilespmem:s23+$0x60] =	vst v8  }
0x162: {  	v7 =	vmul.f32 v7, v3;
	v8 =	vld [tilespmem:s24+$0x0];
	v11 =	vshll.u32 v15, $0x10;
	v14 =	vand.u32 $0xFFFF0000, v15;
	[tilespmem:s23+$0x70] =	vst v10;
	s23 =	smov.u32 s12;
	s12 =	smov.u32 s17  }
0x163: {  	[tilespmem:s17+$0xFFFFFFA0] =	vst v16;
	v10 =	vmul.f32 v11, v1;
	v11 =	vmul.f32 v14, v1;
	v14 =	vld [tilespmem:s14+$0x30];
	s14 =	smov.u32 s20;
	s20 =	smov.u32 s24  }
0x164: {  	v5 =	vmov v6;
	[tilespmem:s17+$0xFFFFFFB0] =	vst v7;
	v7 =	vshll.u32 v13, $0x10;
	v13 =	vand.u32 $0xFFFF0000, v13  }
0x165: {  	s25 =	sadd.s32 $0x1, s26;
	v15 =	vld [tilespmem:s14+$0xFFFFFFE0];
	[tilespmem:s17+$0x20] =	vst v10;
	v7 =	vmul.f32 v7, v2;
	v10 =	vmul.f32 v13, v2;
	v2 =	vmov v3  }
0x166: {  	v6 =	vmov s25;
	v17 =	vshll.u32 v12, $0x10;
	[tilespmem:s17+$0x30] =	vst v11  }
0x167: {  	v11 =	vand.u32 $0xFFFF0000, v12;
	v12 =	vmul.f32 v17, v9;
	v3 =	vmovc v9;
	v13 =	vshll.u32 v8, $0x10;
	v16 =	vld [tilespmem:s14+$0x20];
	[tilespmem:s23+$0xFFFFFFF0] =	vst v10  }
.Ltmp2:
0x168: {  	s17 =	sadd.s32 $0x100, s17;
	v9 =	vmul.f32 v11, v3;
	v8 =	vand.u32 $0xFFFF0000, v8;
	v11 =	vmul.f32 v13, v5;
	[tilespmem:s23+$0xFFFFFFE0] =	vst v7;
	(pc) =	sbr.rel @p0 .LBB2_7-.Ltmp2, $4  }
0x169: {  	v7 =	vmov s26;
	[tilespmem:s17+$0xFFFFFF80] =	vst v12;
	v12 =	vmul.f32 v8, v5;
	v8 =	vshll.u32 v14, $0x10  }
0x16a: {  	v10 =	vand.u32 $0xFFFF0000, v14;
	v7 =	vand.u32 $0xFFFFFFFE, v7;
	[tilespmem:s17+$0xFFFFFF90] =	vst v9;
	v13 =	vshll.u32 v15, $0x10  }
0x16b: {  	v9 =	vbroadcast v7, $0x0;
	v7 =	vld [tilespmem:s24+$0xFFFFFFD0];
	[tilespmem:s17+$0x0] =	vst v11;
	v11 =	vand.u32 $0xFFFF0000, v15;
	v13 =	vmul.f32 v13, v2  }
0x16c: {  	s26 =	sadd.s32 $0x2, s26;
	[tilespmem:s17+$0x10] =	vst v12;
	v14 =	vmul.f32 v11, v2;
	v12 =	vshll.u32 v16, $0x10;
	v11 =	vand.u32 $0xFFFF0000, v16  }
0x16d: {  	_ =	sdelay $0x1  }
0x16e: {  	s26 =	sadd.s32 $0x80, s24  }
0x16f: {  	v15 =	vld [tilespmem:s26+$0xFFFFFFC0]  }
0x170: {  	v9 =	vld.idx.msk [tilespmem:v9+s29+$0x0], $0xffff  }
0x171: {  	v16 =	vld [tilespmem:s26+$0x0]  }
0x172: {  	v6 =	vld.idx.msk [tilespmem:v6+s29+$0x0], $0xffff  }
0x173: {  	[tilespmem:s12+$0xFFFFFFC0] =	vst v13;
	v8 =	vmul.f32 v8, v4  }
0x174: {  	v22 =	vmul.f32 v10, v4;
	[tilespmem:s12+$0xFFFFFFD0] =	vst v14;
	v23 =	vshll.u32 v15, $0x10  }
0x175: {  	[tilespmem:s23+$0x60] =	vst v8;
	v24 =	vand.u32 $0xFFFF0000, v15;
	v10 =	vmul.f32 v23, v9  }
0x176: {  	s25 =	sadd.s32 $0x100, s17;
	[tilespmem:s23+$0x70] =	vst v22;
	v25 =	vshll.u32 v16, $0x10;
	v8 =	vmul.f32 v24, v9  }
0x177: {  	v26 =	vld [tilespmem:s24+$0x10];
	v27 =	vand.u32 $0xFFFF0000, v16;
	v4 =	vmul.f32 v25, v6;
	[tilespmem:s25+$0xFFFFFF80] =	vst v10  }
0x178: {  	v28 =	vmul.f32 v27, v6;
	[tilespmem:s25+$0xFFFFFF90] =	vst v8  }
0x179: {  	v29 =	vmul.f32 v12, v1;
	[tilespmem:s25+$0x0] =	vst v4;
	v30 =	vld [tilespmem:s26+$0xFFFFFFD0]  }
0x17a: {  	v31 =	vmul.f32 v11, v1;
	v32 =	vshll.u32 v7, $0x10;
	[tilespmem:s25+$0x10] =	vst v28  }
0x17b: {  	[tilespmem:s12+$0x40] =	vst v29;
	v33 =	vand.u32 $0xFFFF0000, v7;
	v34 =	vmul.f32 v32, v3;
	v10 =	vld [tilespmem:s26+$0x10]  }
0x17c: {  	[tilespmem:s12+$0x50] =	vst v31;
	v35 =	vmul.f32 v33, v3;
	v36 =	vshll.u32 v26, $0x10  }
0x17d: {  	v37 =	vld [tilespmem:s14+$0xFFFFFFF0];
	v13 =	vand.u32 $0xFFFF0000, v26;
	[tilespmem:s17+$0xFFFFFFA0] =	vst v34;
	v7 =	vmul.f32 v36, v5  }
0x17e: {  	v38 =	vmul.f32 v13, v5;
	[tilespmem:s17+$0xFFFFFFB0] =	vst v35;
	v39 =	vshll.u32 v30, $0x10  }
0x17f: {  	v40 =	vld [tilespmem:s20+$0xFFFFFFE0];
	[tilespmem:s17+$0x20] =	vst v7;
	v41 =	vand.u32 $0xFFFF0000, v30;
	v4 =	vmul.f32 v39, v9  }
0x180: {  	[tilespmem:s17+$0x30] =	vst v38;
	v42 =	vshll.u32 v10, $0x10;
	v7 =	vmul.f32 v41, v9  }
0x181: {  	v43 =	vld [tilespmem:s20+$0x20];
	v10 =	vand.u32 $0xFFFF0000, v10;
	v44 =	vmul.f32 v42, v6;
	[tilespmem:s25+$0xFFFFFFA0] =	vst v4  }
0x182: {  	v45 =	vand.u32 $0xFFFF0000, v37;
	v46 =	vshll.u32 v37, $0x10;
	v10 =	vmul.f32 v10, v6;
	[tilespmem:s25+$0xFFFFFFB0] =	vst v7  }
0x183: {  	v8 =	vmul.f32 v45, v2;
	v2 =	vmul.f32 v46, v2;
	[tilespmem:s25+$0x20] =	vst v44;
	v47 =	vld [tilespmem:s26+$0xFFFFFFE0]  }
0x184: {  	v49 =	vand.u32 $0xFFFF0000, v40;
	[tilespmem:s25+$0x30] =	vst v10  }
0x185: {  	[tilespmem:s12+$0xFFFFFFE0] =	vst v2;
	v48 =	vshll.u32 v40, $0x10;
	v2 =	vmul.f32 v49, v3;
	v50 =	vld [tilespmem:s26+$0x20]  }
0x186: {  	[tilespmem:s12+$0xFFFFFFF0] =	vst v8;
	v51 =	vshll.u32 v43, $0x10;
	v4 =	vmul.f32 v48, v3  }
0x187: {  	v52 =	vld [tilespmem:s14+$0x30];
	v12 =	vand.u32 $0xFFFF0000, v43;
	v53 =	vmul.f32 v51, v5;
	[tilespmem:s17+$0xFFFFFFD0] =	vst v2  }
0x188: {  	v54 =	vmul.f32 v12, v5;
	[tilespmem:s17+$0xFFFFFFC0] =	vst v4;
	v2 =	vshll.u32 v47, $0x10  }
0x189: {  	[tilespmem:s17+$0x40] =	vst v53;
	v55 =	vld [tilespmem:s20+$0xFFFFFFF0];
	v56 =	vand.u32 $0xFFFF0000, v47;
	v2 =	vmul.f32 v2, v9  }
0x18a: {  	[tilespmem:s17+$0x50] =	vst v54;
	v8 =	vand.u32 $0xFFFF0000, v50;
	v4 =	vmul.f32 v56, v9  }
0x18b: {  	v58 =	vld [tilespmem:s20+$0x30];
	v57 =	vshll.u32 v50, $0x10;
	v8 =	vmul.f32 v8, v6;
	[tilespmem:s25+$0xFFFFFFC0] =	vst v2  }
0x18c: {  	v59 =	vshll.u32 v52, $0x10;
	v2 =	vmul.f32 v57, v6;
	[tilespmem:s25+$0xFFFFFFD0] =	vst v4  }
0x18d: {  	v60 =	vand.u32 $0xFFFF0000, v52;
	v7 =	vmul.f32 v59, v1;
	[tilespmem:s25+$0x50] =	vst v8;
	v61 =	vld [tilespmem:s26+$0xFFFFFFF0]  }
0x18e: {  	v1 =	vmul.f32 v60, v1;
	[tilespmem:s25+$0x40] =	vst v2;
	v2 =	vand.u32 $0xFFFF0000, v55  }
0x18f: {  	[tilespmem:s12+$0x60] =	vst v7;
	v62 =	vshll.u32 v55, $0x10;
	v2 =	vmul.f32 v2, v3;
	v63 =	vld [tilespmem:s26+$0x30]  }
0x190: {  	[tilespmem:s12+$0x70] =	vst v1;
	v1 =	vmul.f32 v62, v3;
	v3 =	vshll.u32 v58, $0x10  }
0x191: {  	v3 =	vmul.f32 v3, v5;
	[tilespmem:s17+$0xFFFFFFF0] =	vst v2;
	v2 =	vand.u32 $0xFFFF0000, v58  }
0x192: {  	[tilespmem:s17+$0xFFFFFFE0] =	vst v1;
	v1 =	vmul.f32 v2, v5;
	v2 =	vand.u32 $0xFFFF0000, v61  }
0x193: {  	s10 =	sadd.s32 $0x1, s10;
	[tilespmem:s17+$0x60] =	vst v3;
	v3 =	vshll.u32 v61, $0x10;
	v2 =	vmul.f32 v2, v9  }
0x194: {  	p0 =	sne.s32 s10, $0x50;
	[tilespmem:s17+$0x70] =	vst v1;
	v1 =	vmul.f32 v3, v9;
	v3 =	vshll.u32 v63, $0x10  }
.Ltmp3:
0x195: {  	[tilespmem:s25+$0xFFFFFFF0] =	vst v2;
	v2 =	vand.u32 $0xFFFF0000, v63;
	v3 =	vmul.f32 v3, v6;
	(pc) =	sbr.rel @p0 .LBB2_4-.Ltmp3, $4  }
0x196: {  	[tilespmem:s25+$0xFFFFFFE0] =	vst v1;
	v1 =	vmul.f32 v2, v6  }
0x197: {  	[tilespmem:s25+$0x60] =	vst v3  }
0x198: {  	s30 =	simm.s32 $0x6A80;
	s26 =	simm.s32 $0x240;
	[tilespmem:s25+$0x70] =	vst v1  }
0x199: {  	[spmem:s2] =	stream.indirect.scatter.add.f32 [tilespmem:s30], [sflag:$0x8], $0x80, s26, s13, $0xb8;
	[tilespmem:$0x1CA80] =	vst v63  }
0x19a: {  	s8 =	simm.s32 $0x7  }
0x19b: {  	_ =	swait.ge [sflag:s8], $0x2000  }
0x19c: {  	[sflag:s8] =	ssyncset.done $0x0  }
0x19d: {  	s10 =	simm.s32 $0x8;
	[sflag:s8] =	ssyncadd.s32 $0xFFFFE000  }
0x19e: {  	_ =	swait.ge [sflag:s10], $0x2000  }
0x19f: {  	[sflag:s10] =	ssyncset.done $0x0  }
0x1a0: {  	[sflag:s10] =	ssyncadd.s32 $0xFFFFE000  }
0x1a1: {  	s12 =	stileid.u32;
	[bflag:$0x0] =	sbarrier.arrive $0xFFFF  }
0x1a2: {  	s8 =	sshll.u32 s12, $0x6;
	s17 =	rddreg [dreg:$0x5]  }
0x1a3: {  	s8 =	sor.u32 $0x1C09, s8;
	s12 =	rddreg [dreg:$0xc];
	s10 =	sshrl.u32 s17, $0x3  }
0x1a4: {  	[hbm:s12], [sflag:s8] =	dma.local [spmem:s10], $0x800  }
0x1a5: {  	_ =	swait.ge [sflag:s0], $0x800  }
0x1a6: {  	[sflag:s0] =	ssyncset.done $0x0;
	s20 =	rddreg [dreg:$0x7]  }
0x1a7: {  	s23 =	rddreg [dreg:$0xd];
	[sflag:s0] =	ssyncadd.s32 $0xFFFFF800;
	s14 =	sshrl.u32 s20, $0x3  }
0x1a8: {  	[hbm:s23], [sflag:s8] =	dma.local [spmem:s14], $0x800  }
0x1a9: {  	_ =	swait.ge [sflag:s0], $0x800  }
0x1aa: {  	[sflag:s0] =	ssyncset.done $0x0;
	s23 =	rddreg [dreg:$0x9]  }
0x1ab: {  	s25 =	rddreg [dreg:$0xe];
	[sflag:s0] =	ssyncadd.s32 $0xFFFFF800;
	s24 =	sshrl.u32 s23, $0x3  }
0x1ac: {  	[hbm:s25], [sflag:s8] =	dma.local [spmem:s24], $0x800  }
0x1ad: {  	_ =	swait.ge [sflag:s0], $0x800  }
0x1ae: {  	[sflag:s0] =	ssyncset.done $0x0;
	s24 =	rddreg [dreg:$0xb]  }
0x1af: {  	s30 =	rddreg [dreg:$0xf];
	[sflag:s0] =	ssyncadd.s32 $0xFFFFF800;
	s26 =	sshrl.u32 s24, $0x3  }
0x1b0: {  	[hbm:s30], [sflag:s8] =	dma.local [spmem:s26], $0x800  }
0x1b1: {  	_ =	swait.ge [sflag:s0], $0x800  }
0x1b2: {  	[sflag:s0] =	ssyncset.done $0x0;
	s25 =	rddreg [dreg:$0x12]  }
0x1b3: {  	s14 =	rddreg [dreg:$0x10];
	[sflag:s0] =	ssyncadd.s32 $0xFFFFF800;
	s12 =	sshrl.u32 s25, $0x3  }
0x1b4: {  	[hbm:s14], [sflag:s8] =	dma.local [spmem:s12], $0x800  }
0x1b5: {  	_ =	swait.ge [sflag:s0], $0x800  }
0x1b6: {  	s26 =	rddreg [dreg:$0x19]  }
0x1b7: {  	s30 =	rddreg [dreg:$0x16];
	s10 =	sadd.s32 $0x1, s26  }
0x1b8: {  	p0 =	sne.s32 s10, s30  }
.Ltmp4:
0x1b9: {  	_ = 	snop;
	(pc) =	sbr.rel @p0 .LBB2_1-.Ltmp4, $3  }
0x1ba: {  	_ =	sdelay $0x1  }
0x1bb: {  	[sflag:s0] =	ssyncset.done $0x0  }
0x1bc: {  	[sflag:s0] =	ssyncadd.s32 $0xFFFFF800  }
0x1bd: {  	_ =	sfence.sel $0x180000  }
0x1be: {  	[bflag:$0x0] =	sbarrier.arrive $0xFFFF  }
0x1bf: {  	_ =	strace $0x9000004A  }
0x1c0: {  	s0 =	stileid.u32;
	[bflag:$0x2] =	sbarrier.arrive $0xFFFF  }
0x1c1: {  	p0 =	sne.s32 s0, $0x0;
	s0 =	rddreg [dreg:$0x3]  }
0x1c2: {  	s0 =	sadd.s32 @!p0 $0x100000, s0  }
0x1c3: {  	[sflag:s0] =	ssyncadd.tile.s32 @!p0 $0x1;
	_ =	shalt  }
.Lfunc_end2:
_tile_overlayer_lowered:
.L_overlay_start_2:
0x1c4: {  	(tag) =	ssettag $0x2  }
0x1c5: {  	s0 =	rddreg [dreg:$0x0];
	s2 =	stileid.u32  }
0x1c6: {  	s1 =	rddreg [dreg:$0x1];
	p0 =	sne.s32 s2, $0x0  }
0x1c7: {  	s3 =	rddreg [dreg:$0x2];
	[bflag:$0x3] =	sbarrier.arrive $0xFFFF;
	s2 =	simm.s32 @!p0 $0x1C09  }
0x1c8: {  	[timem:s3], [sflag:s2] =	dma.local @!p0 [hbm:s0], s1  }
0x1c9: {  	s0 =	simm.s32 @!p0 $0x9  }
0x1ca: {  	_ =	swait.ge @!p0 [sflag:s0], s1  }
0x1cb: {  	s1 =	ssub.s32 @!p0 $0x0, s1;
	[sflag:s0] =	ssyncset.done @!p0 $0x0  }
0x1cc: {  	[sflag:s0] =	ssyncadd.s32 @!p0 s1  }
0x1cd: {  	[bflag:$0x3] =	sbarrier.arrive $0xFFFF  }
0x1ce: {  	_ =	shalt  }

// kernel: kernel.7.cloned.1.call-start
scs
__scs_entry_jumppad:
0x0: {  	(pc) =	sbr.rel $0x88, $3  }
0x1: {  	(tag) =	ssettag $0x0;
	lr =	simm.s32 $0x1  }
0x2: {  	[smem:$0x3F9B] =	sst lr;
	_ =	strace $0xD0000000  }
0x3: {  	_ = 	snop  }
0x4: {  	_ = 	snop  }
0x5: {  	_ = 	snop  }
0x6: {  	_ = 	snop  }
0x7: {  	_ = 	snop  }
__scs_overlays_trampoline_lowered:
0x8: {  	[smem:$0x3FAA] =	sst s0  }
0x9: {  	[smem:$0x3FAB] =	sst s1  }
0xa: {  	[smem:$0x3FAC] =	sst s2  }
0xb: {  	[smem:$0x3FAD] =	sst s3  }
0xc: {  	[smem:$0x3FAE] =	sst s4  }
0xd: {  	[smem:$0x3FAF] =	sst s5  }
0xe: {  	[smem:$0x3FB0] =	sst s6  }
0xf: {  	[smem:$0x3FB1] =	sst s7  }
0x10: {  	[smem:$0x3FB2] =	sst s8  }
0x11: {  	[smem:$0x3FB3] =	sst s9;
	s0 =	simm.s32 @!p0 $0x0  }
0x12: {  	s1 =	sld [smem:$0x3F99];
	s0 =	simm.s32 @p0 $0x1  }
0x13: {  	[smem:$0x3FB4] =	sst s0;
	s0 =	simm.s32 @!p1 $0x0  }
0x14: {  	s2 =	sld [smem:$0x3F98];
	s0 =	simm.s32 @p1 $0x1  }
0x15: {  	[smem:$0x3FB5] =	sst s0;
	s0 =	simm.s32 @!p2 $0x0  }
0x16: {  	s3 =	sld [smem:$0x3FDB];
	s0 =	simm.s32 @p2 $0x1  }
0x17: {  	s4 =	simm.s32 $0x1BF5;
	[smem:$0x3FB7] =	sst s0  }
0x18: {  	s0 =	sld [smem:$0x3F9A];
	_ =	swait.ge [sflag:s4], $0x0  }
0x19: {  	s7 =	sld [smem:$0x3F9B]  }
0x1a: {  	s8 =	sadd.s32 $0xFFFFE003, lr  }
0x1b: {  	s9 =	sadd.s32 $0xFFFFFEF7, lr;
	s5 =	simm.s32 $0xFFFFFFFF;
	p2 =	slt.u32 s8, $0xFFFFF086  }
0x1c: {  	p1 =	slt.u32 s9, $0xF7A;
	s5 =	simm.s32 @!p2 $0x0  }
0x1d: {  	s5 =	simm.s32 @p1 $0x1;
	p0 =	seq.s32 s7, s2  }
0x1e: {  	s7 =	smul.u32 @!p0 $0xF7A, s2;
	p2 =	seq.s32 @!p0 s5, $0x0  }
0x1f: {  	s9 =	smul.u32 $0xF7A, s1;
	s8 =	simm.s32 @!p0 $0x1BF5;
	p2 =	por !p2, p0  }
0x20: {  	[sflag:s8] =	ssyncset.s32 @!p0 $0xFFFFF086;
	s6 =	sadd.s32 @!p0 s3, s7;
	s7 =	simm.s32 @!p0 $0x108  }
0x21: {  	s3 =	sadd.s32 s3, s9;
	s6 =	sadd.s32 @!p0 $0x88, s6;
	s7 =	simm.s32 @p2 $0x1082  }
0x22: {  	[simem:s7], [sflag:s8] =	dma.local @!p0 [hbm:s6], $0xF7A  }
0x23: {  	s9 =	sor.u32 $0xD0000000, s2;
	s6 =	simm.s32 $0x108;
	_ =	swait.ge @!p0 [sflag:s8], $0x0  }
0x24: {  	s3 =	sadd.s32 $0x88, s3;
	s6 =	simm.s32 @!p1 $0x1082;
	[sflag:s4] =	ssyncset.s32 $0xFFFFF086  }
0x25: {  	[simem:s6], [sflag:s4] =	dma.local [hbm:s3], $0xF7A  }
0x26: {  	[smem:$0x3F9B] =	sst s1;
	(tag) =	ssettag s2;
	_ =	strace s9  }
0x27: {  	s1 =	sld [smem:$0x3FAB]  }
0x28: {  	s2 =	sld [smem:$0x3FAC]  }
0x29: {  	s4 =	sld [smem:$0x3FAE]  }
0x2a: {  	p0 =	seq.s32 s5, $0x0;
	s5 =	sld [smem:$0x3FAF]  }
0x2b: {  	s6 =	sld [smem:$0x3FB0]  }
0x2c: {  	s7 =	sld [smem:$0x3FB1]  }
0x2d: {  	s3 =	simm.s32 $0x108;
	s8 =	sld [smem:$0x3FB2]  }
0x2e: {  	s3 =	simm.s32 @!p0 $0x1082;
	s9 =	sld [smem:$0x3FB3]  }
0x2f: {  	lr =	sadd.s32 s0, s3;
	s0 =	sld [smem:$0x3FAA]  }
0x30: {  	s3 =	sld [smem:$0x3FAD]  }
0x31: {  	[smem:$0x3FB6] =	sst s10  }
0x32: {  	s10 =	sld [smem:$0x3FB4];
	_ =	sdelay $0x3  }
0x33: {  	p0 =	seq.s32 s10, $0x1;
	s10 =	sld [smem:$0x3FB6];
	_ =	sdelay $0x3  }
0x34: {  	[smem:$0x3FB6] =	sst s10  }
0x35: {  	s10 =	sld [smem:$0x3FB5];
	_ =	sdelay $0x3  }
0x36: {  	p1 =	seq.s32 s10, $0x1;
	s10 =	sld [smem:$0x3FB6];
	_ =	sdelay $0x3  }
0x37: {  	[smem:$0x3FB6] =	sst s10  }
0x38: {  	s10 =	sld [smem:$0x3FB7]  }
0x39: {  	_ = 	snop;
	(pc) =	sbr.ind lr, $3  }
0x3a: {  	_ = 	snop  }
0x3b: {  	_ = 	snop  }
0x3c: {  	p2 =	seq.s32 s10, $0x1;
	s10 =	sld [smem:$0x3FB6]  }
0x3d: {  	_ =	shalt  }
0x3e: {  	_ =	shalt  }
0x3f: {  	_ =	shalt  }
0x40: {  	_ =	shalt  }
0x41: {  	_ =	shalt  }
0x42: {  	_ =	shalt  }
0x43: {  	_ =	shalt  }
0x44: {  	_ =	shalt  }
0x45: {  	_ =	shalt  }
0x46: {  	_ =	shalt  }
0x47: {  	_ =	shalt  }
0x48: {  	_ =	shalt  }
0x49: {  	_ =	shalt  }
0x4a: {  	_ =	shalt  }
0x4b: {  	_ =	shalt  }
0x4c: {  	_ =	shalt  }
0x4d: {  	_ =	shalt  }
0x4e: {  	_ =	shalt  }
0x4f: {  	_ =	shalt  }
0x50: {  	_ =	shalt  }
0x51: {  	_ =	shalt  }
0x52: {  	_ =	shalt  }
0x53: {  	_ =	shalt  }
0x54: {  	_ =	shalt  }
0x55: {  	_ =	shalt  }
0x56: {  	_ =	shalt  }
0x57: {  	_ =	shalt  }
0x58: {  	_ =	shalt  }
0x59: {  	_ =	shalt  }
0x5a: {  	_ =	shalt  }
0x5b: {  	_ =	shalt  }
0x5c: {  	_ =	shalt  }
0x5d: {  	_ =	shalt  }
0x5e: {  	_ =	shalt  }
0x5f: {  	_ =	shalt  }
0x60: {  	_ =	shalt  }
0x61: {  	_ =	shalt  }
0x62: {  	_ =	shalt  }
0x63: {  	_ =	shalt  }
0x64: {  	_ =	shalt  }
0x65: {  	_ =	shalt  }
0x66: {  	_ =	shalt  }
0x67: {  	_ =	shalt  }
0x68: {  	_ =	shalt  }
0x69: {  	_ =	shalt  }
0x6a: {  	_ =	shalt  }
0x6b: {  	_ =	shalt  }
0x6c: {  	_ =	shalt  }
0x6d: {  	_ =	shalt  }
0x6e: {  	_ =	shalt  }
0x6f: {  	_ =	shalt  }
0x70: {  	_ =	shalt  }
0x71: {  	_ =	shalt  }
0x72: {  	_ =	shalt  }
0x73: {  	_ =	shalt  }
0x74: {  	_ =	shalt  }
0x75: {  	_ =	shalt  }
0x76: {  	_ =	shalt  }
0x77: {  	_ =	shalt  }
0x78: {  	_ =	shalt  }
0x79: {  	_ =	shalt  }
0x7a: {  	_ =	shalt  }
0x7b: {  	_ =	shalt  }
0x7c: {  	_ =	shalt  }
0x7d: {  	_ =	shalt  }
0x7e: {  	_ =	shalt  }
0x7f: {  	_ =	shalt  }
0x80: {  	_ =	shalt  }
0x81: {  	_ =	shalt  }
0x82: {  	_ =	shalt  }
0x83: {  	_ =	shalt  }
0x84: {  	_ =	shalt  }
0x85: {  	_ =	shalt  }
0x86: {  	_ =	shalt  }
0x87: {  	_ =	shalt  }
.Lfunc_end0:
.L_simem_size_0:
called_computation_lowered:
.L_overlay_start_0:
0x88: {  	s2 =	sld [smem:$0x3FD9]  }
0x89: {  	s3 =	sld [smem:$0x3FFE];
	_ =	sdelay $0x1  }
0x8a: {  	s1 =	srdreg.scid  }
0x8b: {  	s0 =	sand.u32 $0x1, s1  }
0x8c: {  	s16 =	sshll.u32 s0, $0xA;
	s2 =	sadd.s32 s3, s2  }
0x8d: {  	s2 =	sadd.s32 s2, s16  }
0x8e: {  	[smem:$0x3FC2] =	sst s2  }
0x8f: {  	_ = 	snop  }
0x90: {  	(tm) =	ssettm $0x1  }
0x91: {  	s17 =	sld [smem:$0x3FFB];
	_ =	sdelay $0x3  }
0x92: {  	_ =	strace s17  }
0x93: {  	s2 =	sld [smem:$0x3FFC];
	_ =	sdelay $0x3  }
0x94: {  	_ =	strace s2  }
0x95: {  	s2 =	sld [smem:$0x3FFD];
	_ =	sdelay $0x3  }
0x96: {  	_ =	strace s2  }
0x97: {  	_ =	strace $0x8FFFFFFF  }
0x98: {  	s18 =	sld [smem:$0x3FDB];
	_ =	sdelay $0x1  }
0x99: {  	s19 =	simm.s32 $_scs_section_size  }
0x9a: {  	s4 =	simm.s32 $_size__tile_overlayer_lowered;
	s5 =	simm.s32 $_tile_overlayer_lowered  }
0x9b: {  	s22 =	simm.s32 $0x1BFF;
	s21 =	sshll.u32 s5, $0x1;
	s2 =	sadd.s32 s19, s18  }
0x9c: {  	s6 =	simm.s32 $0x0;
	s20 =	sshll.u32 s4, $0x1;
	s4 =	sadd.s32 s21, s2  }
0x9d: {  	[timem:s6], [sflag:s22] =	dma.local [hbm:s4], s20  }
0x9e: {  	_ =	swait.ge [sflag:s22], s20  }
0x9f: {  	s3 =	ssub.s32 $0x0, s20;
	[sflag:s22] =	ssyncset.done $0x0  }
0xa0: {  	[sflag:s22] =	ssyncadd.s32 s3;
	_ =	sdelay $0x1  }
0xa1: {  	s23 =	simm.s32 $0x1B8B  }
0xa2: {  	_ =	swait.ge [sflag:s23], $0x1  }
0xa3: {  	[sflag:s23] =	ssyncset.done $0x0  }
0xa4: {  	s25 =	simm.s32 $0x1B8E;
	s24 =	sld [smem:$0x3FFE];
	[sflag:s23] =	ssyncadd.s32 $0xFFFFFFFF  }
0xa5: {  	s26 =	simm.s32 $execute0_lowered;
	[smem:$0x3FD2] =	sst s25  }
0xa6: {  	s4 =	sshll.u32 s26, $0x1;
	_ =	strace $0x80000046;
	[dreg:$0x1] =	wrdreg $0xFFFFFFFF  }
0xa7: {  	s28 =	simm.s32 $_size_execute0_lowered;
	s2 =	sadd.s32 s2, s4;
	[dreg:$0x0] =	wrdreg $0x0  }
0xa8: {  	s4 =	sshll.u32 s28, $0x1;
	[dreg:$0x2] =	wrdreg s2  }
0xa9: {  	[dreg:$0x3] =	wrdreg s4  }
0xaa: {  	[dreg:$0x4] =	wrdreg $0xC0  }
0xab: {  	_ =	task [dreg:s6], $0x5FFFF  }
0xac: {  	[dreg:$0x1] =	wrdreg $0xFFFFFFFF  }
0xad: {  	[dreg:$0x0] =	wrdreg $0x60  }
0xae: {  	[dreg:$0x2] =	wrdreg s24  }
0xaf: {  	[dreg:$0x3] =	wrdreg $0xCA800  }
0xb0: {  	[dreg:$0x4] =	wrdreg $0x9  }
0xb1: {  	_ =	task.clear_ibuf [dreg:s6], $0x5FFFF;
	_ =	strace $0x90000046  }
0xb2: {  	s29 =	simm.s32 $0x9;
	_ =	strace $0x80000048  }
0xb3: {  	_ =	swait.ge [sflag:s29], $0x1  }
0xb4: {  	[sflag:s29] =	ssyncadd.s32 $0xFFFFFFFF  }
0xb5: {  	_ =	strace $0x90000048  }
0xb6: {  	_ =	sfence  }
0xb7: {  	s30 =	sld [smem:$0x0];
	_ =	sdelay $0x2  }
0xb8: {  	s31 =	sshll.u32 s1, $0xD;
	s1 =	sshrl.u32 s1, $0x2  }
0xb9: {  	s3 =	sand.u32 $0x4000, s31;
	s1 =	sadd.s32 s1, s30  }
0xba: {  	s0 =	sor.u32 s3, s0;
	s1 =	sshll.u32 s1, $0x11  }
0xbb: {  	s0 =	sor.u32 s1, s0  }
0xbc: {  	s0 =	sadd.s32 $0x8F2B, s0  }
0xbd: {  	[sflag:s0] =	ssyncadd.remote.s32 $0x1  }
0xbe: {  	_ =	sfence.sel $0xFFFF  }
0xbf: {  	[dreg:$0x0] =	wrdreg $0xFFFFFFFF;
	(pc) =	sbr.abs _section_cstart, $3  }
0xc0: {  	[dreg:$0x1] =	wrdreg $0xFFFFFFFF  }
0xc1: {  	_ =	task.clear_ibuf [dreg:s6], $0x2FFFF;
	_ =	strace $0x9FFFFFFF  }
0xc2: {  	(tm) =	ssettm $0x7FFFFFFF  }
0xc3: {  	_ =	shalt  }
tec
execute0_lowered:
.L_overlay_start_1:
0x0: {  	(tag) =	ssettag $0x1  }
0x1: {  	s5 =	rddreg [dreg:$0x0]  }
0x2: {  	s2 =	rddreg [dreg:$0x1]  }
0x3: {  	s0 =	rddreg [dreg:$0x2];
	s3 =	simm.s32 $0x0;
	s4 =	srdreg.scid  }
0x4: {  	s1 =	stileid.u32;
	s16 =	simm.s32 $0xC800;
	s17 =	simm.s32 $0x80  }
0x5: {  	s18 =	simm.s32 $0xA000;
	s20 =	simm.s32 $0x0;
	s6 =	sand.u32 $0x1, s4  }
0x6: {  	s31 =	sshll.u32 s1, $0x1;
	s8 =	smul.u32 $0x280, s1;
	[smem:$0x7FF] =	sst s3  }
0x7: {  	s15 =	smul.u32 $0x5000, s1;
	s19 =	sshll.u32 s1, $0x6;
	s4 =	sor.u32 s6, s31  }
0x8: {  	s12 =	smul.u32 $0x2800, s6;
	_ =	strace $0x80000047;
	s6 =	ssub.s32 $0x2, s6  }
0x9: {  	s19 =	sor.u32 $0x1C01, s19;
	s7 =	smul.u32 $0x2800, s4;
	s10 =	sshrl.u32 s6, $0x1  }
0xa: {  	s4 =	sadd.s32 $0x15600, s5;
	s9 =	sadd.s32 s8, s12;
	s14 =	ssub.s32 s6, s10  }
0xb: {  	s8 =	sadd.s32 s8, s2;
	s12 =	sadd.s32 s12, s15;
	s7 =	sshrl.u32 s7, $0x3  }
0xc: {  	s15 =	simm.s32 $0x5000;
	s9 =	sshrl.u32 s9, $0x3;
	s11 =	sadd.s32 s7, s5  }
0xd: {  	s13 =	sadd.s32 s9, s5;
	s5 =	sadd.s32 $0x15B00, s5;
	s6 =	sadd.s32 $0x1600, s11  }
0xe: {  	s7 =	sadd.s32 $0xB600, s11;
	s9 =	sadd.s32 $0x16A00, s11;
	s10 =	sadd.s32 $0x16000, s13  }
0xf: {  	v0 =	vimm.f32 $0.0e+00;
	s11 =	smax.u32 s14, $0x1;
	s13 =	simm.s32 $0x1;
	s14 =	simm.s32 $0x2800  }
.LBB2_1:
0x10: {  	[tilespmem:s3], [sflag:$0x1] =	stream.linear.gather [hbm4b:s4+s3], $0x2800, $0x38;
	[tilespmem:$0xCD00] =	vst v63  }
0x11: {  	_ =	swait.ge [sflag:s13], $0x2800  }
0x12: {  	[sflag:s13] =	ssyncset.done $0x0  }
0x13: {  	[sflag:s13] =	ssyncadd.s32 $0xFFFFD800  }
0x14: {  	[tilespmem:s14], [sflag:$0x1] =	stream.linear.gather [hbm4b:s5+s3], $0x2800, $0x38;
	[tilespmem:$0xCD00] =	vst v63  }
0x15: {  	_ =	swait.ge [sflag:s13], $0x2800  }
0x16: {  	[sflag:s13] =	ssyncset.done $0x0  }
0x17: {  	[sflag:s13] =	ssyncadd.s32 $0xFFFFD800  }
0x18: {  	[tilespmem:s15], [sflag:$0x1] =	stream.linear.gather [hbm4b:s6+s3], $0x2800, $0x38;
	[tilespmem:$0xCD00] =	vst v63  }
0x19: {  	_ =	swait.ge [sflag:s13], $0x2800  }
0x1a: {  	[sflag:s13] =	ssyncset.done $0x0  }
0x1b: {  	s21 =	simm.s32 $0x7800;
	[sflag:s13] =	ssyncadd.s32 $0xFFFFD800  }
0x1c: {  	[tilespmem:s21], [sflag:$0x1] =	stream.linear.gather [hbm4b:s7+s3], $0x2800, $0x38;
	[tilespmem:$0xCD00] =	vst v63  }
0x1d: {  	_ =	swait.ge [sflag:s13], $0x2800  }
0x1e: {  	[sflag:s13] =	ssyncset.done $0x0  }
0x1f: {  	[sflag:s13] =	ssyncadd.s32 $0xFFFFD800  }
0x20: {  	[tilespmem:$0xC800] =	vst v0  }
0x21: {  	[tilespmem:$0xC810] =	vst v0  }
0x22: {  	[tilespmem:$0xC820] =	vst v0  }
0x23: {  	[tilespmem:$0xC830] =	vst v0  }
0x24: {  	[tilespmem:$0xC840] =	vst v0  }
0x25: {  	[tilespmem:$0xC850] =	vst v0  }
0x26: {  	[tilespmem:$0xC860] =	vst v0  }
0x27: {  	[tilespmem:$0xC870] =	vst v0  }
0x28: {  	[tilespmem:$0xC880] =	vst v0  }
0x29: {  	[tilespmem:$0xC890] =	vst v0  }
0x2a: {  	[tilespmem:$0xC8A0] =	vst v0  }
0x2b: {  	[tilespmem:$0xC8B0] =	vst v0  }
0x2c: {  	[tilespmem:$0xC8C0] =	vst v0  }
0x2d: {  	[tilespmem:$0xC8D0] =	vst v0  }
0x2e: {  	[tilespmem:$0xC8E0] =	vst v0  }
0x2f: {  	[tilespmem:$0xC8F0] =	vst v0  }
0x30: {  	[tilespmem:$0xC900] =	vst v0  }
0x31: {  	[tilespmem:$0xC910] =	vst v0  }
0x32: {  	[tilespmem:$0xC920] =	vst v0  }
0x33: {  	[tilespmem:$0xC930] =	vst v0  }
0x34: {  	[tilespmem:$0xC940] =	vst v0  }
0x35: {  	[tilespmem:$0xC950] =	vst v0  }
0x36: {  	[tilespmem:$0xC960] =	vst v0  }
0x37: {  	[tilespmem:$0xC970] =	vst v0  }
0x38: {  	[tilespmem:$0xC980] =	vst v0  }
0x39: {  	[tilespmem:$0xC990] =	vst v0  }
0x3a: {  	[tilespmem:$0xC9A0] =	vst v0  }
0x3b: {  	[tilespmem:$0xC9B0] =	vst v0  }
0x3c: {  	[tilespmem:$0xC9C0] =	vst v0  }
0x3d: {  	[tilespmem:$0xC9D0] =	vst v0  }
0x3e: {  	[tilespmem:$0xC9E0] =	vst v0  }
0x3f: {  	[tilespmem:$0xC9F0] =	vst v0  }
0x40: {  	[tilespmem:$0xCA00] =	vst v0  }
0x41: {  	[tilespmem:$0xCA10] =	vst v0  }
0x42: {  	[tilespmem:$0xCA20] =	vst v0  }
0x43: {  	[tilespmem:$0xCA30] =	vst v0  }
0x44: {  	[tilespmem:$0xCA40] =	vst v0  }
0x45: {  	[tilespmem:$0xCA50] =	vst v0  }
0x46: {  	[tilespmem:$0xCA60] =	vst v0  }
0x47: {  	[tilespmem:$0xCA70] =	vst v0  }
0x48: {  	[spmem:s8] =	stream.linear.scatter [tilespmem:s16], [sflag:$0x1], $0x280, $0x38;
	[tilespmem:$0xCD00] =	vst v63  }
0x49: {  	_ =	swait.ge [sflag:s13], $0x280  }
0x4a: {  	[sflag:s13] =	ssyncset.done $0x0  }
0x4b: {  	s22 =	simm.s32 $0x5040;
	[sflag:s13] =	ssyncadd.s32 $0xFFFFFD80  }
0x4c: {  	s23 =	simm.s32 $0xA000;
	s24 =	simm.s32 $0x0;
	[bflag:$0x0] =	sbarrier.arrive $0xFFFF  }
.LBB2_2:
0x4d: {  	v1 =	vld [tilespmem:s22+$0xFFFFFFC0]  }
0x4e: {  	v2 =	vld [tilespmem:s21+$0x0];
	_ =	sdelay $0x6  }
0x4f: {  	v1 =	vld.idx.msk [tilespmem:v1+s3+$0x0], $0xffff  }
0x50: {  	v2 =	vld.idx.msk [tilespmem:v2+s14+$0x0], $0xffff;
	_ =	sdelay $0x4  }
0x51: {  	v1 =	vadd.f32 v2, v1;
	_ =	sdelay $0x1  }
0x52: {  	v2 =	vmul.f32 $9.999999770e-03, v1  }
0x53: {  	vm0 =	vge.f32 v1, $0.0e+00  }
0x54: {  	v1 =	vsel vm0, v1, v2  }
0x55: {  	v1 =	vmul.f32 $1.442695020e+00, v1;
	_ =	sdelay $0x1  }
0x56: {  	(erf) = vpow2.f32 v1;
	_ =	sdelay $0x7  }
0x57: {  	s25 =	sadd.s32 s24, s12  }
0x58: {  	p0 =	slt.u32 s25, $0x4E200;
	v1 =	vpop (erf)  }
0x59: {  	v1 =	vpsel !p0, $0x0, v1  }
0x5a: {  	[tilespmem:s23+$0x0] =	vst v1  }
0x5b: {  	v1 =	vld [tilespmem:s22+$0xFFFFFFD0]  }
0x5c: {  	v2 =	vld [tilespmem:s21+$0x10];
	_ =	sdelay $0x6  }
0x5d: {  	v1 =	vld.idx.msk [tilespmem:v1+s3+$0x0], $0xffff  }
0x5e: {  	v2 =	vld.idx.msk [tilespmem:v2+s14+$0x0], $0xffff;
	_ =	sdelay $0x4  }
0x5f: {  	v1 =	vadd.f32 v2, v1;
	_ =	sdelay $0x1  }
0x60: {  	v2 =	vmul.f32 $9.999999770e-03, v1  }
0x61: {  	vm9 =	vge.f32 v1, $0.0e+00  }
0x62: {  	v1 =	vsel vm9, v1, v2  }
0x63: {  	v1 =	vmul.f32 $1.442695020e+00, v1;
	_ =	sdelay $0x1  }
0x64: {  	(erf) = vpow2.f32 v1;
	_ =	sdelay $0x7  }
0x65: {  	s26 =	sadd.s32 $0x10, s25  }
0x66: {  	p6 =	slt.u32 s26, $0x4E200;
	v1 =	vpop (erf)  }
0x67: {  	v1 =	vpsel !p6, $0x0, v1  }
0x68: {  	[tilespmem:s23+$0x10] =	vst v1  }
0x69: {  	v1 =	vld [tilespmem:s22+$0xFFFFFFE0]  }
0x6a: {  	v2 =	vld [tilespmem:s21+$0x20];
	_ =	sdelay $0x6  }
0x6b: {  	v1 =	vld.idx.msk [tilespmem:v1+s3+$0x0], $0xffff  }
0x6c: {  	v2 =	vld.idx.msk [tilespmem:v2+s14+$0x0], $0xffff;
	_ =	sdelay $0x4  }
0x6d: {  	v1 =	vadd.f32 v2, v1;
	_ =	sdelay $0x1  }
0x6e: {  	v2 =	vmul.f32 $9.999999770e-03, v1  }
0x6f: {  	vm10 =	vge.f32 v1, $0.0e+00  }
0x70: {  	v1 =	vsel vm10, v1, v2  }
0x71: {  	v1 =	vmul.f32 $1.442695020e+00, v1;
	_ =	sdelay $0x1  }
0x72: {  	(erf) = vpow2.f32 v1;
	_ =	sdelay $0x7  }
0x73: {  	s31 =	sadd.s32 $0x20, s25  }
0x74: {  	p1 =	slt.u32 s31, $0x4E200;
	v1 =	vpop (erf)  }
0x75: {  	v1 =	vpsel !p1, $0x0, v1  }
0x76: {  	[tilespmem:s23+$0x20] =	vst v1  }
0x77: {  	v1 =	vld [tilespmem:s22+$0xFFFFFFF0]  }
0x78: {  	v2 =	vld [tilespmem:s21+$0x30];
	_ =	sdelay $0x6  }
0x79: {  	v1 =	vld.idx.msk [tilespmem:v1+s3+$0x0], $0xffff  }
0x7a: {  	v2 =	vld.idx.msk [tilespmem:v2+s14+$0x0], $0xffff;
	_ =	sdelay $0x4  }
0x7b: {  	v1 =	vadd.f32 v2, v1;
	_ =	sdelay $0x1  }
0x7c: {  	v2 =	vmul.f32 $9.999999770e-03, v1  }
0x7d: {  	vm11 =	vge.f32 v1, $0.0e+00  }
0x7e: {  	v1 =	vsel vm11, v1, v2  }
0x7f: {  	v1 =	vmul.f32 $1.442695020e+00, v1;
	_ =	sdelay $0x1  }
0x80: {  	(erf) = vpow2.f32 v1;
	_ =	sdelay $0x7  }
0x81: {  	s28 =	sadd.s32 $0x30, s25  }
0x82: {  	p2 =	slt.u32 s28, $0x4E200;
	v1 =	vpop (erf)  }
0x83: {  	v1 =	vpsel !p2, $0x0, v1  }
0x84: {  	[tilespmem:s23+$0x30] =	vst v1  }
0x85: {  	v1 =	vld [tilespmem:s22+$0x0]  }
0x86: {  	v2 =	vld [tilespmem:s21+$0x40];
	_ =	sdelay $0x6  }
0x87: {  	v1 =	vld.idx.msk [tilespmem:v1+s3+$0x0], $0xffff  }
0x88: {  	v2 =	vld.idx.msk [tilespmem:v2+s14+$0x0], $0xffff;
	_ =	sdelay $0x4  }
0x89: {  	v1 =	vadd.f32 v2, v1;
	_ =	sdelay $0x1  }
0x8a: {  	v2 =	vmul.f32 $9.999999770e-03, v1  }
0x8b: {  	vm12 =	vge.f32 v1, $0.0e+00  }
0x8c: {  	v1 =	vsel vm12, v1, v2  }
0x8d: {  	v1 =	vmul.f32 $1.442695020e+00, v1;
	_ =	sdelay $0x1  }
0x8e: {  	(erf) = vpow2.f32 v1;
	_ =	sdelay $0x7  }
0x8f: {  	s29 =	sadd.s32 $0x40, s25  }
0x90: {  	p3 =	slt.u32 s29, $0x4E200;
	v1 =	vpop (erf)  }
0x91: {  	v1 =	vpsel !p3, $0x0, v1  }
0x92: {  	[tilespmem:s23+$0x40] =	vst v1  }
0x93: {  	v1 =	vld [tilespmem:s22+$0x10]  }
0x94: {  	v2 =	vld [tilespmem:s21+$0x50];
	_ =	sdelay $0x6  }
0x95: {  	v1 =	vld.idx.msk [tilespmem:v1+s3+$0x0], $0xffff  }
0x96: {  	v2 =	vld.idx.msk [tilespmem:v2+s14+$0x0], $0xffff;
	_ =	sdelay $0x4  }
0x97: {  	v1 =	vadd.f32 v2, v1;
	_ =	sdelay $0x1  }
0x98: {  	v2 =	vmul.f32 $9.999999770e-03, v1  }
0x99: {  	vm13 =	vge.f32 v1, $0.0e+00  }
0x9a: {  	v1 =	vsel vm13, v1, v2  }
0x9b: {  	v1 =	vmul.f32 $1.442695020e+00, v1;
	_ =	sdelay $0x1  }
0x9c: {  	(erf) = vpow2.f32 v1;
	_ =	sdelay $0x7  }
0x9d: {  	s30 =	sadd.s32 $0x50, s25  }
0x9e: {  	p4 =	slt.u32 s30, $0x4E200;
	v1 =	vpop (erf)  }
0x9f: {  	v1 =	vpsel !p4, $0x0, v1  }
0xa0: {  	[tilespmem:s23+$0x50] =	vst v1  }
0xa1: {  	v1 =	vld [tilespmem:s22+$0x20]  }
0xa2: {  	v2 =	vld [tilespmem:s21+$0x60];
	_ =	sdelay $0x6  }
0xa3: {  	v1 =	vld.idx.msk [tilespmem:v1+s3+$0x0], $0xffff  }
0xa4: {  	v2 =	vld.idx.msk [tilespmem:v2+s14+$0x0], $0xffff;
	_ =	sdelay $0x4  }
0xa5: {  	v1 =	vadd.f32 v2, v1;
	_ =	sdelay $0x1  }
0xa6: {  	v2 =	vmul.f32 $9.999999770e-03, v1  }
0xa7: {  	vm14 =	vge.f32 v1, $0.0e+00  }
0xa8: {  	v1 =	vsel vm14, v1, v2  }
0xa9: {  	v1 =	vmul.f32 $1.442695020e+00, v1;
	_ =	sdelay $0x1  }
0xaa: {  	(erf) = vpow2.f32 v1;
	_ =	sdelay $0x7  }
0xab: {  	s31 =	sadd.s32 $0x60, s25  }
0xac: {  	p5 =	slt.u32 s31, $0x4E200;
	v1 =	vpop (erf)  }
0xad: {  	v1 =	vpsel !p5, $0x0, v1  }
0xae: {  	[tilespmem:s23+$0x60] =	vst v1  }
0xaf: {  	v1 =	vld [tilespmem:s22+$0x30]  }
0xb0: {  	v2 =	vld [tilespmem:s21+$0x70];
	_ =	sdelay $0x6  }
0xb1: {  	v1 =	vld.idx.msk [tilespmem:v1+s3+$0x0], $0xffff  }
0xb2: {  	v2 =	vld.idx.msk [tilespmem:v2+s14+$0x0], $0xffff;
	_ =	sdelay $0x4  }
0xb3: {  	v1 =	vadd.f32 v2, v1;
	_ =	sdelay $0x1  }
0xb4: {  	v2 =	vmul.f32 $9.999999770e-03, v1  }
0xb5: {  	vm15 =	vge.f32 v1, $0.0e+00  }
0xb6: {  	v1 =	vsel vm15, v1, v2  }
0xb7: {  	v1 =	vmul.f32 $1.442695020e+00, v1;
	_ =	sdelay $0x1  }
0xb8: {  	(erf) = vpow2.f32 v1;
	_ =	sdelay $0x7  }
0xb9: {  	s25 =	sadd.s32 $0x70, s25  }
0xba: {  	p6 =	slt.u32 s25, $0x4E200;
	v1 =	vpop (erf)  }
0xbb: {  	p0 =	sne.s32 s24, $0x2780;
	v1 =	vpsel !p6, $0x0, v1  }
.Ltmp0:
0xbc: {  	[tilespmem:s23+$0x70] =	vst v1;
	(pc) =	sbr.rel @p0 .LBB2_2-.Ltmp0, $4  }
0xbd: {  	[spmem:s2] =	stream.indirect.scatter.add.f32 [tilespmem:s23], [sflag:$0x1], $0x1, s21, s17, $0xb8;
	[tilespmem:$0xCD00] =	vst v63  }
0xbe: {  	_ =	swait.ge [sflag:s13], $0x80  }
0xbf: {  	s24 =	sadd.s32 $0x80, s24;
	s22 =	sadd.s32 $0x80, s22;
	[sflag:s13] =	ssyncset.done $0x0  }
0xc0: {  	s21 =	sadd.s32 $0x80, s21;
	s23 =	sadd.s32 $0x80, s23;
	[sflag:s13] =	ssyncadd.s32 $0xFFFFFF80  }
0xc1: {  	[bflag:$0x0] =	sbarrier.arrive $0xFFFF  }
0xc2: {  	[hbm4b:s9+s3] =	stream.linear.scatter [tilespmem:s18], [sflag:$0x1], $0x2800, $0x38;
	[tilespmem:$0xCD00] =	vst v63  }
0xc3: {  	s20 =	sadd.s32 $0x1, s20;
	_ =	swait.ge [sflag:s13], $0x2800  }
0xc4: {  	p0 =	sne.s32 s20, s11;
	[sflag:s13] =	ssyncset.done $0x0  }
.Ltmp1:
0xc5: {  	s21 =	sshrl.u32 s8, $0x3;
	[sflag:s13] =	ssyncadd.s32 $0xFFFFD800;
	(pc) =	sbr.rel @p0 .LBB2_1-.Ltmp1, $4  }
0xc6: {  	[hbm:s10], [sflag:s19] =	dma.local [spmem:s21], $0x50  }
0xc7: {  	_ =	swait.ge [sflag:s13], $0x50  }
0xc8: {  	[sflag:s13] =	ssyncset.done $0x0  }
0xc9: {  	[sflag:s13] =	ssyncadd.s32 $0xFFFFFFB0  }
0xca: {  	_ =	sfence.sel $0x180000  }
0xcb: {  	[bflag:$0x0] =	sbarrier.arrive $0xFFFF  }
0xcc: {  	p0 =	sne.s32 s1, $0x0;
	_ =	strace $0x90000047  }
0xcd: {  	s0 =	sadd.s32 @!p0 $0x100000, s0;
	[bflag:$0x2] =	sbarrier.arrive $0xFFFF  }
0xce: {  	[sflag:s0] =	ssyncadd.tile.s32 @!p0 $0x1;
	_ =	shalt  }
.Lfunc_end2:
_tile_overlayer_lowered:
.L_overlay_start_2:
0xcf: {  	(tag) =	ssettag $0x2  }
0xd0: {  	s0 =	rddreg [dreg:$0x0];
	s2 =	stileid.u32  }
0xd1: {  	s1 =	rddreg [dreg:$0x1];
	p0 =	sne.s32 s2, $0x0  }
0xd2: {  	s3 =	rddreg [dreg:$0x2];
	[bflag:$0x3] =	sbarrier.arrive $0xFFFF;
	s2 =	simm.s32 @!p0 $0x1C01  }
0xd3: {  	[timem:s3], [sflag:s2] =	dma.local @!p0 [hbm:s0], s1  }
0xd4: {  	s0 =	simm.s32 @!p0 $0x1  }
0xd5: {  	_ =	swait.ge @!p0 [sflag:s0], s1  }
0xd6: {  	s1 =	ssub.s32 @!p0 $0x0, s1;
	[sflag:s0] =	ssyncset.done @!p0 $0x0  }
0xd7: {  	[sflag:s0] =	ssyncadd.s32 @!p0 s1  }
0xd8: {  	[bflag:$0x3] =	sbarrier.arrive $0xFFFF  }
0xd9: {  	_ =	shalt  }

</sc_bundles>
